<compile_context>
chip_gen: v7x
topology: tpu7x:2x2x1
jax: 0.10.2.dev20260603
libtpu: 0.0.44.dev20260713+nightly
codegen_flags: <defaults>
</compile_context>

<pallas_src>
import functools

import jax
import jax.numpy as jnp
from jax import lax
from jax.experimental import pallas as pl
from jax.experimental.pallas import tpu as pltpu
from jax.experimental.pallas import tpu_sc as plsc


def kernel(seq, token_table, pos_table):
    b, length = seq.shape
    _, depth = token_table.shape

    info = plsc.get_sparse_core_info()
    num_cores = info.num_cores
    num_workers = info.num_cores * info.num_subcores
    seqs_per_w = b // num_workers
    nseq = 4
    chunk = nseq * length
    n_chunks = seqs_per_w // nseq
    g0 = 104
    pieces = tuple((s, off, ln)
                   for s in range(nseq)
                   for off, ln in ((0, g0), (g0, length - g0)))

    mesh = plsc.VectorSubcoreMesh(core_axis_name="c", subcore_axis_name="s")

    @functools.partial(
        pl.kernel,
        out_type=jax.ShapeDtypeStruct((b, length, depth), jnp.float32),
        mesh=mesh,
        scratch_types=[
            pltpu.VMEM((nseq, length), jnp.int32),
            pltpu.VMEM((nseq, length), jnp.int32),
            pltpu.VMEM((chunk, depth), jnp.float32),
            pltpu.VMEM((chunk, depth), jnp.float32),
            pltpu.VMEM((length, depth), jnp.float32),
            pltpu.SemaphoreType.DMA,
            pltpu.SemaphoreType.DMA,
            pltpu.SemaphoreType.DMA,
            pltpu.SemaphoreType.DMA,
        ],
        compiler_params=pltpu.CompilerParams(use_tc_tiling_on_sc=False),
    )
    def body(seq_hbm, tok_hbm, pos_hbm, out_hbm,
             idx0, idx1, rows0, rows1, pos_v, sem0, sem1, osem0, osem1):
        wid = lax.axis_index("s") * num_cores + lax.axis_index("c")
        w0 = wid * seqs_per_w
        pltpu.sync_copy(pos_hbm, pos_v)

        def fire(c, idx_v, rows_v, sem):
            b0 = pl.multiple_of(w0 + c * nseq, nseq)
            pltpu.sync_copy(seq_hbm.at[pl.ds(b0, nseq)], idx_v)
            for s, off, ln in pieces:
                pltpu.async_copy(
                    tok_hbm.at[idx_v.at[s, pl.ds(off, ln)]],
                    rows_v.at[pl.ds(s * length + off, ln)],
                    sem,
                )

        def drain(rows_v, sem):
            for s, off, ln in pieces:
                pltpu.make_async_copy(
                    tok_hbm.at[pl.ds(0, ln)],
                    rows_v.at[pl.ds(s * length + off, ln)],
                    sem,
                ).wait()

        def process(c, rows_v, osem):
            b0 = pl.multiple_of(w0 + c * nseq, nseq)

            def add_body(r, carry):
                for q in range(depth // 16):
                    sl = pl.ds(q * 16, 16)
                    p = pos_v[r, sl]
                    for s in range(nseq):
                        rows_v[s * length + r, sl] += p
                return carry

            lax.fori_loop(0, length, add_body, 0, unroll=2)
            for s in range(nseq):
                pltpu.async_copy(
                    rows_v.at[pl.ds(s * length, length)],
                    out_hbm.at[b0 + s],
                    osem,
                )

        def owait(rows_v, osem):
            for s in range(nseq):
                pltpu.make_async_copy(
                    rows_v.at[pl.ds(s * length, length)],
                    out_hbm.at[0],
                    osem,
                ).wait()

        fire(0, idx0, rows0, sem0)

        def chunk_body(k, carry):
            @pl.when(k % 2 == 0)
            def _():
                @pl.when((k + 1 < n_chunks) & (k >= 1))
                def _():
                    owait(rows1, osem1)

                @pl.when(k + 1 < n_chunks)
                def _():
                    fire(k + 1, idx1, rows1, sem1)
                drain(rows0, sem0)
                process(k, rows0, osem0)

            @pl.when(k % 2 == 1)
            def _():
                @pl.when(k + 1 < n_chunks)
                def _():
                    owait(rows0, osem0)
                    fire(k + 1, idx0, rows0, sem0)
                drain(rows1, sem1)
                process(k, rows1, osem1)

            return carry

        lax.fori_loop(0, n_chunks, chunk_body, 0)
        owait(rows0, osem0)
        owait(rows1, osem1)

    return body(seq, token_table, pos_table)

# --- scband reference (transcript-rebuilt; emitter-appended) ---
"""Pipeline reference for scband-seq-embedding-57260503991059 (READ-ONLY COPY).

The authoritative reference and input builder live on the scoring server;
editing this copy changes nothing except your own understanding.
"""

import jax, jax.numpy as jnp
import numpy as np

VOCAB = 1000000
MAX_LENGTH = 200
DEPTH = 64
B = 4096
L = 200


def setup_inputs(seed: int = 0) -> dict:
    key = jax.random.key(seed)
    k_seq, k_tok, k_pos = jax.random.split(key, 3)
    seq = jax.random.randint(k_seq, (B, L), 0, VOCAB, dtype=jnp.int32)
    token_table = jax.random.normal(k_tok, (VOCAB, DEPTH), dtype=jnp.float32) * 0.05
    pos_table = jax.random.normal(k_pos, (MAX_LENGTH, DEPTH), dtype=jnp.float32) * 0.05
    return {"seq": seq, "token_table": token_table, "pos_table": pos_table}


def reference(seq, token_table, pos_table):
    # token embedding lookup (mask_zero only affects mask metadata, not values)
    tok = jnp.take(token_table, seq, axis=0)  # [B, L, DEPTH]
    # positional embedding over range(seq_len), broadcast over batch
    positions = jnp.arange(seq.shape[1])
    pos = jnp.take(pos_table, positions, axis=0)[None, :, :]  # [1, L, DEPTH]
    return tok + pos

if __name__ == "__main__":
    import jax
    _d = setup_inputs()
    print(jax.jit(kernel)(*tuple(_d.values())))

</pallas_src>

<mosaic_0001>
#map = affine_map<(d0, d1) -> (0, 0)>
#map1 = affine_map<(d0, d1) -> (0, 0, 0)>
module attributes {stable_mosaic.version = 14 : i64} {
  func.func @body(%arg0: i32, %arg1: i32, %arg2: memref<4096x200xi32, #tpu.memory_space<hbm>>, %arg3: memref<1000000x64xf32, #tpu.memory_space<hbm>>, %arg4: memref<200x64xf32, #tpu.memory_space<hbm>>, %arg5: memref<4096x200x64xf32, #tpu.memory_space<hbm>>, %arg6: memref<4x200xi32, #tpu.memory_space<vmem>>, %arg7: memref<4x200xi32, #tpu.memory_space<vmem>>, %arg8: memref<800x64xf32, #tpu.memory_space<vmem>>, %arg9: memref<800x64xf32, #tpu.memory_space<vmem>>, %arg10: memref<200x64xf32, #tpu.memory_space<vmem>>, %arg11: memref<!tpu.dma_semaphore, #tpu.memory_space<semaphore_mem>>, %arg12: memref<!tpu.dma_semaphore, #tpu.memory_space<semaphore_mem>>, %arg13: memref<!tpu.dma_semaphore, #tpu.memory_space<semaphore_mem>>, %arg14: memref<!tpu.dma_semaphore, #tpu.memory_space<semaphore_mem>>) attributes {dimension_semantics = [#tpu.dimension_semantics<core_parallel>, #tpu.dimension_semantics<subcore_parallel>], iteration_bounds = array<i64: 2, 16>, scalar_prefetch = 0 : i64, scratch_operands = 9 : i64, tpu.core_type = #tpu.core_type<sc_vector_subcore>, window_params = [{transform_indices = #map}, {transform_indices = #map}, {transform_indices = #map}, {transform_indices = #map1}]} {
    %mul3A = arith.constant 2 : i32
    %mul3A_0 = arith.muli %arg1, %mul3A : i32
    %add3A = arith.addi %mul3A_0, %arg0 : i32
    %mul3A_1 = arith.constant 128 : i32
    %mul3A_2 = arith.muli %add3A, %mul3A_1 : i32
    "tpu.region"() ({
      %run_scoped3A = tpu.sem_alloc : memref<!tpu.dma_semaphore, #tpu.memory_space<semaphore_mem>>
      tpu.enqueue_dma source(%arg4 : memref<200x64xf32, #tpu.memory_space<hbm>>) target(%arg10 : memref<200x64xf32, #tpu.memory_space<vmem>>) target_semaphore(%run_scoped3A : memref<!tpu.dma_semaphore, #tpu.memory_space<semaphore_mem>>)
      tpu.wait_dma2 semaphore(%run_scoped3A : memref<!tpu.dma_semaphore, #tpu.memory_space<semaphore_mem>>) src(%arg4 : memref<200x64xf32, #tpu.memory_space<hbm>>) dst(%arg10 : memref<200x64xf32, #tpu.memory_space<vmem>>)
      tpu.yield
    }) : () -> ()
    %add3A_3 = arith.constant 0 : i32
    %add3A_4 = arith.addi %mul3A_2, %add3A_3 : i32
    %multiple_of3A = tpu.assume_multiple %add3A_4, 4 : i32
    "tpu.region"() ({
      %run_scoped3A = tpu.sem_alloc : memref<!tpu.dma_semaphore, #tpu.memory_space<semaphore_mem>>
      %dma_start3A_208 = arith.constant 0 : i32
      %dma_start3A_209 = tpu.memref_slice %arg2[%multiple_of3A, %dma_start3A_208] : memref<4096x200xi32, #tpu.memory_space<hbm>> -> memref<4x200xi32, #tpu.memory_space<hbm>>
      %dma_start3A_210 = arith.constant 0 : i32
      %dma_start3A_211 = tpu.memref_slice %arg2[%multiple_of3A, %dma_start3A_210] : memref<4096x200xi32, #tpu.memory_space<hbm>> -> memref<4x200xi32, #tpu.memory_space<hbm>>
      tpu.enqueue_dma source(%dma_start3A_211 : memref<4x200xi32, #tpu.memory_space<hbm>>) target(%arg6 : memref<4x200xi32, #tpu.memory_space<vmem>>) target_semaphore(%run_scoped3A : memref<!tpu.dma_semaphore, #tpu.memory_space<semaphore_mem>>)
      %dma_wait3A_212 = arith.constant 0 : i32
      %dma_wait3A_213 = tpu.memref_slice %arg2[%multiple_of3A, %dma_wait3A_212] : memref<4096x200xi32, #tpu.memory_space<hbm>> -> memref<4x200xi32, #tpu.memory_space<hbm>>
      %dma_wait3A_214 = arith.constant 0 : i32
      %dma_wait3A_215 = tpu.memref_slice %arg2[%multiple_of3A, %dma_wait3A_214] : memref<4096x200xi32, #tpu.memory_space<hbm>> -> memref<4x200xi32, #tpu.memory_space<hbm>>
      tpu.wait_dma2 semaphore(%run_scoped3A : memref<!tpu.dma_semaphore, #tpu.memory_space<semaphore_mem>>) src(%dma_wait3A_215 : memref<4x200xi32, #tpu.memory_space<hbm>>) dst(%arg6 : memref<4x200xi32, #tpu.memory_space<vmem>>)
      tpu.yield
    }) : () -> ()
    %dma_start3A = arith.constant 0 : i32
    %dma_start3A_5 = arith.constant 0 : i32
    %dma_start3A_6 = arith.constant 0 : i32
    %dma_start3A_7 = tpu.memref_slice %arg8[%dma_start3A_5, %dma_start3A_6] : memref<800x64xf32, #tpu.memory_space<vmem>> -> memref<104x64xf32, #tpu.memory_space<vmem>>
    %dma_start3A_8 = arith.constant 0 : i32
    %dma_start3A_9 = tpu.memref_slice %arg6[%dma_start3A, %dma_start3A_8] : memref<4x200xi32, #tpu.memory_space<vmem>> -> memref<1x104xi32, #tpu.memory_space<vmem>>
    %dma_start3A_10 = tpu.memref_squeeze %dma_start3A_9 : memref<1x104xi32, #tpu.memory_space<vmem>> -> memref<104xi32, #tpu.memory_space<vmem>>
    %dma_start3A_11 = arith.constant 0 : i32
    %dma_start3A_12 = arith.constant 0 : i32
    %dma_start3A_13 = tpu.memref_slice %arg3[%dma_start3A_11, %dma_start3A_12] : memref<1000000x64xf32, #tpu.memory_space<hbm>> -> memref<1000000x64xf32, #tpu.memory_space<hbm>>
    tpu.enqueue_indirect_dma source(%dma_start3A_13 : memref<1000000x64xf32, #tpu.memory_space<hbm>>) target(%dma_start3A_7 : memref<104x64xf32, #tpu.memory_space<vmem>>) offsets(%dma_start3A_10 : memref<104xi32, #tpu.memory_space<vmem>>) semaphore(%arg11 : memref<!tpu.dma_semaphore, #tpu.memory_space<semaphore_mem>>)
    %dma_start3A_14 = arith.constant 0 : i32
    %dma_start3A_15 = arith.constant 104 : i32
    %dma_start3A_16 = arith.constant 0 : i32
    %dma_start3A_17 = tpu.memref_slice %arg8[%dma_start3A_15, %dma_start3A_16] : memref<800x64xf32, #tpu.memory_space<vmem>> -> memref<96x64xf32, #tpu.memory_space<vmem>>
    %dma_start3A_18 = arith.constant 104 : i32
    %dma_start3A_19 = tpu.memref_slice %arg6[%dma_start3A_14, %dma_start3A_18] : memref<4x200xi32, #tpu.memory_space<vmem>> -> memref<1x96xi32, #tpu.memory_space<vmem>>
    %dma_start3A_20 = tpu.memref_squeeze %dma_start3A_19 : memref<1x96xi32, #tpu.memory_space<vmem>> -> memref<96xi32, #tpu.memory_space<vmem>>
    %dma_start3A_21 = arith.constant 0 : i32
    %dma_start3A_22 = arith.constant 0 : i32
    %dma_start3A_23 = tpu.memref_slice %arg3[%dma_start3A_21, %dma_start3A_22] : memref<1000000x64xf32, #tpu.memory_space<hbm>> -> memref<1000000x64xf32, #tpu.memory_space<hbm>>
    tpu.enqueue_indirect_dma source(%dma_start3A_23 : memref<1000000x64xf32, #tpu.memory_space<hbm>>) target(%dma_start3A_17 : memref<96x64xf32, #tpu.memory_space<vmem>>) offsets(%dma_start3A_20 : memref<96xi32, #tpu.memory_space<vmem>>) semaphore(%arg11 : memref<!tpu.dma_semaphore, #tpu.memory_space<semaphore_mem>>)
    %dma_start3A_24 = arith.constant 1 : i32
    %dma_start3A_25 = arith.constant 200 : i32
    %dma_start3A_26 = arith.constant 0 : i32
    %dma_start3A_27 = tpu.memref_slice %arg8[%dma_start3A_25, %dma_start3A_26] : memref<800x64xf32, #tpu.memory_space<vmem>> -> memref<104x64xf32, #tpu.memory_space<vmem>>
    %dma_start3A_28 = arith.constant 0 : i32
    %dma_start3A_29 = tpu.memref_slice %arg6[%dma_start3A_24, %dma_start3A_28] : memref<4x200xi32, #tpu.memory_space<vmem>> -> memref<1x104xi32, #tpu.memory_space<vmem>>
    %dma_start3A_30 = tpu.memref_squeeze %dma_start3A_29 : memref<1x104xi32, #tpu.memory_space<vmem>> -> memref<104xi32, #tpu.memory_space<vmem>>
    %dma_start3A_31 = arith.constant 0 : i32
    %dma_start3A_32 = arith.constant 0 : i32
    %dma_start3A_33 = tpu.memref_slice %arg3[%dma_start3A_31, %dma_start3A_32] : memref<1000000x64xf32, #tpu.memory_space<hbm>> -> memref<1000000x64xf32, #tpu.memory_space<hbm>>
    tpu.enqueue_indirect_dma source(%dma_start3A_33 : memref<1000000x64xf32, #tpu.memory_space<hbm>>) target(%dma_start3A_27 : memref<104x64xf32, #tpu.memory_space<vmem>>) offsets(%dma_start3A_30 : memref<104xi32, #tpu.memory_space<vmem>>) semaphore(%arg11 : memref<!tpu.dma_semaphore, #tpu.memory_space<semaphore_mem>>)
    %dma_start3A_34 = arith.constant 1 : i32
    %dma_start3A_35 = arith.constant 304 : i32
    %dma_start3A_36 = arith.constant 0 : i32
    %dma_start3A_37 = tpu.memref_slice %arg8[%dma_start3A_35, %dma_start3A_36] : memref<800x64xf32, #tpu.memory_space<vmem>> -> memref<96x64xf32, #tpu.memory_space<vmem>>
    %dma_start3A_38 = arith.constant 104 : i32
    %dma_start3A_39 = tpu.memref_slice %arg6[%dma_start3A_34, %dma_start3A_38] : memref<4x200xi32, #tpu.memory_space<vmem>> -> memref<1x96xi32, #tpu.memory_space<vmem>>
    %dma_start3A_40 = tpu.memref_squeeze %dma_start3A_39 : memref<1x96xi32, #tpu.memory_space<vmem>> -> memref<96xi32, #tpu.memory_space<vmem>>
    %dma_start3A_41 = arith.constant 0 : i32
    %dma_start3A_42 = arith.constant 0 : i32
    %dma_start3A_43 = tpu.memref_slice %arg3[%dma_start3A_41, %dma_start3A_42] : memref<1000000x64xf32, #tpu.memory_space<hbm>> -> memref<1000000x64xf32, #tpu.memory_space<hbm>>
    tpu.enqueue_indirect_dma source(%dma_start3A_43 : memref<1000000x64xf32, #tpu.memory_space<hbm>>) target(%dma_start3A_37 : memref<96x64xf32, #tpu.memory_space<vmem>>) offsets(%dma_start3A_40 : memref<96xi32, #tpu.memory_space<vmem>>) semaphore(%arg11 : memref<!tpu.dma_semaphore, #tpu.memory_space<semaphore_mem>>)
    %dma_start3A_44 = arith.constant 2 : i32
    %dma_start3A_45 = arith.constant 400 : i32
    %dma_start3A_46 = arith.constant 0 : i32
    %dma_start3A_47 = tpu.memref_slice %arg8[%dma_start3A_45, %dma_start3A_46] : memref<800x64xf32, #tpu.memory_space<vmem>> -> memref<104x64xf32, #tpu.memory_space<vmem>>
    %dma_start3A_48 = arith.constant 0 : i32
    %dma_start3A_49 = tpu.memref_slice %arg6[%dma_start3A_44, %dma_start3A_48] : memref<4x200xi32, #tpu.memory_space<vmem>> -> memref<1x104xi32, #tpu.memory_space<vmem>>
    %dma_start3A_50 = tpu.memref_squeeze %dma_start3A_49 : memref<1x104xi32, #tpu.memory_space<vmem>> -> memref<104xi32, #tpu.memory_space<vmem>>
    %dma_start3A_51 = arith.constant 0 : i32
    %dma_start3A_52 = arith.constant 0 : i32
    %dma_start3A_53 = tpu.memref_slice %arg3[%dma_start3A_51, %dma_start3A_52] : memref<1000000x64xf32, #tpu.memory_space<hbm>> -> memref<1000000x64xf32, #tpu.memory_space<hbm>>
    tpu.enqueue_indirect_dma source(%dma_start3A_53 : memref<1000000x64xf32, #tpu.memory_space<hbm>>) target(%dma_start3A_47 : memref<104x64xf32, #tpu.memory_space<vmem>>) offsets(%dma_start3A_50 : memref<104xi32, #tpu.memory_space<vmem>>) semaphore(%arg11 : memref<!tpu.dma_semaphore, #tpu.memory_space<semaphore_mem>>)
    %dma_start3A_54 = arith.constant 2 : i32
    %dma_start3A_55 = arith.constant 504 : i32
    %dma_start3A_56 = arith.constant 0 : i32
    %dma_start3A_57 = tpu.memref_slice %arg8[%dma_start3A_55, %dma_start3A_56] : memref<800x64xf32, #tpu.memory_space<vmem>> -> memref<96x64xf32, #tpu.memory_space<vmem>>
    %dma_start3A_58 = arith.constant 104 : i32
    %dma_start3A_59 = tpu.memref_slice %arg6[%dma_start3A_54, %dma_start3A_58] : memref<4x200xi32, #tpu.memory_space<vmem>> -> memref<1x96xi32, #tpu.memory_space<vmem>>
    %dma_start3A_60 = tpu.memref_squeeze %dma_start3A_59 : memref<1x96xi32, #tpu.memory_space<vmem>> -> memref<96xi32, #tpu.memory_space<vmem>>
    %dma_start3A_61 = arith.constant 0 : i32
    %dma_start3A_62 = arith.constant 0 : i32
    %dma_start3A_63 = tpu.memref_slice %arg3[%dma_start3A_61, %dma_start3A_62] : memref<1000000x64xf32, #tpu.memory_space<hbm>> -> memref<1000000x64xf32, #tpu.memory_space<hbm>>
    tpu.enqueue_indirect_dma source(%dma_start3A_63 : memref<1000000x64xf32, #tpu.memory_space<hbm>>) target(%dma_start3A_57 : memref<96x64xf32, #tpu.memory_space<vmem>>) offsets(%dma_start3A_60 : memref<96xi32, #tpu.memory_space<vmem>>) semaphore(%arg11 : memref<!tpu.dma_semaphore, #tpu.memory_space<semaphore_mem>>)
    %dma_start3A_64 = arith.constant 3 : i32
    %dma_start3A_65 = arith.constant 600 : i32
    %dma_start3A_66 = arith.constant 0 : i32
    %dma_start3A_67 = tpu.memref_slice %arg8[%dma_start3A_65, %dma_start3A_66] : memref<800x64xf32, #tpu.memory_space<vmem>> -> memref<104x64xf32, #tpu.memory_space<vmem>>
    %dma_start3A_68 = arith.constant 0 : i32
    %dma_start3A_69 = tpu.memref_slice %arg6[%dma_start3A_64, %dma_start3A_68] : memref<4x200xi32, #tpu.memory_space<vmem>> -> memref<1x104xi32, #tpu.memory_space<vmem>>
    %dma_start3A_70 = tpu.memref_squeeze %dma_start3A_69 : memref<1x104xi32, #tpu.memory_space<vmem>> -> memref<104xi32, #tpu.memory_space<vmem>>
    %dma_start3A_71 = arith.constant 0 : i32
    %dma_start3A_72 = arith.constant 0 : i32
    %dma_start3A_73 = tpu.memref_slice %arg3[%dma_start3A_71, %dma_start3A_72] : memref<1000000x64xf32, #tpu.memory_space<hbm>> -> memref<1000000x64xf32, #tpu.memory_space<hbm>>
    tpu.enqueue_indirect_dma source(%dma_start3A_73 : memref<1000000x64xf32, #tpu.memory_space<hbm>>) target(%dma_start3A_67 : memref<104x64xf32, #tpu.memory_space<vmem>>) offsets(%dma_start3A_70 : memref<104xi32, #tpu.memory_space<vmem>>) semaphore(%arg11 : memref<!tpu.dma_semaphore, #tpu.memory_space<semaphore_mem>>)
    %dma_start3A_74 = arith.constant 3 : i32
    %dma_start3A_75 = arith.constant 704 : i32
    %dma_start3A_76 = arith.constant 0 : i32
    %dma_start3A_77 = tpu.memref_slice %arg8[%dma_start3A_75, %dma_start3A_76] : memref<800x64xf32, #tpu.memory_space<vmem>> -> memref<96x64xf32, #tpu.memory_space<vmem>>
    %dma_start3A_78 = arith.constant 104 : i32
    %dma_start3A_79 = tpu.memref_slice %arg6[%dma_start3A_74, %dma_start3A_78] : memref<4x200xi32, #tpu.memory_space<vmem>> -> memref<1x96xi32, #tpu.memory_space<vmem>>
    %dma_start3A_80 = tpu.memref_squeeze %dma_start3A_79 : memref<1x96xi32, #tpu.memory_space<vmem>> -> memref<96xi32, #tpu.memory_space<vmem>>
    %dma_start3A_81 = arith.constant 0 : i32
    %dma_start3A_82 = arith.constant 0 : i32
    %dma_start3A_83 = tpu.memref_slice %arg3[%dma_start3A_81, %dma_start3A_82] : memref<1000000x64xf32, #tpu.memory_space<hbm>> -> memref<1000000x64xf32, #tpu.memory_space<hbm>>
    tpu.enqueue_indirect_dma source(%dma_start3A_83 : memref<1000000x64xf32, #tpu.memory_space<hbm>>) target(%dma_start3A_77 : memref<96x64xf32, #tpu.memory_space<vmem>>) offsets(%dma_start3A_80 : memref<96xi32, #tpu.memory_space<vmem>>) semaphore(%arg11 : memref<!tpu.dma_semaphore, #tpu.memory_space<semaphore_mem>>)
    %scan3A = arith.constant 0 : i32
    %scan3A_84 = arith.constant 0 : i32
    %scan3A_85 = arith.constant 32 : i32
    %scan3A_86 = arith.addi %scan3A_84, %scan3A_85 : i32
    %scan3A_87 = arith.constant 1 : i32
    scf.for %scan3A_208 = %scan3A_84 to %scan3A_86 step %scan3A_87  : i32 {
      %jit3A = arith.constant 2 : i32
      %eq3A = arith.constant 0 : i32
      %eq3A_209 = arith.cmpi eq, %jit3A, %eq3A : i32
      %jit3A_210 = arith.constant 1 : i32
      %select_n3A = arith.select %eq3A_209, %jit3A_210, %jit3A : i32
      %rem3A = arith.remsi %scan3A_208, %select_n3A : i32
      %ne3A = arith.constant 0 : i32
      %ne3A_211 = arith.cmpi ne, %rem3A, %ne3A : i32
      %lt3A = arith.constant 0 : i32
      %lt3A_212 = arith.cmpi slt, %rem3A, %lt3A : i32
      %lt3A_213 = arith.constant 0 : i32
      %lt3A_214 = arith.cmpi slt, %select_n3A, %lt3A_213 : i32
      %ne3A_215 = arith.xori %lt3A_212, %lt3A_214 : i1
      %and3A = arith.andi %ne3A_215, %ne3A_211 : i1
      %add3A_216 = arith.addi %rem3A, %select_n3A : i32
      %select_n3A_217 = arith.select %and3A, %add3A_216, %rem3A : i32
      %eq3A_218 = arith.constant 0 : i32
      %eq3A_219 = arith.cmpi eq, %select_n3A_217, %eq3A_218 : i32
      %convert_element_type3A = arith.extui %eq3A_219 : i1 to i32
      %cond3A = arith.constant 0 : i32
      %cond3A_220 = arith.cmpi ne, %convert_element_type3A, %cond3A : i32
      scf.if %cond3A_220 {
        %add3A_242 = arith.constant 1 : i32
        %add3A_243 = arith.addi %scan3A_208, %add3A_242 : i32
        %lt3A_244 = arith.constant 32 : i32
        %lt3A_245 = arith.cmpi slt, %add3A_243, %lt3A_244 : i32
        %ge3A = arith.constant 1 : i32
        %ge3A_246 = arith.cmpi sge, %scan3A_208, %ge3A : i32
        %and3A_247 = arith.andi %lt3A_245, %ge3A_246 : i1
        %convert_element_type3A_248 = arith.extui %and3A_247 : i1 to i32
        %cond3A_249 = arith.constant 0 : i32
        %cond3A_250 = arith.cmpi ne, %convert_element_type3A_248, %cond3A_249 : i32
        scf.if %cond3A_250 {
          %dma_wait3A_428 = arith.constant 0 : i32
          %dma_wait3A_429 = arith.constant 0 : i32
          %dma_wait3A_430 = arith.constant 0 : i32
          %dma_wait3A_431 = tpu.memref_slice %arg9[%dma_wait3A_429, %dma_wait3A_430] : memref<800x64xf32, #tpu.memory_space<vmem>> -> memref<200x64xf32, #tpu.memory_space<vmem>>
          %dma_wait3A_432 = arith.constant 0 : i32
          %dma_wait3A_433 = arith.constant 0 : i32
          %dma_wait3A_434 = tpu.memref_slice %arg5[%dma_wait3A_428, %dma_wait3A_432, %dma_wait3A_433] : memref<4096x200x64xf32, #tpu.memory_space<hbm>> -> memref<1x200x64xf32, #tpu.memory_space<hbm>>
          %dma_wait3A_435 = tpu.memref_squeeze %dma_wait3A_434 : memref<1x200x64xf32, #tpu.memory_space<hbm>> -> memref<200x64xf32, #tpu.memory_space<hbm>>
          %dma_wait3A_436 = arith.constant 0 : i32
          %dma_wait3A_437 = arith.constant 0 : i32
          %dma_wait3A_438 = tpu.memref_slice %arg5[%dma_wait3A_428, %dma_wait3A_436, %dma_wait3A_437] : memref<4096x200x64xf32, #tpu.memory_space<hbm>> -> memref<1x200x64xf32, #tpu.memory_space<hbm>>
          %dma_wait3A_439 = tpu.memref_squeeze %dma_wait3A_438 : memref<1x200x64xf32, #tpu.memory_space<hbm>> -> memref<200x64xf32, #tpu.memory_space<hbm>>
          %dma_wait3A_440 = arith.constant 0 : i32
          %dma_wait3A_441 = arith.constant 0 : i32
          %dma_wait3A_442 = tpu.memref_slice %arg9[%dma_wait3A_440, %dma_wait3A_441] : memref<800x64xf32, #tpu.memory_space<vmem>> -> memref<200x64xf32, #tpu.memory_space<vmem>>
          tpu.wait_dma2 semaphore(%arg14 : memref<!tpu.dma_semaphore, #tpu.memory_space<semaphore_mem>>) src(%dma_wait3A_442 : memref<200x64xf32, #tpu.memory_space<vmem>>) dst(%dma_wait3A_439 : memref<200x64xf32, #tpu.memory_space<hbm>>)
          %dma_wait3A_443 = arith.constant 0 : i32
          %dma_wait3A_444 = arith.constant 200 : i32
          %dma_wait3A_445 = arith.constant 0 : i32
          %dma_wait3A_446 = tpu.memref_slice %arg9[%dma_wait3A_444, %dma_wait3A_445] : memref<800x64xf32, #tpu.memory_space<vmem>> -> memref<200x64xf32, #tpu.memory_space<vmem>>
          %dma_wait3A_447 = arith.constant 0 : i32
          %dma_wait3A_448 = arith.constant 0 : i32
          %dma_wait3A_449 = tpu.memref_slice %arg5[%dma_wait3A_443, %dma_wait3A_447, %dma_wait3A_448] : memref<4096x200x64xf32, #tpu.memory_space<hbm>> -> memref<1x200x64xf32, #tpu.memory_space<hbm>>
          %dma_wait3A_450 = tpu.memref_squeeze %dma_wait3A_449 : memref<1x200x64xf32, #tpu.memory_space<hbm>> -> memref<200x64xf32, #tpu.memory_space<hbm>>
          %dma_wait3A_451 = arith.constant 0 : i32
          %dma_wait3A_452 = arith.constant 0 : i32
          %dma_wait3A_453 = tpu.memref_slice %arg5[%dma_wait3A_443, %dma_wait3A_451, %dma_wait3A_452] : memref<4096x200x64xf32, #tpu.memory_space<hbm>> -> memref<1x200x64xf32, #tpu.memory_space<hbm>>
          %dma_wait3A_454 = tpu.memref_squeeze %dma_wait3A_453 : memref<1x200x64xf32, #tpu.memory_space<hbm>> -> memref<200x64xf32, #tpu.memory_space<hbm>>
          %dma_wait3A_455 = arith.constant 200 : i32
          %dma_wait3A_456 = arith.constant 0 : i32
          %dma_wait3A_457 = tpu.memref_slice %arg9[%dma_wait3A_455, %dma_wait3A_456] : memref<800x64xf32, #tpu.memory_space<vmem>> -> memref<200x64xf32, #tpu.memory_space<vmem>>
          tpu.wait_dma2 semaphore(%arg14 : memref<!tpu.dma_semaphore, #tpu.memory_space<semaphore_mem>>) src(%dma_wait3A_457 : memref<200x64xf32, #tpu.memory_space<vmem>>) dst(%dma_wait3A_454 : memref<200x64xf32, #tpu.memory_space<hbm>>)
          %dma_wait3A_458 = arith.constant 0 : i32
          %dma_wait3A_459 = arith.constant 400 : i32
          %dma_wait3A_460 = arith.constant 0 : i32
          %dma_wait3A_461 = tpu.memref_slice %arg9[%dma_wait3A_459, %dma_wait3A_460] : memref<800x64xf32, #tpu.memory_space<vmem>> -> memref<200x64xf32, #tpu.memory_space<vmem>>
          %dma_wait3A_462 = arith.constant 0 : i32
          %dma_wait3A_463 = arith.constant 0 : i32
          %dma_wait3A_464 = tpu.memref_slice %arg5[%dma_wait3A_458, %dma_wait3A_462, %dma_wait3A_463] : memref<4096x200x64xf32, #tpu.memory_space<hbm>> -> memref<1x200x64xf32, #tpu.memory_space<hbm>>
          %dma_wait3A_465 = tpu.memref_squeeze %dma_wait3A_464 : memref<1x200x64xf32, #tpu.memory_space<hbm>> -> memref<200x64xf32, #tpu.memory_space<hbm>>
          %dma_wait3A_466 = arith.constant 0 : i32
          %dma_wait3A_467 = arith.constant 0 : i32
          %dma_wait3A_468 = tpu.memref_slice %arg5[%dma_wait3A_458, %dma_wait3A_466, %dma_wait3A_467] : memref<4096x200x64xf32, #tpu.memory_space<hbm>> -> memref<1x200x64xf32, #tpu.memory_space<hbm>>
          %dma_wait3A_469 = tpu.memref_squeeze %dma_wait3A_468 : memref<1x200x64xf32, #tpu.memory_space<hbm>> -> memref<200x64xf32, #tpu.memory_space<hbm>>
          %dma_wait3A_470 = arith.constant 400 : i32
          %dma_wait3A_471 = arith.constant 0 : i32
          %dma_wait3A_472 = tpu.memref_slice %arg9[%dma_wait3A_470, %dma_wait3A_471] : memref<800x64xf32, #tpu.memory_space<vmem>> -> memref<200x64xf32, #tpu.memory_space<vmem>>
          tpu.wait_dma2 semaphore(%arg14 : memref<!tpu.dma_semaphore, #tpu.memory_space<semaphore_mem>>) src(%dma_wait3A_472 : memref<200x64xf32, #tpu.memory_space<vmem>>) dst(%dma_wait3A_469 : memref<200x64xf32, #tpu.memory_space<hbm>>)
          %dma_wait3A_473 = arith.constant 0 : i32
          %dma_wait3A_474 = arith.constant 600 : i32
          %dma_wait3A_475 = arith.constant 0 : i32
          %dma_wait3A_476 = tpu.memref_slice %arg9[%dma_wait3A_474, %dma_wait3A_475] : memref<800x64xf32, #tpu.memory_space<vmem>> -> memref<200x64xf32, #tpu.memory_space<vmem>>
          %dma_wait3A_477 = arith.constant 0 : i32
          %dma_wait3A_478 = arith.constant 0 : i32
          %dma_wait3A_479 = tpu.memref_slice %arg5[%dma_wait3A_473, %dma_wait3A_477, %dma_wait3A_478] : memref<4096x200x64xf32, #tpu.memory_space<hbm>> -> memref<1x200x64xf32, #tpu.memory_space<hbm>>
          %dma_wait3A_480 = tpu.memref_squeeze %dma_wait3A_479 : memref<1x200x64xf32, #tpu.memory_space<hbm>> -> memref<200x64xf32, #tpu.memory_space<hbm>>
          %dma_wait3A_481 = arith.constant 0 : i32
          %dma_wait3A_482 = arith.constant 0 : i32
          %dma_wait3A_483 = tpu.memref_slice %arg5[%dma_wait3A_473, %dma_wait3A_481, %dma_wait3A_482] : memref<4096x200x64xf32, #tpu.memory_space<hbm>> -> memref<1x200x64xf32, #tpu.memory_space<hbm>>
          %dma_wait3A_484 = tpu.memref_squeeze %dma_wait3A_483 : memref<1x200x64xf32, #tpu.memory_space<hbm>> -> memref<200x64xf32, #tpu.memory_space<hbm>>
          %dma_wait3A_485 = arith.constant 600 : i32
          %dma_wait3A_486 = arith.constant 0 : i32
          %dma_wait3A_487 = tpu.memref_slice %arg9[%dma_wait3A_485, %dma_wait3A_486] : memref<800x64xf32, #tpu.memory_space<vmem>> -> memref<200x64xf32, #tpu.memory_space<vmem>>
          tpu.wait_dma2 semaphore(%arg14 : memref<!tpu.dma_semaphore, #tpu.memory_space<semaphore_mem>>) src(%dma_wait3A_487 : memref<200x64xf32, #tpu.memory_space<vmem>>) dst(%dma_wait3A_484 : memref<200x64xf32, #tpu.memory_space<hbm>>)
        } else {
        }
        %add3A_251 = arith.constant 1 : i32
        %add3A_252 = arith.addi %scan3A_208, %add3A_251 : i32
        %lt3A_253 = arith.constant 32 : i32
        %lt3A_254 = arith.cmpi slt, %add3A_252, %lt3A_253 : i32
        %convert_element_type3A_255 = arith.extui %lt3A_254 : i1 to i32
        %cond3A_256 = arith.constant 0 : i32
        %cond3A_257 = arith.cmpi ne, %convert_element_type3A_255, %cond3A_256 : i32
        scf.if %cond3A_257 {
          %add3A_428 = arith.constant 1 : i32
          %add3A_429 = arith.addi %scan3A_208, %add3A_428 : i32
          %mul3A_430 = arith.constant 4 : i32
          %mul3A_431 = arith.muli %add3A_429, %mul3A_430 : i32
          %add3A_432 = arith.addi %mul3A_2, %mul3A_431 : i32
          %multiple_of3A_433 = tpu.assume_multiple %add3A_432, 4 : i32
          "tpu.region"() ({
            %run_scoped3A = tpu.sem_alloc : memref<!tpu.dma_semaphore, #tpu.memory_space<semaphore_mem>>
            %dma_start3A_514 = arith.constant 0 : i32
            %dma_start3A_515 = tpu.memref_slice %arg2[%multiple_of3A_433, %dma_start3A_514] : memref<4096x200xi32, #tpu.memory_space<hbm>> -> memref<4x200xi32, #tpu.memory_space<hbm>>
            %dma_start3A_516 = arith.constant 0 : i32
            %dma_start3A_517 = tpu.memref_slice %arg2[%multiple_of3A_433, %dma_start3A_516] : memref<4096x200xi32, #tpu.memory_space<hbm>> -> memref<4x200xi32, #tpu.memory_space<hbm>>
            tpu.enqueue_dma source(%dma_start3A_517 : memref<4x200xi32, #tpu.memory_space<hbm>>) target(%arg7 : memref<4x200xi32, #tpu.memory_space<vmem>>) target_semaphore(%run_scoped3A : memref<!tpu.dma_semaphore, #tpu.memory_space<semaphore_mem>>)
            %dma_wait3A_518 = arith.constant 0 : i32
            %dma_wait3A_519 = tpu.memref_slice %arg2[%multiple_of3A_433, %dma_wait3A_518] : memref<4096x200xi32, #tpu.memory_space<hbm>> -> memref<4x200xi32, #tpu.memory_space<hbm>>
            %dma_wait3A_520 = arith.constant 0 : i32
            %dma_wait3A_521 = tpu.memref_slice %arg2[%multiple_of3A_433, %dma_wait3A_520] : memref<4096x200xi32, #tpu.memory_space<hbm>> -> memref<4x200xi32, #tpu.memory_space<hbm>>
            tpu.wait_dma2 semaphore(%run_scoped3A : memref<!tpu.dma_semaphore, #tpu.memory_space<semaphore_mem>>) src(%dma_wait3A_521 : memref<4x200xi32, #tpu.memory_space<hbm>>) dst(%arg7 : memref<4x200xi32, #tpu.memory_space<vmem>>)
            tpu.yield
          }) : () -> ()
          %dma_start3A_434 = arith.constant 0 : i32
          %dma_start3A_435 = arith.constant 0 : i32
          %dma_start3A_436 = arith.constant 0 : i32
          %dma_start3A_437 = tpu.memref_slice %arg9[%dma_start3A_435, %dma_start3A_436] : memref<800x64xf32, #tpu.memory_space<vmem>> -> memref<104x64xf32, #tpu.memory_space<vmem>>
          %dma_start3A_438 = arith.constant 0 : i32
          %dma_start3A_439 = tpu.memref_slice %arg7[%dma_start3A_434, %dma_start3A_438] : memref<4x200xi32, #tpu.memory_space<vmem>> -> memref<1x104xi32, #tpu.memory_space<vmem>>
          %dma_start3A_440 = tpu.memref_squeeze %dma_start3A_439 : memref<1x104xi32, #tpu.memory_space<vmem>> -> memref<104xi32, #tpu.memory_space<vmem>>
          %dma_start3A_441 = arith.constant 0 : i32
          %dma_start3A_442 = arith.constant 0 : i32
          %dma_start3A_443 = tpu.memref_slice %arg3[%dma_start3A_441, %dma_start3A_442] : memref<1000000x64xf32, #tpu.memory_space<hbm>> -> memref<1000000x64xf32, #tpu.memory_space<hbm>>
          tpu.enqueue_indirect_dma source(%dma_start3A_443 : memref<1000000x64xf32, #tpu.memory_space<hbm>>) target(%dma_start3A_437 : memref<104x64xf32, #tpu.memory_space<vmem>>) offsets(%dma_start3A_440 : memref<104xi32, #tpu.memory_space<vmem>>) semaphore(%arg12 : memref<!tpu.dma_semaphore, #tpu.memory_space<semaphore_mem>>)
          %dma_start3A_444 = arith.constant 0 : i32
          %dma_start3A_445 = arith.constant 104 : i32
          %dma_start3A_446 = arith.constant 0 : i32
          %dma_start3A_447 = tpu.memref_slice %arg9[%dma_start3A_445, %dma_start3A_446] : memref<800x64xf32, #tpu.memory_space<vmem>> -> memref<96x64xf32, #tpu.memory_space<vmem>>
          %dma_start3A_448 = arith.constant 104 : i32
          %dma_start3A_449 = tpu.memref_slice %arg7[%dma_start3A_444, %dma_start3A_448] : memref<4x200xi32, #tpu.memory_space<vmem>> -> memref<1x96xi32, #tpu.memory_space<vmem>>
          %dma_start3A_450 = tpu.memref_squeeze %dma_start3A_449 : memref<1x96xi32, #tpu.memory_space<vmem>> -> memref<96xi32, #tpu.memory_space<vmem>>
          %dma_start3A_451 = arith.constant 0 : i32
          %dma_start3A_452 = arith.constant 0 : i32
          %dma_start3A_453 = tpu.memref_slice %arg3[%dma_start3A_451, %dma_start3A_452] : memref<1000000x64xf32, #tpu.memory_space<hbm>> -> memref<1000000x64xf32, #tpu.memory_space<hbm>>
          tpu.enqueue_indirect_dma source(%dma_start3A_453 : memref<1000000x64xf32, #tpu.memory_space<hbm>>) target(%dma_start3A_447 : memref<96x64xf32, #tpu.memory_space<vmem>>) offsets(%dma_start3A_450 : memref<96xi32, #tpu.memory_space<vmem>>) semaphore(%arg12 : memref<!tpu.dma_semaphore, #tpu.memory_space<semaphore_mem>>)
          %dma_start3A_454 = arith.constant 1 : i32
          %dma_start3A_455 = arith.constant 200 : i32
          %dma_start3A_456 = arith.constant 0 : i32
          %dma_start3A_457 = tpu.memref_slice %arg9[%dma_start3A_455, %dma_start3A_456] : memref<800x64xf32, #tpu.memory_space<vmem>> -> memref<104x64xf32, #tpu.memory_space<vmem>>
          %dma_start3A_458 = arith.constant 0 : i32
          %dma_start3A_459 = tpu.memref_slice %arg7[%dma_start3A_454, %dma_start3A_458] : memref<4x200xi32, #tpu.memory_space<vmem>> -> memref<1x104xi32, #tpu.memory_space<vmem>>
          %dma_start3A_460 = tpu.memref_squeeze %dma_start3A_459 : memref<1x104xi32, #tpu.memory_space<vmem>> -> memref<104xi32, #tpu.memory_space<vmem>>
          %dma_start3A_461 = arith.constant 0 : i32
          %dma_start3A_462 = arith.constant 0 : i32
          %dma_start3A_463 = tpu.memref_slice %arg3[%dma_start3A_461, %dma_start3A_462] : memref<1000000x64xf32, #tpu.memory_space<hbm>> -> memref<1000000x64xf32, #tpu.memory_space<hbm>>
          tpu.enqueue_indirect_dma source(%dma_start3A_463 : memref<1000000x64xf32, #tpu.memory_space<hbm>>) target(%dma_start3A_457 : memref<104x64xf32, #tpu.memory_space<vmem>>) offsets(%dma_start3A_460 : memref<104xi32, #tpu.memory_space<vmem>>) semaphore(%arg12 : memref<!tpu.dma_semaphore, #tpu.memory_space<semaphore_mem>>)
          %dma_start3A_464 = arith.constant 1 : i32
          %dma_start3A_465 = arith.constant 304 : i32
          %dma_start3A_466 = arith.constant 0 : i32
          %dma_start3A_467 = tpu.memref_slice %arg9[%dma_start3A_465, %dma_start3A_466] : memref<800x64xf32, #tpu.memory_space<vmem>> -> memref<96x64xf32, #tpu.memory_space<vmem>>
          %dma_start3A_468 = arith.constant 104 : i32
          %dma_start3A_469 = tpu.memref_slice %arg7[%dma_start3A_464, %dma_start3A_468] : memref<4x200xi32, #tpu.memory_space<vmem>> -> memref<1x96xi32, #tpu.memory_space<vmem>>
          %dma_start3A_470 = tpu.memref_squeeze %dma_start3A_469 : memref<1x96xi32, #tpu.memory_space<vmem>> -> memref<96xi32, #tpu.memory_space<vmem>>
          %dma_start3A_471 = arith.constant 0 : i32
          %dma_start3A_472 = arith.constant 0 : i32
          %dma_start3A_473 = tpu.memref_slice %arg3[%dma_start3A_471, %dma_start3A_472] : memref<1000000x64xf32, #tpu.memory_space<hbm>> -> memref<1000000x64xf32, #tpu.memory_space<hbm>>
          tpu.enqueue_indirect_dma source(%dma_start3A_473 : memref<1000000x64xf32, #tpu.memory_space<hbm>>) target(%dma_start3A_467 : memref<96x64xf32, #tpu.memory_space<vmem>>) offsets(%dma_start3A_470 : memref<96xi32, #tpu.memory_space<vmem>>) semaphore(%arg12 : memref<!tpu.dma_semaphore, #tpu.memory_space<semaphore_mem>>)
          %dma_start3A_474 = arith.constant 2 : i32
          %dma_start3A_475 = arith.constant 400 : i32
          %dma_start3A_476 = arith.constant 0 : i32
          %dma_start3A_477 = tpu.memref_slice %arg9[%dma_start3A_475, %dma_start3A_476] : memref<800x64xf32, #tpu.memory_space<vmem>> -> memref<104x64xf32, #tpu.memory_space<vmem>>
          %dma_start3A_478 = arith.constant 0 : i32
          %dma_start3A_479 = tpu.memref_slice %arg7[%dma_start3A_474, %dma_start3A_478] : memref<4x200xi32, #tpu.memory_space<vmem>> -> memref<1x104xi32, #tpu.memory_space<vmem>>
          %dma_start3A_480 = tpu.memref_squeeze %dma_start3A_479 : memref<1x104xi32, #tpu.memory_space<vmem>> -> memref<104xi32, #tpu.memory_space<vmem>>
          %dma_start3A_481 = arith.constant 0 : i32
          %dma_start3A_482 = arith.constant 0 : i32
          %dma_start3A_483 = tpu.memref_slice %arg3[%dma_start3A_481, %dma_start3A_482] : memref<1000000x64xf32, #tpu.memory_space<hbm>> -> memref<1000000x64xf32, #tpu.memory_space<hbm>>
          tpu.enqueue_indirect_dma source(%dma_start3A_483 : memref<1000000x64xf32, #tpu.memory_space<hbm>>) target(%dma_start3A_477 : memref<104x64xf32, #tpu.memory_space<vmem>>) offsets(%dma_start3A_480 : memref<104xi32, #tpu.memory_space<vmem>>) semaphore(%arg12 : memref<!tpu.dma_semaphore, #tpu.memory_space<semaphore_mem>>)
          %dma_start3A_484 = arith.constant 2 : i32
          %dma_start3A_485 = arith.constant 504 : i32
          %dma_start3A_486 = arith.constant 0 : i32
          %dma_start3A_487 = tpu.memref_slice %arg9[%dma_start3A_485, %dma_start3A_486] : memref<800x64xf32, #tpu.memory_space<vmem>> -> memref<96x64xf32, #tpu.memory_space<vmem>>
          %dma_start3A_488 = arith.constant 104 : i32
          %dma_start3A_489 = tpu.memref_slice %arg7[%dma_start3A_484, %dma_start3A_488] : memref<4x200xi32, #tpu.memory_space<vmem>> -> memref<1x96xi32, #tpu.memory_space<vmem>>
          %dma_start3A_490 = tpu.memref_squeeze %dma_start3A_489 : memref<1x96xi32, #tpu.memory_space<vmem>> -> memref<96xi32, #tpu.memory_space<vmem>>
          %dma_start3A_491 = arith.constant 0 : i32
          %dma_start3A_492 = arith.constant 0 : i32
          %dma_start3A_493 = tpu.memref_slice %arg3[%dma_start3A_491, %dma_start3A_492] : memref<1000000x64xf32, #tpu.memory_space<hbm>> -> memref<1000000x64xf32, #tpu.memory_space<hbm>>
          tpu.enqueue_indirect_dma source(%dma_start3A_493 : memref<1000000x64xf32, #tpu.memory_space<hbm>>) target(%dma_start3A_487 : memref<96x64xf32, #tpu.memory_space<vmem>>) offsets(%dma_start3A_490 : memref<96xi32, #tpu.memory_space<vmem>>) semaphore(%arg12 : memref<!tpu.dma_semaphore, #tpu.memory_space<semaphore_mem>>)
          %dma_start3A_494 = arith.constant 3 : i32
          %dma_start3A_495 = arith.constant 600 : i32
          %dma_start3A_496 = arith.constant 0 : i32
          %dma_start3A_497 = tpu.memref_slice %arg9[%dma_start3A_495, %dma_start3A_496] : memref<800x64xf32, #tpu.memory_space<vmem>> -> memref<104x64xf32, #tpu.memory_space<vmem>>
          %dma_start3A_498 = arith.constant 0 : i32
          %dma_start3A_499 = tpu.memref_slice %arg7[%dma_start3A_494, %dma_start3A_498] : memref<4x200xi32, #tpu.memory_space<vmem>> -> memref<1x104xi32, #tpu.memory_space<vmem>>
          %dma_start3A_500 = tpu.memref_squeeze %dma_start3A_499 : memref<1x104xi32, #tpu.memory_space<vmem>> -> memref<104xi32, #tpu.memory_space<vmem>>
          %dma_start3A_501 = arith.constant 0 : i32
          %dma_start3A_502 = arith.constant 0 : i32
          %dma_start3A_503 = tpu.memref_slice %arg3[%dma_start3A_501, %dma_start3A_502] : memref<1000000x64xf32, #tpu.memory_space<hbm>> -> memref<1000000x64xf32, #tpu.memory_space<hbm>>
          tpu.enqueue_indirect_dma source(%dma_start3A_503 : memref<1000000x64xf32, #tpu.memory_space<hbm>>) target(%dma_start3A_497 : memref<104x64xf32, #tpu.memory_space<vmem>>) offsets(%dma_start3A_500 : memref<104xi32, #tpu.memory_space<vmem>>) semaphore(%arg12 : memref<!tpu.dma_semaphore, #tpu.memory_space<semaphore_mem>>)
          %dma_start3A_504 = arith.constant 3 : i32
          %dma_start3A_505 = arith.constant 704 : i32
          %dma_start3A_506 = arith.constant 0 : i32
          %dma_start3A_507 = tpu.memref_slice %arg9[%dma_start3A_505, %dma_start3A_506] : memref<800x64xf32, #tpu.memory_space<vmem>> -> memref<96x64xf32, #tpu.memory_space<vmem>>
          %dma_start3A_508 = arith.constant 104 : i32
          %dma_start3A_509 = tpu.memref_slice %arg7[%dma_start3A_504, %dma_start3A_508] : memref<4x200xi32, #tpu.memory_space<vmem>> -> memref<1x96xi32, #tpu.memory_space<vmem>>
          %dma_start3A_510 = tpu.memref_squeeze %dma_start3A_509 : memref<1x96xi32, #tpu.memory_space<vmem>> -> memref<96xi32, #tpu.memory_space<vmem>>
          %dma_start3A_511 = arith.constant 0 : i32
          %dma_start3A_512 = arith.constant 0 : i32
          %dma_start3A_513 = tpu.memref_slice %arg3[%dma_start3A_511, %dma_start3A_512] : memref<1000000x64xf32, #tpu.memory_space<hbm>> -> memref<1000000x64xf32, #tpu.memory_space<hbm>>
          tpu.enqueue_indirect_dma source(%dma_start3A_513 : memref<1000000x64xf32, #tpu.memory_space<hbm>>) target(%dma_start3A_507 : memref<96x64xf32, #tpu.memory_space<vmem>>) offsets(%dma_start3A_510 : memref<96xi32, #tpu.memory_space<vmem>>) semaphore(%arg12 : memref<!tpu.dma_semaphore, #tpu.memory_space<semaphore_mem>>)
        } else {
        }
        %dma_wait3A_258 = arith.constant 0 : i32
        %dma_wait3A_259 = arith.constant 0 : i32
        %dma_wait3A_260 = tpu.memref_slice %arg8[%dma_wait3A_258, %dma_wait3A_259] : memref<800x64xf32, #tpu.memory_space<vmem>> -> memref<104x64xf32, #tpu.memory_space<vmem>>
        %dma_wait3A_261 = arith.constant 0 : i32
        %dma_wait3A_262 = arith.constant 0 : i32
        %dma_wait3A_263 = tpu.memref_slice %arg3[%dma_wait3A_261, %dma_wait3A_262] : memref<1000000x64xf32, #tpu.memory_space<hbm>> -> memref<104x64xf32, #tpu.memory_space<hbm>>
        %dma_wait3A_264 = arith.constant 0 : i32
        %dma_wait3A_265 = arith.constant 0 : i32
        %dma_wait3A_266 = tpu.memref_slice %arg8[%dma_wait3A_264, %dma_wait3A_265] : memref<800x64xf32, #tpu.memory_space<vmem>> -> memref<104x64xf32, #tpu.memory_space<vmem>>
        %dma_wait3A_267 = arith.constant 0 : i32
        %dma_wait3A_268 = arith.constant 0 : i32
        %dma_wait3A_269 = tpu.memref_slice %arg3[%dma_wait3A_267, %dma_wait3A_268] : memref<1000000x64xf32, #tpu.memory_space<hbm>> -> memref<104x64xf32, #tpu.memory_space<hbm>>
        tpu.wait_dma2 semaphore(%arg11 : memref<!tpu.dma_semaphore, #tpu.memory_space<semaphore_mem>>) src(%dma_wait3A_269 : memref<104x64xf32, #tpu.memory_space<hbm>>) dst(%dma_wait3A_266 : memref<104x64xf32, #tpu.memory_space<vmem>>)
        %dma_wait3A_270 = arith.constant 104 : i32
        %dma_wait3A_271 = arith.constant 0 : i32
        %dma_wait3A_272 = tpu.memref_slice %arg8[%dma_wait3A_270, %dma_wait3A_271] : memref<800x64xf32, #tpu.memory_space<vmem>> -> memref<96x64xf32, #tpu.memory_space<vmem>>
        %dma_wait3A_273 = arith.constant 0 : i32
        %dma_wait3A_274 = arith.constant 0 : i32
        %dma_wait3A_275 = tpu.memref_slice %arg3[%dma_wait3A_273, %dma_wait3A_274] : memref<1000000x64xf32, #tpu.memory_space<hbm>> -> memref<96x64xf32, #tpu.memory_space<hbm>>
        %dma_wait3A_276 = arith.constant 104 : i32
        %dma_wait3A_277 = arith.constant 0 : i32
        %dma_wait3A_278 = tpu.memref_slice %arg8[%dma_wait3A_276, %dma_wait3A_277] : memref<800x64xf32, #tpu.memory_space<vmem>> -> memref<96x64xf32, #tpu.memory_space<vmem>>
        %dma_wait3A_279 = arith.constant 0 : i32
        %dma_wait3A_280 = arith.constant 0 : i32
        %dma_wait3A_281 = tpu.memref_slice %arg3[%dma_wait3A_279, %dma_wait3A_280] : memref<1000000x64xf32, #tpu.memory_space<hbm>> -> memref<96x64xf32, #tpu.memory_space<hbm>>
        tpu.wait_dma2 semaphore(%arg11 : memref<!tpu.dma_semaphore, #tpu.memory_space<semaphore_mem>>) src(%dma_wait3A_281 : memref<96x64xf32, #tpu.memory_space<hbm>>) dst(%dma_wait3A_278 : memref<96x64xf32, #tpu.memory_space<vmem>>)
        %dma_wait3A_282 = arith.constant 200 : i32
        %dma_wait3A_283 = arith.constant 0 : i32
        %dma_wait3A_284 = tpu.memref_slice %arg8[%dma_wait3A_282, %dma_wait3A_283] : memref<800x64xf32, #tpu.memory_space<vmem>> -> memref<104x64xf32, #tpu.memory_space<vmem>>
        %dma_wait3A_285 = arith.constant 0 : i32
        %dma_wait3A_286 = arith.constant 0 : i32
        %dma_wait3A_287 = tpu.memref_slice %arg3[%dma_wait3A_285, %dma_wait3A_286] : memref<1000000x64xf32, #tpu.memory_space<hbm>> -> memref<104x64xf32, #tpu.memory_space<hbm>>
        %dma_wait3A_288 = arith.constant 200 : i32
        %dma_wait3A_289 = arith.constant 0 : i32
        %dma_wait3A_290 = tpu.memref_slice %arg8[%dma_wait3A_288, %dma_wait3A_289] : memref<800x64xf32, #tpu.memory_space<vmem>> -> memref<104x64xf32, #tpu.memory_space<vmem>>
        %dma_wait3A_291 = arith.constant 0 : i32
        %dma_wait3A_292 = arith.constant 0 : i32
        %dma_wait3A_293 = tpu.memref_slice %arg3[%dma_wait3A_291, %dma_wait3A_292] : memref<1000000x64xf32, #tpu.memory_space<hbm>> -> memref<104x64xf32, #tpu.memory_space<hbm>>
        tpu.wait_dma2 semaphore(%arg11 : memref<!tpu.dma_semaphore, #tpu.memory_space<semaphore_mem>>) src(%dma_wait3A_293 : memref<104x64xf32, #tpu.memory_space<hbm>>) dst(%dma_wait3A_290 : memref<104x64xf32, #tpu.memory_space<vmem>>)
        %dma_wait3A_294 = arith.constant 304 : i32
        %dma_wait3A_295 = arith.constant 0 : i32
        %dma_wait3A_296 = tpu.memref_slice %arg8[%dma_wait3A_294, %dma_wait3A_295] : memref<800x64xf32, #tpu.memory_space<vmem>> -> memref<96x64xf32, #tpu.memory_space<vmem>>
        %dma_wait3A_297 = arith.constant 0 : i32
        %dma_wait3A_298 = arith.constant 0 : i32
        %dma_wait3A_299 = tpu.memref_slice %arg3[%dma_wait3A_297, %dma_wait3A_298] : memref<1000000x64xf32, #tpu.memory_space<hbm>> -> memref<96x64xf32, #tpu.memory_space<hbm>>
        %dma_wait3A_300 = arith.constant 304 : i32
        %dma_wait3A_301 = arith.constant 0 : i32
        %dma_wait3A_302 = tpu.memref_slice %arg8[%dma_wait3A_300, %dma_wait3A_301] : memref<800x64xf32, #tpu.memory_space<vmem>> -> memref<96x64xf32, #tpu.memory_space<vmem>>
        %dma_wait3A_303 = arith.constant 0 : i32
        %dma_wait3A_304 = arith.constant 0 : i32
        %dma_wait3A_305 = tpu.memref_slice %arg3[%dma_wait3A_303, %dma_wait3A_304] : memref<1000000x64xf32, #tpu.memory_space<hbm>> -> memref<96x64xf32, #tpu.memory_space<hbm>>
        tpu.wait_dma2 semaphore(%arg11 : memref<!tpu.dma_semaphore, #tpu.memory_space<semaphore_mem>>) src(%dma_wait3A_305 : memref<96x64xf32, #tpu.memory_space<hbm>>) dst(%dma_wait3A_302 : memref<96x64xf32, #tpu.memory_space<vmem>>)
        %dma_wait3A_306 = arith.constant 400 : i32
        %dma_wait3A_307 = arith.constant 0 : i32
        %dma_wait3A_308 = tpu.memref_slice %arg8[%dma_wait3A_306, %dma_wait3A_307] : memref<800x64xf32, #tpu.memory_space<vmem>> -> memref<104x64xf32, #tpu.memory_space<vmem>>
        %dma_wait3A_309 = arith.constant 0 : i32
        %dma_wait3A_310 = arith.constant 0 : i32
        %dma_wait3A_311 = tpu.memref_slice %arg3[%dma_wait3A_309, %dma_wait3A_310] : memref<1000000x64xf32, #tpu.memory_space<hbm>> -> memref<104x64xf32, #tpu.memory_space<hbm>>
        %dma_wait3A_312 = arith.constant 400 : i32
        %dma_wait3A_313 = arith.constant 0 : i32
        %dma_wait3A_314 = tpu.memref_slice %arg8[%dma_wait3A_312, %dma_wait3A_313] : memref<800x64xf32, #tpu.memory_space<vmem>> -> memref<104x64xf32, #tpu.memory_space<vmem>>
        %dma_wait3A_315 = arith.constant 0 : i32
        %dma_wait3A_316 = arith.constant 0 : i32
        %dma_wait3A_317 = tpu.memref_slice %arg3[%dma_wait3A_315, %dma_wait3A_316] : memref<1000000x64xf32, #tpu.memory_space<hbm>> -> memref<104x64xf32, #tpu.memory_space<hbm>>
        tpu.wait_dma2 semaphore(%arg11 : memref<!tpu.dma_semaphore, #tpu.memory_space<semaphore_mem>>) src(%dma_wait3A_317 : memref<104x64xf32, #tpu.memory_space<hbm>>) dst(%dma_wait3A_314 : memref<104x64xf32, #tpu.memory_space<vmem>>)
        %dma_wait3A_318 = arith.constant 504 : i32
        %dma_wait3A_319 = arith.constant 0 : i32
        %dma_wait3A_320 = tpu.memref_slice %arg8[%dma_wait3A_318, %dma_wait3A_319] : memref<800x64xf32, #tpu.memory_space<vmem>> -> memref<96x64xf32, #tpu.memory_space<vmem>>
        %dma_wait3A_321 = arith.constant 0 : i32
        %dma_wait3A_322 = arith.constant 0 : i32
        %dma_wait3A_323 = tpu.memref_slice %arg3[%dma_wait3A_321, %dma_wait3A_322] : memref<1000000x64xf32, #tpu.memory_space<hbm>> -> memref<96x64xf32, #tpu.memory_space<hbm>>
        %dma_wait3A_324 = arith.constant 504 : i32
        %dma_wait3A_325 = arith.constant 0 : i32
        %dma_wait3A_326 = tpu.memref_slice %arg8[%dma_wait3A_324, %dma_wait3A_325] : memref<800x64xf32, #tpu.memory_space<vmem>> -> memref<96x64xf32, #tpu.memory_space<vmem>>
        %dma_wait3A_327 = arith.constant 0 : i32
        %dma_wait3A_328 = arith.constant 0 : i32
        %dma_wait3A_329 = tpu.memref_slice %arg3[%dma_wait3A_327, %dma_wait3A_328] : memref<1000000x64xf32, #tpu.memory_space<hbm>> -> memref<96x64xf32, #tpu.memory_space<hbm>>
        tpu.wait_dma2 semaphore(%arg11 : memref<!tpu.dma_semaphore, #tpu.memory_space<semaphore_mem>>) src(%dma_wait3A_329 : memref<96x64xf32, #tpu.memory_space<hbm>>) dst(%dma_wait3A_326 : memref<96x64xf32, #tpu.memory_space<vmem>>)
        %dma_wait3A_330 = arith.constant 600 : i32
        %dma_wait3A_331 = arith.constant 0 : i32
        %dma_wait3A_332 = tpu.memref_slice %arg8[%dma_wait3A_330, %dma_wait3A_331] : memref<800x64xf32, #tpu.memory_space<vmem>> -> memref<104x64xf32, #tpu.memory_space<vmem>>
        %dma_wait3A_333 = arith.constant 0 : i32
        %dma_wait3A_334 = arith.constant 0 : i32
        %dma_wait3A_335 = tpu.memref_slice %arg3[%dma_wait3A_333, %dma_wait3A_334] : memref<1000000x64xf32, #tpu.memory_space<hbm>> -> memref<104x64xf32, #tpu.memory_space<hbm>>
        %dma_wait3A_336 = arith.constant 600 : i32
        %dma_wait3A_337 = arith.constant 0 : i32
        %dma_wait3A_338 = tpu.memref_slice %arg8[%dma_wait3A_336, %dma_wait3A_337] : memref<800x64xf32, #tpu.memory_space<vmem>> -> memref<104x64xf32, #tpu.memory_space<vmem>>
        %dma_wait3A_339 = arith.constant 0 : i32
        %dma_wait3A_340 = arith.constant 0 : i32
        %dma_wait3A_341 = tpu.memref_slice %arg3[%dma_wait3A_339, %dma_wait3A_340] : memref<1000000x64xf32, #tpu.memory_space<hbm>> -> memref<104x64xf32, #tpu.memory_space<hbm>>
        tpu.wait_dma2 semaphore(%arg11 : memref<!tpu.dma_semaphore, #tpu.memory_space<semaphore_mem>>) src(%dma_wait3A_341 : memref<104x64xf32, #tpu.memory_space<hbm>>) dst(%dma_wait3A_338 : memref<104x64xf32, #tpu.memory_space<vmem>>)
        %dma_wait3A_342 = arith.constant 704 : i32
        %dma_wait3A_343 = arith.constant 0 : i32
        %dma_wait3A_344 = tpu.memref_slice %arg8[%dma_wait3A_342, %dma_wait3A_343] : memref<800x64xf32, #tpu.memory_space<vmem>> -> memref<96x64xf32, #tpu.memory_space<vmem>>
        %dma_wait3A_345 = arith.constant 0 : i32
        %dma_wait3A_346 = arith.constant 0 : i32
        %dma_wait3A_347 = tpu.memref_slice %arg3[%dma_wait3A_345, %dma_wait3A_346] : memref<1000000x64xf32, #tpu.memory_space<hbm>> -> memref<96x64xf32, #tpu.memory_space<hbm>>
        %dma_wait3A_348 = arith.constant 704 : i32
        %dma_wait3A_349 = arith.constant 0 : i32
        %dma_wait3A_350 = tpu.memref_slice %arg8[%dma_wait3A_348, %dma_wait3A_349] : memref<800x64xf32, #tpu.memory_space<vmem>> -> memref<96x64xf32, #tpu.memory_space<vmem>>
        %dma_wait3A_351 = arith.constant 0 : i32
        %dma_wait3A_352 = arith.constant 0 : i32
        %dma_wait3A_353 = tpu.memref_slice %arg3[%dma_wait3A_351, %dma_wait3A_352] : memref<1000000x64xf32, #tpu.memory_space<hbm>> -> memref<96x64xf32, #tpu.memory_space<hbm>>
        tpu.wait_dma2 semaphore(%arg11 : memref<!tpu.dma_semaphore, #tpu.memory_space<semaphore_mem>>) src(%dma_wait3A_353 : memref<96x64xf32, #tpu.memory_space<hbm>>) dst(%dma_wait3A_350 : memref<96x64xf32, #tpu.memory_space<vmem>>)
        %mul3A_354 = arith.constant 4 : i32
        %mul3A_355 = arith.muli %scan3A_208, %mul3A_354 : i32
        %add3A_356 = arith.addi %mul3A_2, %mul3A_355 : i32
        %multiple_of3A_357 = tpu.assume_multiple %add3A_356, 4 : i32
        %scan3A_358 = arith.constant 0 : i32
        %scan3A_359 = arith.constant 0 : i32
        %scan3A_360 = arith.constant 200 : i32
        %scan3A_361 = arith.addi %scan3A_359, %scan3A_360 : i32
        %scan3A_362 = arith.constant 2 : i32
        scf.for %scan3A_428 = %scan3A_359 to %scan3A_361 step %scan3A_362  : i32 {
          %get3A = arith.index_cast %scan3A_428 : i32 to index
          %get3A_429 = arith.constant 0 : index
          %get3A_430 = tpu.vector_load %arg10[%get3A, %get3A_429] {strides = array<i32>} : memref<200x64xf32, #tpu.memory_space<vmem>>, vector<1x16xf32>,
          %get3A_431 = vector.shape_cast %get3A_430 : vector<1x16xf32> to vector<16xf32>
          %add3A_432 = arith.constant 0 : i32
          %add3A_433 = arith.addi %add3A_432, %scan3A_428 : i32
          %get3A_434 = arith.index_cast %add3A_433 : i32 to index
          %get3A_435 = arith.constant 0 : index
          %get3A_436 = tpu.vector_load %arg8[%get3A_434, %get3A_435] {strides = array<i32>} : memref<800x64xf32, #tpu.memory_space<vmem>>, vector<1x16xf32>,
          %get3A_437 = vector.shape_cast %get3A_436 : vector<1x16xf32> to vector<16xf32>
          %add3A_438 = arith.addf %get3A_437, %get3A_431 : vector<16xf32>
          %swap3A = arith.index_cast %add3A_433 : i32 to index
          %swap3A_439 = arith.constant 0 : index
          %swap3A_440 = tpu.vector_load %arg8[%swap3A, %swap3A_439] {strides = array<i32>} : memref<800x64xf32, #tpu.memory_space<vmem>>, vector<1x16xf32>,
          %swap3A_441 = vector.shape_cast %swap3A_440 : vector<1x16xf32> to vector<16xf32>
          %swap3A_442 = vector.shape_cast %add3A_438 : vector<16xf32> to vector<1x16xf32>
          tpu.vector_store %arg8[%swap3A, %swap3A_439], %swap3A_442 {strides = array<i32>} : memref<800x64xf32, #tpu.memory_space<vmem>>, vector<1x16xf32>,
          %add3A_443 = arith.constant 200 : i32
          %add3A_444 = arith.addi %add3A_443, %scan3A_428 : i32
          %get3A_445 = arith.index_cast %add3A_444 : i32 to index
          %get3A_446 = arith.constant 0 : index
          %get3A_447 = tpu.vector_load %arg8[%get3A_445, %get3A_446] {strides = array<i32>} : memref<800x64xf32, #tpu.memory_space<vmem>>, vector<1x16xf32>,
          %get3A_448 = vector.shape_cast %get3A_447 : vector<1x16xf32> to vector<16xf32>
          %add3A_449 = arith.addf %get3A_448, %get3A_431 : vector<16xf32>
          %swap3A_450 = arith.index_cast %add3A_444 : i32 to index
          %swap3A_451 = arith.constant 0 : index
          %swap3A_452 = tpu.vector_load %arg8[%swap3A_450, %swap3A_451] {strides = array<i32>} : memref<800x64xf32, #tpu.memory_space<vmem>>, vector<1x16xf32>,
          %swap3A_453 = vector.shape_cast %swap3A_452 : vector<1x16xf32> to vector<16xf32>
          %swap3A_454 = vector.shape_cast %add3A_449 : vector<16xf32> to vector<1x16xf32>
          tpu.vector_store %arg8[%swap3A_450, %swap3A_451], %swap3A_454 {strides = array<i32>} : memref<800x64xf32, #tpu.memory_space<vmem>>, vector<1x16xf32>,
          %add3A_455 = arith.constant 400 : i32
          %add3A_456 = arith.addi %add3A_455, %scan3A_428 : i32
          %get3A_457 = arith.index_cast %add3A_456 : i32 to index
          %get3A_458 = arith.constant 0 : index
          %get3A_459 = tpu.vector_load %arg8[%get3A_457, %get3A_458] {strides = array<i32>} : memref<800x64xf32, #tpu.memory_space<vmem>>, vector<1x16xf32>,
          %get3A_460 = vector.shape_cast %get3A_459 : vector<1x16xf32> to vector<16xf32>
          %add3A_461 = arith.addf %get3A_460, %get3A_431 : vector<16xf32>
          %swap3A_462 = arith.index_cast %add3A_456 : i32 to index
          %swap3A_463 = arith.constant 0 : index
          %swap3A_464 = tpu.vector_load %arg8[%swap3A_462, %swap3A_463] {strides = array<i32>} : memref<800x64xf32, #tpu.memory_space<vmem>>, vector<1x16xf32>,
          %swap3A_465 = vector.shape_cast %swap3A_464 : vector<1x16xf32> to vector<16xf32>
          %swap3A_466 = vector.shape_cast %add3A_461 : vector<16xf32> to vector<1x16xf32>
          tpu.vector_store %arg8[%swap3A_462, %swap3A_463], %swap3A_466 {strides = array<i32>} : memref<800x64xf32, #tpu.memory_space<vmem>>, vector<1x16xf32>,
          %add3A_467 = arith.constant 600 : i32
          %add3A_468 = arith.addi %add3A_467, %scan3A_428 : i32
          %get3A_469 = arith.index_cast %add3A_468 : i32 to index
          %get3A_470 = arith.constant 0 : index
          %get3A_471 = tpu.vector_load %arg8[%get3A_469, %get3A_470] {strides = array<i32>} : memref<800x64xf32, #tpu.memory_space<vmem>>, vector<1x16xf32>,
          %get3A_472 = vector.shape_cast %get3A_471 : vector<1x16xf32> to vector<16xf32>
          %add3A_473 = arith.addf %get3A_472, %get3A_431 : vector<16xf32>
          %swap3A_474 = arith.index_cast %add3A_468 : i32 to index
          %swap3A_475 = arith.constant 0 : index
          %swap3A_476 = tpu.vector_load %arg8[%swap3A_474, %swap3A_475] {strides = array<i32>} : memref<800x64xf32, #tpu.memory_space<vmem>>, vector<1x16xf32>,
          %swap3A_477 = vector.shape_cast %swap3A_476 : vector<1x16xf32> to vector<16xf32>
          %swap3A_478 = vector.shape_cast %add3A_473 : vector<16xf32> to vector<1x16xf32>
          tpu.vector_store %arg8[%swap3A_474, %swap3A_475], %swap3A_478 {strides = array<i32>} : memref<800x64xf32, #tpu.memory_space<vmem>>, vector<1x16xf32>,
          %get3A_479 = arith.index_cast %scan3A_428 : i32 to index
          %get3A_480 = arith.constant 16 : index
          %get3A_481 = tpu.vector_load %arg10[%get3A_479, %get3A_480] {strides = array<i32>} : memref<200x64xf32, #tpu.memory_space<vmem>>, vector<1x16xf32>,
          %get3A_482 = vector.shape_cast %get3A_481 : vector<1x16xf32> to vector<16xf32>
          %add3A_483 = arith.constant 0 : i32
          %add3A_484 = arith.addi %add3A_483, %scan3A_428 : i32
          %get3A_485 = arith.index_cast %add3A_484 : i32 to index
          %get3A_486 = arith.constant 16 : index
          %get3A_487 = tpu.vector_load %arg8[%get3A_485, %get3A_486] {strides = array<i32>} : memref<800x64xf32, #tpu.memory_space<vmem>>, vector<1x16xf32>,
          %get3A_488 = vector.shape_cast %get3A_487 : vector<1x16xf32> to vector<16xf32>
          %add3A_489 = arith.addf %get3A_488, %get3A_482 : vector<16xf32>
          %swap3A_490 = arith.index_cast %add3A_484 : i32 to index
          %swap3A_491 = arith.constant 16 : index
          %swap3A_492 = tpu.vector_load %arg8[%swap3A_490, %swap3A_491] {strides = array<i32>} : memref<800x64xf32, #tpu.memory_space<vmem>>, vector<1x16xf32>,
          %swap3A_493 = vector.shape_cast %swap3A_492 : vector<1x16xf32> to vector<16xf32>
          %swap3A_494 = vector.shape_cast %add3A_489 : vector<16xf32> to vector<1x16xf32>
          tpu.vector_store %arg8[%swap3A_490, %swap3A_491], %swap3A_494 {strides = array<i32>} : memref<800x64xf32, #tpu.memory_space<vmem>>, vector<1x16xf32>,
          %add3A_495 = arith.constant 200 : i32
          %add3A_496 = arith.addi %add3A_495, %scan3A_428 : i32
          %get3A_497 = arith.index_cast %add3A_496 : i32 to index
          %get3A_498 = arith.constant 16 : index
          %get3A_499 = tpu.vector_load %arg8[%get3A_497, %get3A_498] {strides = array<i32>} : memref<800x64xf32, #tpu.memory_space<vmem>>, vector<1x16xf32>,
          %get3A_500 = vector.shape_cast %get3A_499 : vector<1x16xf32> to vector<16xf32>
          %add3A_501 = arith.addf %get3A_500, %get3A_482 : vector<16xf32>
          %swap3A_502 = arith.index_cast %add3A_496 : i32 to index
          %swap3A_503 = arith.constant 16 : index
          %swap3A_504 = tpu.vector_load %arg8[%swap3A_502, %swap3A_503] {strides = array<i32>} : memref<800x64xf32, #tpu.memory_space<vmem>>, vector<1x16xf32>,
          %swap3A_505 = vector.shape_cast %swap3A_504 : vector<1x16xf32> to vector<16xf32>
          %swap3A_506 = vector.shape_cast %add3A_501 : vector<16xf32> to vector<1x16xf32>
          tpu.vector_store %arg8[%swap3A_502, %swap3A_503], %swap3A_506 {strides = array<i32>} : memref<800x64xf32, #tpu.memory_space<vmem>>, vector<1x16xf32>,
          %add3A_507 = arith.constant 400 : i32
          %add3A_508 = arith.addi %add3A_507, %scan3A_428 : i32
          %get3A_509 = arith.index_cast %add3A_508 : i32 to index
          %get3A_510 = arith.constant 16 : index
          %get3A_511 = tpu.vector_load %arg8[%get3A_509, %get3A_510] {strides = array<i32>} : memref<800x64xf32, #tpu.memory_space<vmem>>, vector<1x16xf32>,
          %get3A_512 = vector.shape_cast %get3A_511 : vector<1x16xf32> to vector<16xf32>
          %add3A_513 = arith.addf %get3A_512, %get3A_482 : vector<16xf32>
          %swap3A_514 = arith.index_cast %add3A_508 : i32 to index
          %swap3A_515 = arith.constant 16 : index
          %swap3A_516 = tpu.vector_load %arg8[%swap3A_514, %swap3A_515] {strides = array<i32>} : memref<800x64xf32, #tpu.memory_space<vmem>>, vector<1x16xf32>,
          %swap3A_517 = vector.shape_cast %swap3A_516 : vector<1x16xf32> to vector<16xf32>
          %swap3A_518 = vector.shape_cast %add3A_513 : vector<16xf32> to vector<1x16xf32>
          tpu.vector_store %arg8[%swap3A_514, %swap3A_515], %swap3A_518 {strides = array<i32>} : memref<800x64xf32, #tpu.memory_space<vmem>>, vector<1x16xf32>,
          %add3A_519 = arith.constant 600 : i32
          %add3A_520 = arith.addi %add3A_519, %scan3A_428 : i32
          %get3A_521 = arith.index_cast %add3A_520 : i32 to index
          %get3A_522 = arith.constant 16 : index
          %get3A_523 = tpu.vector_load %arg8[%get3A_521, %get3A_522] {strides = array<i32>} : memref<800x64xf32, #tpu.memory_space<vmem>>, vector<1x16xf32>,
          %get3A_524 = vector.shape_cast %get3A_523 : vector<1x16xf32> to vector<16xf32>
          %add3A_525 = arith.addf %get3A_524, %get3A_482 : vector<16xf32>
          %swap3A_526 = arith.index_cast %add3A_520 : i32 to index
          %swap3A_527 = arith.constant 16 : index
          %swap3A_528 = tpu.vector_load %arg8[%swap3A_526, %swap3A_527] {strides = array<i32>} : memref<800x64xf32, #tpu.memory_space<vmem>>, vector<1x16xf32>,
          %swap3A_529 = vector.shape_cast %swap3A_528 : vector<1x16xf32> to vector<16xf32>
          %swap3A_530 = vector.shape_cast %add3A_525 : vector<16xf32> to vector<1x16xf32>
          tpu.vector_store %arg8[%swap3A_526, %swap3A_527], %swap3A_530 {strides = array<i32>} : memref<800x64xf32, #tpu.memory_space<vmem>>, vector<1x16xf32>,
          %get3A_531 = arith.index_cast %scan3A_428 : i32 to index
          %get3A_532 = arith.constant 32 : index
          %get3A_533 = tpu.vector_load %arg10[%get3A_531, %get3A_532] {strides = array<i32>} : memref<200x64xf32, #tpu.memory_space<vmem>>, vector<1x16xf32>,
          %get3A_534 = vector.shape_cast %get3A_533 : vector<1x16xf32> to vector<16xf32>
          %add3A_535 = arith.constant 0 : i32
          %add3A_536 = arith.addi %add3A_535, %scan3A_428 : i32
          %get3A_537 = arith.index_cast %add3A_536 : i32 to index
          %get3A_538 = arith.constant 32 : index
          %get3A_539 = tpu.vector_load %arg8[%get3A_537, %get3A_538] {strides = array<i32>} : memref<800x64xf32, #tpu.memory_space<vmem>>, vector<1x16xf32>,
          %get3A_540 = vector.shape_cast %get3A_539 : vector<1x16xf32> to vector<16xf32>
          %add3A_541 = arith.addf %get3A_540, %get3A_534 : vector<16xf32>
          %swap3A_542 = arith.index_cast %add3A_536 : i32 to index
          %swap3A_543 = arith.constant 32 : index
          %swap3A_544 = tpu.vector_load %arg8[%swap3A_542, %swap3A_543] {strides = array<i32>} : memref<800x64xf32, #tpu.memory_space<vmem>>, vector<1x16xf32>,
          %swap3A_545 = vector.shape_cast %swap3A_544 : vector<1x16xf32> to vector<16xf32>
          %swap3A_546 = vector.shape_cast %add3A_541 : vector<16xf32> to vector<1x16xf32>
          tpu.vector_store %arg8[%swap3A_542, %swap3A_543], %swap3A_546 {strides = array<i32>} : memref<800x64xf32, #tpu.memory_space<vmem>>, vector<1x16xf32>,
          %add3A_547 = arith.constant 200 : i32
          %add3A_548 = arith.addi %add3A_547, %scan3A_428 : i32
          %get3A_549 = arith.index_cast %add3A_548 : i32 to index
          %get3A_550 = arith.constant 32 : index
          %get3A_551 = tpu.vector_load %arg8[%get3A_549, %get3A_550] {strides = array<i32>} : memref<800x64xf32, #tpu.memory_space<vmem>>, vector<1x16xf32>,
          %get3A_552 = vector.shape_cast %get3A_551 : vector<1x16xf32> to vector<16xf32>
          %add3A_553 = arith.addf %get3A_552, %get3A_534 : vector<16xf32>
          %swap3A_554 = arith.index_cast %add3A_548 : i32 to index
          %swap3A_555 = arith.constant 32 : index
          %swap3A_556 = tpu.vector_load %arg8[%swap3A_554, %swap3A_555] {strides = array<i32>} : memref<800x64xf32, #tpu.memory_space<vmem>>, vector<1x16xf32>,
          %swap3A_557 = vector.shape_cast %swap3A_556 : vector<1x16xf32> to vector<16xf32>
          %swap3A_558 = vector.shape_cast %add3A_553 : vector<16xf32> to vector<1x16xf32>
          tpu.vector_store %arg8[%swap3A_554, %swap3A_555], %swap3A_558 {strides = array<i32>} : memref<800x64xf32, #tpu.memory_space<vmem>>, vector<1x16xf32>,
          %add3A_559 = arith.constant 400 : i32
          %add3A_560 = arith.addi %add3A_559, %scan3A_428 : i32
          %get3A_561 = arith.index_cast %add3A_560 : i32 to index
          %get3A_562 = arith.constant 32 : index
          %get3A_563 = tpu.vector_load %arg8[%get3A_561, %get3A_562] {strides = array<i32>} : memref<800x64xf32, #tpu.memory_space<vmem>>, vector<1x16xf32>,
          %get3A_564 = vector.shape_cast %get3A_563 : vector<1x16xf32> to vector<16xf32>
          %add3A_565 = arith.addf %get3A_564, %get3A_534 : vector<16xf32>
          %swap3A_566 = arith.index_cast %add3A_560 : i32 to index
          %swap3A_567 = arith.constant 32 : index
          %swap3A_568 = tpu.vector_load %arg8[%swap3A_566, %swap3A_567] {strides = array<i32>} : memref<800x64xf32, #tpu.memory_space<vmem>>, vector<1x16xf32>,
          %swap3A_569 = vector.shape_cast %swap3A_568 : vector<1x16xf32> to vector<16xf32>
          %swap3A_570 = vector.shape_cast %add3A_565 : vector<16xf32> to vector<1x16xf32>
          tpu.vector_store %arg8[%swap3A_566, %swap3A_567], %swap3A_570 {strides = array<i32>} : memref<800x64xf32, #tpu.memory_space<vmem>>, vector<1x16xf32>,
          %add3A_571 = arith.constant 600 : i32
          %add3A_572 = arith.addi %add3A_571, %scan3A_428 : i32
          %get3A_573 = arith.index_cast %add3A_572 : i32 to index
          %get3A_574 = arith.constant 32 : index
          %get3A_575 = tpu.vector_load %arg8[%get3A_573, %get3A_574] {strides = array<i32>} : memref<800x64xf32, #tpu.memory_space<vmem>>, vector<1x16xf32>,
          %get3A_576 = vector.shape_cast %get3A_575 : vector<1x16xf32> to vector<16xf32>
          %add3A_577 = arith.addf %get3A_576, %get3A_534 : vector<16xf32>
          %swap3A_578 = arith.index_cast %add3A_572 : i32 to index
          %swap3A_579 = arith.constant 32 : index
          %swap3A_580 = tpu.vector_load %arg8[%swap3A_578, %swap3A_579] {strides = array<i32>} : memref<800x64xf32, #tpu.memory_space<vmem>>, vector<1x16xf32>,
          %swap3A_581 = vector.shape_cast %swap3A_580 : vector<1x16xf32> to vector<16xf32>
          %swap3A_582 = vector.shape_cast %add3A_577 : vector<16xf32> to vector<1x16xf32>
          tpu.vector_store %arg8[%swap3A_578, %swap3A_579], %swap3A_582 {strides = array<i32>} : memref<800x64xf32, #tpu.memory_space<vmem>>, vector<1x16xf32>,
          %get3A_583 = arith.index_cast %scan3A_428 : i32 to index
          %get3A_584 = arith.constant 48 : index
          %get3A_585 = tpu.vector_load %arg10[%get3A_583, %get3A_584] {strides = array<i32>} : memref<200x64xf32, #tpu.memory_space<vmem>>, vector<1x16xf32>,
          %get3A_586 = vector.shape_cast %get3A_585 : vector<1x16xf32> to vector<16xf32>
          %add3A_587 = arith.constant 0 : i32
          %add3A_588 = arith.addi %add3A_587, %scan3A_428 : i32
          %get3A_589 = arith.index_cast %add3A_588 : i32 to index
          %get3A_590 = arith.constant 48 : index
          %get3A_591 = tpu.vector_load %arg8[%get3A_589, %get3A_590] {strides = array<i32>} : memref<800x64xf32, #tpu.memory_space<vmem>>, vector<1x16xf32>,
          %get3A_592 = vector.shape_cast %get3A_591 : vector<1x16xf32> to vector<16xf32>
          %add3A_593 = arith.addf %get3A_592, %get3A_586 : vector<16xf32>
          %swap3A_594 = arith.index_cast %add3A_588 : i32 to index
          %swap3A_595 = arith.constant 48 : index
          %swap3A_596 = tpu.vector_load %arg8[%swap3A_594, %swap3A_595] {strides = array<i32>} : memref<800x64xf32, #tpu.memory_space<vmem>>, vector<1x16xf32>,
          %swap3A_597 = vector.shape_cast %swap3A_596 : vector<1x16xf32> to vector<16xf32>
          %swap3A_598 = vector.shape_cast %add3A_593 : vector<16xf32> to vector<1x16xf32>
          tpu.vector_store %arg8[%swap3A_594, %swap3A_595], %swap3A_598 {strides = array<i32>} : memref<800x64xf32, #tpu.memory_space<vmem>>, vector<1x16xf32>,
          %add3A_599 = arith.constant 200 : i32
          %add3A_600 = arith.addi %add3A_599, %scan3A_428 : i32
          %get3A_601 = arith.index_cast %add3A_600 : i32 to index
          %get3A_602 = arith.constant 48 : index
          %get3A_603 = tpu.vector_load %arg8[%get3A_601, %get3A_602] {strides = array<i32>} : memref<800x64xf32, #tpu.memory_space<vmem>>, vector<1x16xf32>,
          %get3A_604 = vector.shape_cast %get3A_603 : vector<1x16xf32> to vector<16xf32>
          %add3A_605 = arith.addf %get3A_604, %get3A_586 : vector<16xf32>
          %swap3A_606 = arith.index_cast %add3A_600 : i32 to index
          %swap3A_607 = arith.constant 48 : index
          %swap3A_608 = tpu.vector_load %arg8[%swap3A_606, %swap3A_607] {strides = array<i32>} : memref<800x64xf32, #tpu.memory_space<vmem>>, vector<1x16xf32>,
          %swap3A_609 = vector.shape_cast %swap3A_608 : vector<1x16xf32> to vector<16xf32>
          %swap3A_610 = vector.shape_cast %add3A_605 : vector<16xf32> to vector<1x16xf32>
          tpu.vector_store %arg8[%swap3A_606, %swap3A_607], %swap3A_610 {strides = array<i32>} : memref<800x64xf32, #tpu.memory_space<vmem>>, vector<1x16xf32>,
          %add3A_611 = arith.constant 400 : i32
          %add3A_612 = arith.addi %add3A_611, %scan3A_428 : i32
          %get3A_613 = arith.index_cast %add3A_612 : i32 to index
          %get3A_614 = arith.constant 48 : index
          %get3A_615 = tpu.vector_load %arg8[%get3A_613, %get3A_614] {strides = array<i32>} : memref<800x64xf32, #tpu.memory_space<vmem>>, vector<1x16xf32>,
          %get3A_616 = vector.shape_cast %get3A_615 : vector<1x16xf32> to vector<16xf32>
          %add3A_617 = arith.addf %get3A_616, %get3A_586 : vector<16xf32>
          %swap3A_618 = arith.index_cast %add3A_612 : i32 to index
          %swap3A_619 = arith.constant 48 : index
          %swap3A_620 = tpu.vector_load %arg8[%swap3A_618, %swap3A_619] {strides = array<i32>} : memref<800x64xf32, #tpu.memory_space<vmem>>, vector<1x16xf32>,
          %swap3A_621 = vector.shape_cast %swap3A_620 : vector<1x16xf32> to vector<16xf32>
          %swap3A_622 = vector.shape_cast %add3A_617 : vector<16xf32> to vector<1x16xf32>
          tpu.vector_store %arg8[%swap3A_618, %swap3A_619], %swap3A_622 {strides = array<i32>} : memref<800x64xf32, #tpu.memory_space<vmem>>, vector<1x16xf32>,
          %add3A_623 = arith.constant 600 : i32
          %add3A_624 = arith.addi %add3A_623, %scan3A_428 : i32
          %get3A_625 = arith.index_cast %add3A_624 : i32 to index
          %get3A_626 = arith.constant 48 : index
          %get3A_627 = tpu.vector_load %arg8[%get3A_625, %get3A_626] {strides = array<i32>} : memref<800x64xf32, #tpu.memory_space<vmem>>, vector<1x16xf32>,
          %get3A_628 = vector.shape_cast %get3A_627 : vector<1x16xf32> to vector<16xf32>
          %add3A_629 = arith.addf %get3A_628, %get3A_586 : vector<16xf32>
          %swap3A_630 = arith.index_cast %add3A_624 : i32 to index
          %swap3A_631 = arith.constant 48 : index
          %swap3A_632 = tpu.vector_load %arg8[%swap3A_630, %swap3A_631] {strides = array<i32>} : memref<800x64xf32, #tpu.memory_space<vmem>>, vector<1x16xf32>,
          %swap3A_633 = vector.shape_cast %swap3A_632 : vector<1x16xf32> to vector<16xf32>
          %swap3A_634 = vector.shape_cast %add3A_629 : vector<16xf32> to vector<1x16xf32>
          tpu.vector_store %arg8[%swap3A_630, %swap3A_631], %swap3A_634 {strides = array<i32>} : memref<800x64xf32, #tpu.memory_space<vmem>>, vector<1x16xf32>,
          %scan3A_635 = arith.constant 1 : i32
          %scan3A_636 = arith.addi %scan3A_428, %scan3A_635 : i32
          %get3A_637 = arith.index_cast %scan3A_636 : i32 to index
          %get3A_638 = arith.constant 0 : index
          %get3A_639 = tpu.vector_load %arg10[%get3A_637, %get3A_638] {strides = array<i32>} : memref<200x64xf32, #tpu.memory_space<vmem>>, vector<1x16xf32>,
          %get3A_640 = vector.shape_cast %get3A_639 : vector<1x16xf32> to vector<16xf32>
          %add3A_641 = arith.constant 0 : i32
          %add3A_642 = arith.addi %add3A_641, %scan3A_636 : i32
          %get3A_643 = arith.index_cast %add3A_642 : i32 to index
          %get3A_644 = arith.constant 0 : index
          %get3A_645 = tpu.vector_load %arg8[%get3A_643, %get3A_644] {strides = array<i32>} : memref<800x64xf32, #tpu.memory_space<vmem>>, vector<1x16xf32>,
          %get3A_646 = vector.shape_cast %get3A_645 : vector<1x16xf32> to vector<16xf32>
          %add3A_647 = arith.addf %get3A_646, %get3A_640 : vector<16xf32>
          %swap3A_648 = arith.index_cast %add3A_642 : i32 to index
          %swap3A_649 = arith.constant 0 : index
          %swap3A_650 = tpu.vector_load %arg8[%swap3A_648, %swap3A_649] {strides = array<i32>} : memref<800x64xf32, #tpu.memory_space<vmem>>, vector<1x16xf32>,
          %swap3A_651 = vector.shape_cast %swap3A_650 : vector<1x16xf32> to vector<16xf32>
          %swap3A_652 = vector.shape_cast %add3A_647 : vector<16xf32> to vector<1x16xf32>
          tpu.vector_store %arg8[%swap3A_648, %swap3A_649], %swap3A_652 {strides = array<i32>} : memref<800x64xf32, #tpu.memory_space<vmem>>, vector<1x16xf32>,
          %add3A_653 = arith.constant 200 : i32
          %add3A_654 = arith.addi %add3A_653, %scan3A_636 : i32
          %get3A_655 = arith.index_cast %add3A_654 : i32 to index
          %get3A_656 = arith.constant 0 : index
          %get3A_657 = tpu.vector_load %arg8[%get3A_655, %get3A_656] {strides = array<i32>} : memref<800x64xf32, #tpu.memory_space<vmem>>, vector<1x16xf32>,
          %get3A_658 = vector.shape_cast %get3A_657 : vector<1x16xf32> to vector<16xf32>
          %add3A_659 = arith.addf %get3A_658, %get3A_640 : vector<16xf32>
          %swap3A_660 = arith.index_cast %add3A_654 : i32 to index
          %swap3A_661 = arith.constant 0 : index
          %swap3A_662 = tpu.vector_load %arg8[%swap3A_660, %swap3A_661] {strides = array<i32>} : memref<800x64xf32, #tpu.memory_space<vmem>>, vector<1x16xf32>,
          %swap3A_663 = vector.shape_cast %swap3A_662 : vector<1x16xf32> to vector<16xf32>
          %swap3A_664 = vector.shape_cast %add3A_659 : vector<16xf32> to vector<1x16xf32>
          tpu.vector_store %arg8[%swap3A_660, %swap3A_661], %swap3A_664 {strides = array<i32>} : memref<800x64xf32, #tpu.memory_space<vmem>>, vector<1x16xf32>,
          %add3A_665 = arith.constant 400 : i32
          %add3A_666 = arith.addi %add3A_665, %scan3A_636 : i32
          %get3A_667 = arith.index_cast %add3A_666 : i32 to index
          %get3A_668 = arith.constant 0 : index
          %get3A_669 = tpu.vector_load %arg8[%get3A_667, %get3A_668] {strides = array<i32>} : memref<800x64xf32, #tpu.memory_space<vmem>>, vector<1x16xf32>,
          %get3A_670 = vector.shape_cast %get3A_669 : vector<1x16xf32> to vector<16xf32>
          %add3A_671 = arith.addf %get3A_670, %get3A_640 : vector<16xf32>
          %swap3A_672 = arith.index_cast %add3A_666 : i32 to index
          %swap3A_673 = arith.constant 0 : index
          %swap3A_674 = tpu.vector_load %arg8[%swap3A_672, %swap3A_673] {strides = array<i32>} : memref<800x64xf32, #tpu.memory_space<vmem>>, vector<1x16xf32>,
          %swap3A_675 = vector.shape_cast %swap3A_674 : vector<1x16xf32> to vector<16xf32>
          %swap3A_676 = vector.shape_cast %add3A_671 : vector<16xf32> to vector<1x16xf32>
          tpu.vector_store %arg8[%swap3A_672, %swap3A_673], %swap3A_676 {strides = array<i32>} : memref<800x64xf32, #tpu.memory_space<vmem>>, vector<1x16xf32>,
          %add3A_677 = arith.constant 600 : i32
          %add3A_678 = arith.addi %add3A_677, %scan3A_636 : i32
          %get3A_679 = arith.index_cast %add3A_678 : i32 to index
          %get3A_680 = arith.constant 0 : index
          %get3A_681 = tpu.vector_load %arg8[%get3A_679, %get3A_680] {strides = array<i32>} : memref<800x64xf32, #tpu.memory_space<vmem>>, vector<1x16xf32>,
          %get3A_682 = vector.shape_cast %get3A_681 : vector<1x16xf32> to vector<16xf32>
          %add3A_683 = arith.addf %get3A_682, %get3A_640 : vector<16xf32>
          %swap3A_684 = arith.index_cast %add3A_678 : i32 to index
          %swap3A_685 = arith.constant 0 : index
          %swap3A_686 = tpu.vector_load %arg8[%swap3A_684, %swap3A_685] {strides = array<i32>} : memref<800x64xf32, #tpu.memory_space<vmem>>, vector<1x16xf32>,
          %swap3A_687 = vector.shape_cast %swap3A_686 : vector<1x16xf32> to vector<16xf32>
          %swap3A_688 = vector.shape_cast %add3A_683 : vector<16xf32> to vector<1x16xf32>
          tpu.vector_store %arg8[%swap3A_684, %swap3A_685], %swap3A_688 {strides = array<i32>} : memref<800x64xf32, #tpu.memory_space<vmem>>, vector<1x16xf32>,
          %get3A_689 = arith.index_cast %scan3A_636 : i32 to index
          %get3A_690 = arith.constant 16 : index
          %get3A_691 = tpu.vector_load %arg10[%get3A_689, %get3A_690] {strides = array<i32>} : memref<200x64xf32, #tpu.memory_space<vmem>>, vector<1x16xf32>,
          %get3A_692 = vector.shape_cast %get3A_691 : vector<1x16xf32> to vector<16xf32>
          %add3A_693 = arith.constant 0 : i32
          %add3A_694 = arith.addi %add3A_693, %scan3A_636 : i32
          %get3A_695 = arith.index_cast %add3A_694 : i32 to index
          %get3A_696 = arith.constant 16 : index
          %get3A_697 = tpu.vector_load %arg8[%get3A_695, %get3A_696] {strides = array<i32>} : memref<800x64xf32, #tpu.memory_space<vmem>>, vector<1x16xf32>,
          %get3A_698 = vector.shape_cast %get3A_697 : vector<1x16xf32> to vector<16xf32>
          %add3A_699 = arith.addf %get3A_698, %get3A_692 : vector<16xf32>
          %swap3A_700 = arith.index_cast %add3A_694 : i32 to index
          %swap3A_701 = arith.constant 16 : index
          %swap3A_702 = tpu.vector_load %arg8[%swap3A_700, %swap3A_701] {strides = array<i32>} : memref<800x64xf32, #tpu.memory_space<vmem>>, vector<1x16xf32>,
          %swap3A_703 = vector.shape_cast %swap3A_702 : vector<1x16xf32> to vector<16xf32>
          %swap3A_704 = vector.shape_cast %add3A_699 : vector<16xf32> to vector<1x16xf32>
          tpu.vector_store %arg8[%swap3A_700, %swap3A_701], %swap3A_704 {strides = array<i32>} : memref<800x64xf32, #tpu.memory_space<vmem>>, vector<1x16xf32>,
          %add3A_705 = arith.constant 200 : i32
          %add3A_706 = arith.addi %add3A_705, %scan3A_636 : i32
          %get3A_707 = arith.index_cast %add3A_706 : i32 to index
          %get3A_708 = arith.constant 16 : index
          %get3A_709 = tpu.vector_load %arg8[%get3A_707, %get3A_708] {strides = array<i32>} : memref<800x64xf32, #tpu.memory_space<vmem>>, vector<1x16xf32>,
          %get3A_710 = vector.shape_cast %get3A_709 : vector<1x16xf32> to vector<16xf32>
          %add3A_711 = arith.addf %get3A_710, %get3A_692 : vector<16xf32>
          %swap3A_712 = arith.index_cast %add3A_706 : i32 to index
          %swap3A_713 = arith.constant 16 : index
          %swap3A_714 = tpu.vector_load %arg8[%swap3A_712, %swap3A_713] {strides = array<i32>} : memref<800x64xf32, #tpu.memory_space<vmem>>, vector<1x16xf32>,
          %swap3A_715 = vector.shape_cast %swap3A_714 : vector<1x16xf32> to vector<16xf32>
          %swap3A_716 = vector.shape_cast %add3A_711 : vector<16xf32> to vector<1x16xf32>
          tpu.vector_store %arg8[%swap3A_712, %swap3A_713], %swap3A_716 {strides = array<i32>} : memref<800x64xf32, #tpu.memory_space<vmem>>, vector<1x16xf32>,
          %add3A_717 = arith.constant 400 : i32
          %add3A_718 = arith.addi %add3A_717, %scan3A_636 : i32
          %get3A_719 = arith.index_cast %add3A_718 : i32 to index
          %get3A_720 = arith.constant 16 : index
          %get3A_721 = tpu.vector_load %arg8[%get3A_719, %get3A_720] {strides = array<i32>} : memref<800x64xf32, #tpu.memory_space<vmem>>, vector<1x16xf32>,
          %get3A_722 = vector.shape_cast %get3A_721 : vector<1x16xf32> to vector<16xf32>
          %add3A_723 = arith.addf %get3A_722, %get3A_692 : vector<16xf32>
          %swap3A_724 = arith.index_cast %add3A_718 : i32 to index
          %swap3A_725 = arith.constant 16 : index
          %swap3A_726 = tpu.vector_load %arg8[%swap3A_724, %swap3A_725] {strides = array<i32>} : memref<800x64xf32, #tpu.memory_space<vmem>>, vector<1x16xf32>,
          %swap3A_727 = vector.shape_cast %swap3A_726 : vector<1x16xf32> to vector<16xf32>
          %swap3A_728 = vector.shape_cast %add3A_723 : vector<16xf32> to vector<1x16xf32>
          tpu.vector_store %arg8[%swap3A_724, %swap3A_725], %swap3A_728 {strides = array<i32>} : memref<800x64xf32, #tpu.memory_space<vmem>>, vector<1x16xf32>,
          %add3A_729 = arith.constant 600 : i32
          %add3A_730 = arith.addi %add3A_729, %scan3A_636 : i32
          %get3A_731 = arith.index_cast %add3A_730 : i32 to index
          %get3A_732 = arith.constant 16 : index
          %get3A_733 = tpu.vector_load %arg8[%get3A_731, %get3A_732] {strides = array<i32>} : memref<800x64xf32, #tpu.memory_space<vmem>>, vector<1x16xf32>,
          %get3A_734 = vector.shape_cast %get3A_733 : vector<1x16xf32> to vector<16xf32>
          %add3A_735 = arith.addf %get3A_734, %get3A_692 : vector<16xf32>
          %swap3A_736 = arith.index_cast %add3A_730 : i32 to index
          %swap3A_737 = arith.constant 16 : index
          %swap3A_738 = tpu.vector_load %arg8[%swap3A_736, %swap3A_737] {strides = array<i32>} : memref<800x64xf32, #tpu.memory_space<vmem>>, vector<1x16xf32>,
          %swap3A_739 = vector.shape_cast %swap3A_738 : vector<1x16xf32> to vector<16xf32>
          %swap3A_740 = vector.shape_cast %add3A_735 : vector<16xf32> to vector<1x16xf32>
          tpu.vector_store %arg8[%swap3A_736, %swap3A_737], %swap3A_740 {strides = array<i32>} : memref<800x64xf32, #tpu.memory_space<vmem>>, vector<1x16xf32>,
          %get3A_741 = arith.index_cast %scan3A_636 : i32 to index
          %get3A_742 = arith.constant 32 : index
          %get3A_743 = tpu.vector_load %arg10[%get3A_741, %get3A_742] {strides = array<i32>} : memref<200x64xf32, #tpu.memory_space<vmem>>, vector<1x16xf32>,
          %get3A_744 = vector.shape_cast %get3A_743 : vector<1x16xf32> to vector<16xf32>
          %add3A_745 = arith.constant 0 : i32
          %add3A_746 = arith.addi %add3A_745, %scan3A_636 : i32
          %get3A_747 = arith.index_cast %add3A_746 : i32 to index
          %get3A_748 = arith.constant 32 : index
          %get3A_749 = tpu.vector_load %arg8[%get3A_747, %get3A_748] {strides = array<i32>} : memref<800x64xf32, #tpu.memory_space<vmem>>, vector<1x16xf32>,
          %get3A_750 = vector.shape_cast %get3A_749 : vector<1x16xf32> to vector<16xf32>
          %add3A_751 = arith.addf %get3A_750, %get3A_744 : vector<16xf32>
          %swap3A_752 = arith.index_cast %add3A_746 : i32 to index
          %swap3A_753 = arith.constant 32 : index
          %swap3A_754 = tpu.vector_load %arg8[%swap3A_752, %swap3A_753] {strides = array<i32>} : memref<800x64xf32, #tpu.memory_space<vmem>>, vector<1x16xf32>,
          %swap3A_755 = vector.shape_cast %swap3A_754 : vector<1x16xf32> to vector<16xf32>
          %swap3A_756 = vector.shape_cast %add3A_751 : vector<16xf32> to vector<1x16xf32>
          tpu.vector_store %arg8[%swap3A_752, %swap3A_753], %swap3A_756 {strides = array<i32>} : memref<800x64xf32, #tpu.memory_space<vmem>>, vector<1x16xf32>,
          %add3A_757 = arith.constant 200 : i32
          %add3A_758 = arith.addi %add3A_757, %scan3A_636 : i32
          %get3A_759 = arith.index_cast %add3A_758 : i32 to index
          %get3A_760 = arith.constant 32 : index
          %get3A_761 = tpu.vector_load %arg8[%get3A_759, %get3A_760] {strides = array<i32>} : memref<800x64xf32, #tpu.memory_space<vmem>>, vector<1x16xf32>,
          %get3A_762 = vector.shape_cast %get3A_761 : vector<1x16xf32> to vector<16xf32>
          %add3A_763 = arith.addf %get3A_762, %get3A_744 : vector<16xf32>
          %swap3A_764 = arith.index_cast %add3A_758 : i32 to index
          %swap3A_765 = arith.constant 32 : index
          %swap3A_766 = tpu.vector_load %arg8[%swap3A_764, %swap3A_765] {strides = array<i32>} : memref<800x64xf32, #tpu.memory_space<vmem>>, vector<1x16xf32>,
          %swap3A_767 = vector.shape_cast %swap3A_766 : vector<1x16xf32> to vector<16xf32>
          %swap3A_768 = vector.shape_cast %add3A_763 : vector<16xf32> to vector<1x16xf32>
          tpu.vector_store %arg8[%swap3A_764, %swap3A_765], %swap3A_768 {strides = array<i32>} : memref<800x64xf32, #tpu.memory_space<vmem>>, vector<1x16xf32>,
          %add3A_769 = arith.constant 400 : i32
          %add3A_770 = arith.addi %add3A_769, %scan3A_636 : i32
          %get3A_771 = arith.index_cast %add3A_770 : i32 to index
          %get3A_772 = arith.constant 32 : index
          %get3A_773 = tpu.vector_load %arg8[%get3A_771, %get3A_772] {strides = array<i32>} : memref<800x64xf32, #tpu.memory_space<vmem>>, vector<1x16xf32>,
          %get3A_774 = vector.shape_cast %get3A_773 : vector<1x16xf32> to vector<16xf32>
          %add3A_775 = arith.addf %get3A_774, %get3A_744 : vector<16xf32>
          %swap3A_776 = arith.index_cast %add3A_770 : i32 to index
          %swap3A_777 = arith.constant 32 : index
          %swap3A_778 = tpu.vector_load %arg8[%swap3A_776, %swap3A_777] {strides = array<i32>} : memref<800x64xf32, #tpu.memory_space<vmem>>, vector<1x16xf32>,
          %swap3A_779 = vector.shape_cast %swap3A_778 : vector<1x16xf32> to vector<16xf32>
          %swap3A_780 = vector.shape_cast %add3A_775 : vector<16xf32> to vector<1x16xf32>
          tpu.vector_store %arg8[%swap3A_776, %swap3A_777], %swap3A_780 {strides = array<i32>} : memref<800x64xf32, #tpu.memory_space<vmem>>, vector<1x16xf32>,
          %add3A_781 = arith.constant 600 : i32
          %add3A_782 = arith.addi %add3A_781, %scan3A_636 : i32
          %get3A_783 = arith.index_cast %add3A_782 : i32 to index
          %get3A_784 = arith.constant 32 : index
          %get3A_785 = tpu.vector_load %arg8[%get3A_783, %get3A_784] {strides = array<i32>} : memref<800x64xf32, #tpu.memory_space<vmem>>, vector<1x16xf32>,
          %get3A_786 = vector.shape_cast %get3A_785 : vector<1x16xf32> to vector<16xf32>
          %add3A_787 = arith.addf %get3A_786, %get3A_744 : vector<16xf32>
          %swap3A_788 = arith.index_cast %add3A_782 : i32 to index
          %swap3A_789 = arith.constant 32 : index
          %swap3A_790 = tpu.vector_load %arg8[%swap3A_788, %swap3A_789] {strides = array<i32>} : memref<800x64xf32, #tpu.memory_space<vmem>>, vector<1x16xf32>,
          %swap3A_791 = vector.shape_cast %swap3A_790 : vector<1x16xf32> to vector<16xf32>
          %swap3A_792 = vector.shape_cast %add3A_787 : vector<16xf32> to vector<1x16xf32>
          tpu.vector_store %arg8[%swap3A_788, %swap3A_789], %swap3A_792 {strides = array<i32>} : memref<800x64xf32, #tpu.memory_space<vmem>>, vector<1x16xf32>,
          %get3A_793 = arith.index_cast %scan3A_636 : i32 to index
          %get3A_794 = arith.constant 48 : index
          %get3A_795 = tpu.vector_load %arg10[%get3A_793, %get3A_794] {strides = array<i32>} : memref<200x64xf32, #tpu.memory_space<vmem>>, vector<1x16xf32>,
          %get3A_796 = vector.shape_cast %get3A_795 : vector<1x16xf32> to vector<16xf32>
          %add3A_797 = arith.constant 0 : i32
          %add3A_798 = arith.addi %add3A_797, %scan3A_636 : i32
          %get3A_799 = arith.index_cast %add3A_798 : i32 to index
          %get3A_800 = arith.constant 48 : index
          %get3A_801 = tpu.vector_load %arg8[%get3A_799, %get3A_800] {strides = array<i32>} : memref<800x64xf32, #tpu.memory_space<vmem>>, vector<1x16xf32>,
          %get3A_802 = vector.shape_cast %get3A_801 : vector<1x16xf32> to vector<16xf32>
          %add3A_803 = arith.addf %get3A_802, %get3A_796 : vector<16xf32>
          %swap3A_804 = arith.index_cast %add3A_798 : i32 to index
          %swap3A_805 = arith.constant 48 : index
          %swap3A_806 = tpu.vector_load %arg8[%swap3A_804, %swap3A_805] {strides = array<i32>} : memref<800x64xf32, #tpu.memory_space<vmem>>, vector<1x16xf32>,
          %swap3A_807 = vector.shape_cast %swap3A_806 : vector<1x16xf32> to vector<16xf32>
          %swap3A_808 = vector.shape_cast %add3A_803 : vector<16xf32> to vector<1x16xf32>
          tpu.vector_store %arg8[%swap3A_804, %swap3A_805], %swap3A_808 {strides = array<i32>} : memref<800x64xf32, #tpu.memory_space<vmem>>, vector<1x16xf32>,
          %add3A_809 = arith.constant 200 : i32
          %add3A_810 = arith.addi %add3A_809, %scan3A_636 : i32
          %get3A_811 = arith.index_cast %add3A_810 : i32 to index
          %get3A_812 = arith.constant 48 : index
          %get3A_813 = tpu.vector_load %arg8[%get3A_811, %get3A_812] {strides = array<i32>} : memref<800x64xf32, #tpu.memory_space<vmem>>, vector<1x16xf32>,
          %get3A_814 = vector.shape_cast %get3A_813 : vector<1x16xf32> to vector<16xf32>
          %add3A_815 = arith.addf %get3A_814, %get3A_796 : vector<16xf32>
          %swap3A_816 = arith.index_cast %add3A_810 : i32 to index
          %swap3A_817 = arith.constant 48 : index
          %swap3A_818 = tpu.vector_load %arg8[%swap3A_816, %swap3A_817] {strides = array<i32>} : memref<800x64xf32, #tpu.memory_space<vmem>>, vector<1x16xf32>,
          %swap3A_819 = vector.shape_cast %swap3A_818 : vector<1x16xf32> to vector<16xf32>
          %swap3A_820 = vector.shape_cast %add3A_815 : vector<16xf32> to vector<1x16xf32>
          tpu.vector_store %arg8[%swap3A_816, %swap3A_817], %swap3A_820 {strides = array<i32>} : memref<800x64xf32, #tpu.memory_space<vmem>>, vector<1x16xf32>,
          %add3A_821 = arith.constant 400 : i32
          %add3A_822 = arith.addi %add3A_821, %scan3A_636 : i32
          %get3A_823 = arith.index_cast %add3A_822 : i32 to index
          %get3A_824 = arith.constant 48 : index
          %get3A_825 = tpu.vector_load %arg8[%get3A_823, %get3A_824] {strides = array<i32>} : memref<800x64xf32, #tpu.memory_space<vmem>>, vector<1x16xf32>,
          %get3A_826 = vector.shape_cast %get3A_825 : vector<1x16xf32> to vector<16xf32>
          %add3A_827 = arith.addf %get3A_826, %get3A_796 : vector<16xf32>
          %swap3A_828 = arith.index_cast %add3A_822 : i32 to index
          %swap3A_829 = arith.constant 48 : index
          %swap3A_830 = tpu.vector_load %arg8[%swap3A_828, %swap3A_829] {strides = array<i32>} : memref<800x64xf32, #tpu.memory_space<vmem>>, vector<1x16xf32>,
          %swap3A_831 = vector.shape_cast %swap3A_830 : vector<1x16xf32> to vector<16xf32>
          %swap3A_832 = vector.shape_cast %add3A_827 : vector<16xf32> to vector<1x16xf32>
          tpu.vector_store %arg8[%swap3A_828, %swap3A_829], %swap3A_832 {strides = array<i32>} : memref<800x64xf32, #tpu.memory_space<vmem>>, vector<1x16xf32>,
          %add3A_833 = arith.constant 600 : i32
          %add3A_834 = arith.addi %add3A_833, %scan3A_636 : i32
          %get3A_835 = arith.index_cast %add3A_834 : i32 to index
          %get3A_836 = arith.constant 48 : index
          %get3A_837 = tpu.vector_load %arg8[%get3A_835, %get3A_836] {strides = array<i32>} : memref<800x64xf32, #tpu.memory_space<vmem>>, vector<1x16xf32>,
          %get3A_838 = vector.shape_cast %get3A_837 : vector<1x16xf32> to vector<16xf32>
          %add3A_839 = arith.addf %get3A_838, %get3A_796 : vector<16xf32>
          %swap3A_840 = arith.index_cast %add3A_834 : i32 to index
          %swap3A_841 = arith.constant 48 : index
          %swap3A_842 = tpu.vector_load %arg8[%swap3A_840, %swap3A_841] {strides = array<i32>} : memref<800x64xf32, #tpu.memory_space<vmem>>, vector<1x16xf32>,
          %swap3A_843 = vector.shape_cast %swap3A_842 : vector<1x16xf32> to vector<16xf32>
          %swap3A_844 = vector.shape_cast %add3A_839 : vector<16xf32> to vector<1x16xf32>
          tpu.vector_store %arg8[%swap3A_840, %swap3A_841], %swap3A_844 {strides = array<i32>} : memref<800x64xf32, #tpu.memory_space<vmem>>, vector<1x16xf32>,
        }
        %scan3A_363 = arith.constant 200 : i32
        %add3A_364 = arith.constant 0 : i32
        %add3A_365 = arith.addi %multiple_of3A_357, %add3A_364 : i32
        %dma_start3A_366 = arith.constant 0 : i32
        %dma_start3A_367 = arith.constant 0 : i32
        %dma_start3A_368 = tpu.memref_slice %arg8[%dma_start3A_366, %dma_start3A_367] : memref<800x64xf32, #tpu.memory_space<vmem>> -> memref<200x64xf32, #tpu.memory_space<vmem>>
        %dma_start3A_369 = arith.constant 0 : i32
        %dma_start3A_370 = arith.constant 0 : i32
        %dma_start3A_371 = tpu.memref_slice %arg5[%add3A_365, %dma_start3A_369, %dma_start3A_370] : memref<4096x200x64xf32, #tpu.memory_space<hbm>> -> memref<1x200x64xf32, #tpu.memory_space<hbm>>
        %dma_start3A_372 = tpu.memref_squeeze %dma_start3A_371 : memref<1x200x64xf32, #tpu.memory_space<hbm>> -> memref<200x64xf32, #tpu.memory_space<hbm>>
        %dma_start3A_373 = arith.constant 0 : i32
        %dma_start3A_374 = arith.constant 0 : i32
        %dma_start3A_375 = tpu.memref_slice %arg5[%add3A_365, %dma_start3A_373, %dma_start3A_374] : memref<4096x200x64xf32, #tpu.memory_space<hbm>> -> memref<1x200x64xf32, #tpu.memory_space<hbm>>
        %dma_start3A_376 = tpu.memref_squeeze %dma_start3A_375 : memref<1x200x64xf32, #tpu.memory_space<hbm>> -> memref<200x64xf32, #tpu.memory_space<hbm>>
        %dma_start3A_377 = arith.constant 0 : i32
        %dma_start3A_378 = arith.constant 0 : i32
        %dma_start3A_379 = tpu.memref_slice %arg8[%dma_start3A_377, %dma_start3A_378] : memref<800x64xf32, #tpu.memory_space<vmem>> -> memref<200x64xf32, #tpu.memory_space<vmem>>
        tpu.enqueue_dma source(%dma_start3A_379 : memref<200x64xf32, #tpu.memory_space<vmem>>) target(%dma_start3A_376 : memref<200x64xf32, #tpu.memory_space<hbm>>) target_semaphore(%arg13 : memref<!tpu.dma_semaphore, #tpu.memory_space<semaphore_mem>>)
        %add3A_380 = arith.constant 1 : i32
        %add3A_381 = arith.addi %multiple_of3A_357, %add3A_380 : i32
        %dma_start3A_382 = arith.constant 200 : i32
        %dma_start3A_383 = arith.constant 0 : i32
        %dma_start3A_384 = tpu.memref_slice %arg8[%dma_start3A_382, %dma_start3A_383] : memref<800x64xf32, #tpu.memory_space<vmem>> -> memref<200x64xf32, #tpu.memory_space<vmem>>
        %dma_start3A_385 = arith.constant 0 : i32
        %dma_start3A_386 = arith.constant 0 : i32
        %dma_start3A_387 = tpu.memref_slice %arg5[%add3A_381, %dma_start3A_385, %dma_start3A_386] : memref<4096x200x64xf32, #tpu.memory_space<hbm>> -> memref<1x200x64xf32, #tpu.memory_space<hbm>>
        %dma_start3A_388 = tpu.memref_squeeze %dma_start3A_387 : memref<1x200x64xf32, #tpu.memory_space<hbm>> -> memref<200x64xf32, #tpu.memory_space<hbm>>
        %dma_start3A_389 = arith.constant 0 : i32
        %dma_start3A_390 = arith.constant 0 : i32
        %dma_start3A_391 = tpu.memref_slice %arg5[%add3A_381, %dma_start3A_389, %dma_start3A_390] : memref<4096x200x64xf32, #tpu.memory_space<hbm>> -> memref<1x200x64xf32, #tpu.memory_space<hbm>>
        %dma_start3A_392 = tpu.memref_squeeze %dma_start3A_391 : memref<1x200x64xf32, #tpu.memory_space<hbm>> -> memref<200x64xf32, #tpu.memory_space<hbm>>
        %dma_start3A_393 = arith.constant 200 : i32
        %dma_start3A_394 = arith.constant 0 : i32
        %dma_start3A_395 = tpu.memref_slice %arg8[%dma_start3A_393, %dma_start3A_394] : memref<800x64xf32, #tpu.memory_space<vmem>> -> memref<200x64xf32, #tpu.memory_space<vmem>>
        tpu.enqueue_dma source(%dma_start3A_395 : memref<200x64xf32, #tpu.memory_space<vmem>>) target(%dma_start3A_392 : memref<200x64xf32, #tpu.memory_space<hbm>>) target_semaphore(%arg13 : memref<!tpu.dma_semaphore, #tpu.memory_space<semaphore_mem>>)
        %add3A_396 = arith.constant 2 : i32
        %add3A_397 = arith.addi %multiple_of3A_357, %add3A_396 : i32
        %dma_start3A_398 = arith.constant 400 : i32
        %dma_start3A_399 = arith.constant 0 : i32
        %dma_start3A_400 = tpu.memref_slice %arg8[%dma_start3A_398, %dma_start3A_399] : memref<800x64xf32, #tpu.memory_space<vmem>> -> memref<200x64xf32, #tpu.memory_space<vmem>>
        %dma_start3A_401 = arith.constant 0 : i32
        %dma_start3A_402 = arith.constant 0 : i32
        %dma_start3A_403 = tpu.memref_slice %arg5[%add3A_397, %dma_start3A_401, %dma_start3A_402] : memref<4096x200x64xf32, #tpu.memory_space<hbm>> -> memref<1x200x64xf32, #tpu.memory_space<hbm>>
        %dma_start3A_404 = tpu.memref_squeeze %dma_start3A_403 : memref<1x200x64xf32, #tpu.memory_space<hbm>> -> memref<200x64xf32, #tpu.memory_space<hbm>>
        %dma_start3A_405 = arith.constant 0 : i32
        %dma_start3A_406 = arith.constant 0 : i32
        %dma_start3A_407 = tpu.memref_slice %arg5[%add3A_397, %dma_start3A_405, %dma_start3A_406] : memref<4096x200x64xf32, #tpu.memory_space<hbm>> -> memref<1x200x64xf32, #tpu.memory_space<hbm>>
        %dma_start3A_408 = tpu.memref_squeeze %dma_start3A_407 : memref<1x200x64xf32, #tpu.memory_space<hbm>> -> memref<200x64xf32, #tpu.memory_space<hbm>>
        %dma_start3A_409 = arith.constant 400 : i32
        %dma_start3A_410 = arith.constant 0 : i32
        %dma_start3A_411 = tpu.memref_slice %arg8[%dma_start3A_409, %dma_start3A_410] : memref<800x64xf32, #tpu.memory_space<vmem>> -> memref<200x64xf32, #tpu.memory_space<vmem>>
        tpu.enqueue_dma source(%dma_start3A_411 : memref<200x64xf32, #tpu.memory_space<vmem>>) target(%dma_start3A_408 : memref<200x64xf32, #tpu.memory_space<hbm>>) target_semaphore(%arg13 : memref<!tpu.dma_semaphore, #tpu.memory_space<semaphore_mem>>)
        %add3A_412 = arith.constant 3 : i32
        %add3A_413 = arith.addi %multiple_of3A_357, %add3A_412 : i32
        %dma_start3A_414 = arith.constant 600 : i32
        %dma_start3A_415 = arith.constant 0 : i32
        %dma_start3A_416 = tpu.memref_slice %arg8[%dma_start3A_414, %dma_start3A_415] : memref<800x64xf32, #tpu.memory_space<vmem>> -> memref<200x64xf32, #tpu.memory_space<vmem>>
        %dma_start3A_417 = arith.constant 0 : i32
        %dma_start3A_418 = arith.constant 0 : i32
        %dma_start3A_419 = tpu.memref_slice %arg5[%add3A_413, %dma_start3A_417, %dma_start3A_418] : memref<4096x200x64xf32, #tpu.memory_space<hbm>> -> memref<1x200x64xf32, #tpu.memory_space<hbm>>
        %dma_start3A_420 = tpu.memref_squeeze %dma_start3A_419 : memref<1x200x64xf32, #tpu.memory_space<hbm>> -> memref<200x64xf32, #tpu.memory_space<hbm>>
        %dma_start3A_421 = arith.constant 0 : i32
        %dma_start3A_422 = arith.constant 0 : i32
        %dma_start3A_423 = tpu.memref_slice %arg5[%add3A_413, %dma_start3A_421, %dma_start3A_422] : memref<4096x200x64xf32, #tpu.memory_space<hbm>> -> memref<1x200x64xf32, #tpu.memory_space<hbm>>
        %dma_start3A_424 = tpu.memref_squeeze %dma_start3A_423 : memref<1x200x64xf32, #tpu.memory_space<hbm>> -> memref<200x64xf32, #tpu.memory_space<hbm>>
        %dma_start3A_425 = arith.constant 600 : i32
        %dma_start3A_426 = arith.constant 0 : i32
        %dma_start3A_427 = tpu.memref_slice %arg8[%dma_start3A_425, %dma_start3A_426] : memref<800x64xf32, #tpu.memory_space<vmem>> -> memref<200x64xf32, #tpu.memory_space<vmem>>
        tpu.enqueue_dma source(%dma_start3A_427 : memref<200x64xf32, #tpu.memory_space<vmem>>) target(%dma_start3A_424 : memref<200x64xf32, #tpu.memory_space<hbm>>) target_semaphore(%arg13 : memref<!tpu.dma_semaphore, #tpu.memory_space<semaphore_mem>>)
      } else {
      }
      %jit3A_221 = arith.constant 2 : i32
      %eq3A_222 = arith.constant 0 : i32
      %eq3A_223 = arith.cmpi eq, %jit3A_221, %eq3A_222 : i32
      %jit3A_224 = arith.constant 1 : i32
      %select_n3A_225 = arith.select %eq3A_223, %jit3A_224, %jit3A_221 : i32
      %rem3A_226 = arith.remsi %scan3A_208, %select_n3A_225 : i32
      %ne3A_227 = arith.constant 0 : i32
      %ne3A_228 = arith.cmpi ne, %rem3A_226, %ne3A_227 : i32
      %lt3A_229 = arith.constant 0 : i32
      %lt3A_230 = arith.cmpi slt, %rem3A_226, %lt3A_229 : i32
      %lt3A_231 = arith.constant 0 : i32
      %lt3A_232 = arith.cmpi slt, %select_n3A_225, %lt3A_231 : i32
      %ne3A_233 = arith.xori %lt3A_230, %lt3A_232 : i1
      %and3A_234 = arith.andi %ne3A_233, %ne3A_228 : i1
      %add3A_235 = arith.addi %rem3A_226, %select_n3A_225 : i32
      %select_n3A_236 = arith.select %and3A_234, %add3A_235, %rem3A_226 : i32
      %eq3A_237 = arith.constant 1 : i32
      %eq3A_238 = arith.cmpi eq, %select_n3A_236, %eq3A_237 : i32
      %convert_element_type3A_239 = arith.extui %eq3A_238 : i1 to i32
      %cond3A_240 = arith.constant 0 : i32
      %cond3A_241 = arith.cmpi ne, %convert_element_type3A_239, %cond3A_240 : i32
      scf.if %cond3A_241 {
        %add3A_242 = arith.constant 1 : i32
        %add3A_243 = arith.addi %scan3A_208, %add3A_242 : i32
        %lt3A_244 = arith.constant 32 : i32
        %lt3A_245 = arith.cmpi slt, %add3A_243, %lt3A_244 : i32
        %convert_element_type3A_246 = arith.extui %lt3A_245 : i1 to i32
        %cond3A_247 = arith.constant 0 : i32
        %cond3A_248 = arith.cmpi ne, %convert_element_type3A_246, %cond3A_247 : i32
        scf.if %cond3A_248 {
          %dma_wait3A_419 = arith.constant 0 : i32
          %dma_wait3A_420 = arith.constant 0 : i32
          %dma_wait3A_421 = arith.constant 0 : i32
          %dma_wait3A_422 = tpu.memref_slice %arg8[%dma_wait3A_420, %dma_wait3A_421] : memref<800x64xf32, #tpu.memory_space<vmem>> -> memref<200x64xf32, #tpu.memory_space<vmem>>
          %dma_wait3A_423 = arith.constant 0 : i32
          %dma_wait3A_424 = arith.constant 0 : i32
          %dma_wait3A_425 = tpu.memref_slice %arg5[%dma_wait3A_419, %dma_wait3A_423, %dma_wait3A_424] : memref<4096x200x64xf32, #tpu.memory_space<hbm>> -> memref<1x200x64xf32, #tpu.memory_space<hbm>>
          %dma_wait3A_426 = tpu.memref_squeeze %dma_wait3A_425 : memref<1x200x64xf32, #tpu.memory_space<hbm>> -> memref<200x64xf32, #tpu.memory_space<hbm>>
          %dma_wait3A_427 = arith.constant 0 : i32
          %dma_wait3A_428 = arith.constant 0 : i32
          %dma_wait3A_429 = tpu.memref_slice %arg5[%dma_wait3A_419, %dma_wait3A_427, %dma_wait3A_428] : memref<4096x200x64xf32, #tpu.memory_space<hbm>> -> memref<1x200x64xf32, #tpu.memory_space<hbm>>
          %dma_wait3A_430 = tpu.memref_squeeze %dma_wait3A_429 : memref<1x200x64xf32, #tpu.memory_space<hbm>> -> memref<200x64xf32, #tpu.memory_space<hbm>>
          %dma_wait3A_431 = arith.constant 0 : i32
          %dma_wait3A_432 = arith.constant 0 : i32
          %dma_wait3A_433 = tpu.memref_slice %arg8[%dma_wait3A_431, %dma_wait3A_432] : memref<800x64xf32, #tpu.memory_space<vmem>> -> memref<200x64xf32, #tpu.memory_space<vmem>>
          tpu.wait_dma2 semaphore(%arg13 : memref<!tpu.dma_semaphore, #tpu.memory_space<semaphore_mem>>) src(%dma_wait3A_433 : memref<200x64xf32, #tpu.memory_space<vmem>>) dst(%dma_wait3A_430 : memref<200x64xf32, #tpu.memory_space<hbm>>)
          %dma_wait3A_434 = arith.constant 0 : i32
          %dma_wait3A_435 = arith.constant 200 : i32
          %dma_wait3A_436 = arith.constant 0 : i32
          %dma_wait3A_437 = tpu.memref_slice %arg8[%dma_wait3A_435, %dma_wait3A_436] : memref<800x64xf32, #tpu.memory_space<vmem>> -> memref<200x64xf32, #tpu.memory_space<vmem>>
          %dma_wait3A_438 = arith.constant 0 : i32
          %dma_wait3A_439 = arith.constant 0 : i32
          %dma_wait3A_440 = tpu.memref_slice %arg5[%dma_wait3A_434, %dma_wait3A_438, %dma_wait3A_439] : memref<4096x200x64xf32, #tpu.memory_space<hbm>> -> memref<1x200x64xf32, #tpu.memory_space<hbm>>
          %dma_wait3A_441 = tpu.memref_squeeze %dma_wait3A_440 : memref<1x200x64xf32, #tpu.memory_space<hbm>> -> memref<200x64xf32, #tpu.memory_space<hbm>>
          %dma_wait3A_442 = arith.constant 0 : i32
          %dma_wait3A_443 = arith.constant 0 : i32
          %dma_wait3A_444 = tpu.memref_slice %arg5[%dma_wait3A_434, %dma_wait3A_442, %dma_wait3A_443] : memref<4096x200x64xf32, #tpu.memory_space<hbm>> -> memref<1x200x64xf32, #tpu.memory_space<hbm>>
          %dma_wait3A_445 = tpu.memref_squeeze %dma_wait3A_444 : memref<1x200x64xf32, #tpu.memory_space<hbm>> -> memref<200x64xf32, #tpu.memory_space<hbm>>
          %dma_wait3A_446 = arith.constant 200 : i32
          %dma_wait3A_447 = arith.constant 0 : i32
          %dma_wait3A_448 = tpu.memref_slice %arg8[%dma_wait3A_446, %dma_wait3A_447] : memref<800x64xf32, #tpu.memory_space<vmem>> -> memref<200x64xf32, #tpu.memory_space<vmem>>
          tpu.wait_dma2 semaphore(%arg13 : memref<!tpu.dma_semaphore, #tpu.memory_space<semaphore_mem>>) src(%dma_wait3A_448 : memref<200x64xf32, #tpu.memory_space<vmem>>) dst(%dma_wait3A_445 : memref<200x64xf32, #tpu.memory_space<hbm>>)
          %dma_wait3A_449 = arith.constant 0 : i32
          %dma_wait3A_450 = arith.constant 400 : i32
          %dma_wait3A_451 = arith.constant 0 : i32
          %dma_wait3A_452 = tpu.memref_slice %arg8[%dma_wait3A_450, %dma_wait3A_451] : memref<800x64xf32, #tpu.memory_space<vmem>> -> memref<200x64xf32, #tpu.memory_space<vmem>>
          %dma_wait3A_453 = arith.constant 0 : i32
          %dma_wait3A_454 = arith.constant 0 : i32
          %dma_wait3A_455 = tpu.memref_slice %arg5[%dma_wait3A_449, %dma_wait3A_453, %dma_wait3A_454] : memref<4096x200x64xf32, #tpu.memory_space<hbm>> -> memref<1x200x64xf32, #tpu.memory_space<hbm>>
          %dma_wait3A_456 = tpu.memref_squeeze %dma_wait3A_455 : memref<1x200x64xf32, #tpu.memory_space<hbm>> -> memref<200x64xf32, #tpu.memory_space<hbm>>
          %dma_wait3A_457 = arith.constant 0 : i32
          %dma_wait3A_458 = arith.constant 0 : i32
          %dma_wait3A_459 = tpu.memref_slice %arg5[%dma_wait3A_449, %dma_wait3A_457, %dma_wait3A_458] : memref<4096x200x64xf32, #tpu.memory_space<hbm>> -> memref<1x200x64xf32, #tpu.memory_space<hbm>>
          %dma_wait3A_460 = tpu.memref_squeeze %dma_wait3A_459 : memref<1x200x64xf32, #tpu.memory_space<hbm>> -> memref<200x64xf32, #tpu.memory_space<hbm>>
          %dma_wait3A_461 = arith.constant 400 : i32
          %dma_wait3A_462 = arith.constant 0 : i32
          %dma_wait3A_463 = tpu.memref_slice %arg8[%dma_wait3A_461, %dma_wait3A_462] : memref<800x64xf32, #tpu.memory_space<vmem>> -> memref<200x64xf32, #tpu.memory_space<vmem>>
          tpu.wait_dma2 semaphore(%arg13 : memref<!tpu.dma_semaphore, #tpu.memory_space<semaphore_mem>>) src(%dma_wait3A_463 : memref<200x64xf32, #tpu.memory_space<vmem>>) dst(%dma_wait3A_460 : memref<200x64xf32, #tpu.memory_space<hbm>>)
          %dma_wait3A_464 = arith.constant 0 : i32
          %dma_wait3A_465 = arith.constant 600 : i32
          %dma_wait3A_466 = arith.constant 0 : i32
          %dma_wait3A_467 = tpu.memref_slice %arg8[%dma_wait3A_465, %dma_wait3A_466] : memref<800x64xf32, #tpu.memory_space<vmem>> -> memref<200x64xf32, #tpu.memory_space<vmem>>
          %dma_wait3A_468 = arith.constant 0 : i32
          %dma_wait3A_469 = arith.constant 0 : i32
          %dma_wait3A_470 = tpu.memref_slice %arg5[%dma_wait3A_464, %dma_wait3A_468, %dma_wait3A_469] : memref<4096x200x64xf32, #tpu.memory_space<hbm>> -> memref<1x200x64xf32, #tpu.memory_space<hbm>>
          %dma_wait3A_471 = tpu.memref_squeeze %dma_wait3A_470 : memref<1x200x64xf32, #tpu.memory_space<hbm>> -> memref<200x64xf32, #tpu.memory_space<hbm>>
          %dma_wait3A_472 = arith.constant 0 : i32
          %dma_wait3A_473 = arith.constant 0 : i32
          %dma_wait3A_474 = tpu.memref_slice %arg5[%dma_wait3A_464, %dma_wait3A_472, %dma_wait3A_473] : memref<4096x200x64xf32, #tpu.memory_space<hbm>> -> memref<1x200x64xf32, #tpu.memory_space<hbm>>
          %dma_wait3A_475 = tpu.memref_squeeze %dma_wait3A_474 : memref<1x200x64xf32, #tpu.memory_space<hbm>> -> memref<200x64xf32, #tpu.memory_space<hbm>>
          %dma_wait3A_476 = arith.constant 600 : i32
          %dma_wait3A_477 = arith.constant 0 : i32
          %dma_wait3A_478 = tpu.memref_slice %arg8[%dma_wait3A_476, %dma_wait3A_477] : memref<800x64xf32, #tpu.memory_space<vmem>> -> memref<200x64xf32, #tpu.memory_space<vmem>>
          tpu.wait_dma2 semaphore(%arg13 : memref<!tpu.dma_semaphore, #tpu.memory_space<semaphore_mem>>) src(%dma_wait3A_478 : memref<200x64xf32, #tpu.memory_space<vmem>>) dst(%dma_wait3A_475 : memref<200x64xf32, #tpu.memory_space<hbm>>)
          %add3A_479 = arith.constant 1 : i32
          %add3A_480 = arith.addi %scan3A_208, %add3A_479 : i32
          %mul3A_481 = arith.constant 4 : i32
          %mul3A_482 = arith.muli %add3A_480, %mul3A_481 : i32
          %add3A_483 = arith.addi %mul3A_2, %mul3A_482 : i32
          %multiple_of3A_484 = tpu.assume_multiple %add3A_483, 4 : i32
          "tpu.region"() ({
            %run_scoped3A = tpu.sem_alloc : memref<!tpu.dma_semaphore, #tpu.memory_space<semaphore_mem>>
            %dma_start3A_565 = arith.constant 0 : i32
            %dma_start3A_566 = tpu.memref_slice %arg2[%multiple_of3A_484, %dma_start3A_565] : memref<4096x200xi32, #tpu.memory_space<hbm>> -> memref<4x200xi32, #tpu.memory_space<hbm>>
            %dma_start3A_567 = arith.constant 0 : i32
            %dma_start3A_568 = tpu.memref_slice %arg2[%multiple_of3A_484, %dma_start3A_567] : memref<4096x200xi32, #tpu.memory_space<hbm>> -> memref<4x200xi32, #tpu.memory_space<hbm>>
            tpu.enqueue_dma source(%dma_start3A_568 : memref<4x200xi32, #tpu.memory_space<hbm>>) target(%arg6 : memref<4x200xi32, #tpu.memory_space<vmem>>) target_semaphore(%run_scoped3A : memref<!tpu.dma_semaphore, #tpu.memory_space<semaphore_mem>>)
            %dma_wait3A_569 = arith.constant 0 : i32
            %dma_wait3A_570 = tpu.memref_slice %arg2[%multiple_of3A_484, %dma_wait3A_569] : memref<4096x200xi32, #tpu.memory_space<hbm>> -> memref<4x200xi32, #tpu.memory_space<hbm>>
            %dma_wait3A_571 = arith.constant 0 : i32
            %dma_wait3A_572 = tpu.memref_slice %arg2[%multiple_of3A_484, %dma_wait3A_571] : memref<4096x200xi32, #tpu.memory_space<hbm>> -> memref<4x200xi32, #tpu.memory_space<hbm>>
            tpu.wait_dma2 semaphore(%run_scoped3A : memref<!tpu.dma_semaphore, #tpu.memory_space<semaphore_mem>>) src(%dma_wait3A_572 : memref<4x200xi32, #tpu.memory_space<hbm>>) dst(%arg6 : memref<4x200xi32, #tpu.memory_space<vmem>>)
            tpu.yield
          }) : () -> ()
          %dma_start3A_485 = arith.constant 0 : i32
          %dma_start3A_486 = arith.constant 0 : i32
          %dma_start3A_487 = arith.constant 0 : i32
          %dma_start3A_488 = tpu.memref_slice %arg8[%dma_start3A_486, %dma_start3A_487] : memref<800x64xf32, #tpu.memory_space<vmem>> -> memref<104x64xf32, #tpu.memory_space<vmem>>
          %dma_start3A_489 = arith.constant 0 : i32
          %dma_start3A_490 = tpu.memref_slice %arg6[%dma_start3A_485, %dma_start3A_489] : memref<4x200xi32, #tpu.memory_space<vmem>> -> memref<1x104xi32, #tpu.memory_space<vmem>>
          %dma_start3A_491 = tpu.memref_squeeze %dma_start3A_490 : memref<1x104xi32, #tpu.memory_space<vmem>> -> memref<104xi32, #tpu.memory_space<vmem>>
          %dma_start3A_492 = arith.constant 0 : i32
          %dma_start3A_493 = arith.constant 0 : i32
          %dma_start3A_494 = tpu.memref_slice %arg3[%dma_start3A_492, %dma_start3A_493] : memref<1000000x64xf32, #tpu.memory_space<hbm>> -> memref<1000000x64xf32, #tpu.memory_space<hbm>>
          tpu.enqueue_indirect_dma source(%dma_start3A_494 : memref<1000000x64xf32, #tpu.memory_space<hbm>>) target(%dma_start3A_488 : memref<104x64xf32, #tpu.memory_space<vmem>>) offsets(%dma_start3A_491 : memref<104xi32, #tpu.memory_space<vmem>>) semaphore(%arg11 : memref<!tpu.dma_semaphore, #tpu.memory_space<semaphore_mem>>)
          %dma_start3A_495 = arith.constant 0 : i32
          %dma_start3A_496 = arith.constant 104 : i32
          %dma_start3A_497 = arith.constant 0 : i32
          %dma_start3A_498 = tpu.memref_slice %arg8[%dma_start3A_496, %dma_start3A_497] : memref<800x64xf32, #tpu.memory_space<vmem>> -> memref<96x64xf32, #tpu.memory_space<vmem>>
          %dma_start3A_499 = arith.constant 104 : i32
          %dma_start3A_500 = tpu.memref_slice %arg6[%dma_start3A_495, %dma_start3A_499] : memref<4x200xi32, #tpu.memory_space<vmem>> -> memref<1x96xi32, #tpu.memory_space<vmem>>
          %dma_start3A_501 = tpu.memref_squeeze %dma_start3A_500 : memref<1x96xi32, #tpu.memory_space<vmem>> -> memref<96xi32, #tpu.memory_space<vmem>>
          %dma_start3A_502 = arith.constant 0 : i32
          %dma_start3A_503 = arith.constant 0 : i32
          %dma_start3A_504 = tpu.memref_slice %arg3[%dma_start3A_502, %dma_start3A_503] : memref<1000000x64xf32, #tpu.memory_space<hbm>> -> memref<1000000x64xf32, #tpu.memory_space<hbm>>
          tpu.enqueue_indirect_dma source(%dma_start3A_504 : memref<1000000x64xf32, #tpu.memory_space<hbm>>) target(%dma_start3A_498 : memref<96x64xf32, #tpu.memory_space<vmem>>) offsets(%dma_start3A_501 : memref<96xi32, #tpu.memory_space<vmem>>) semaphore(%arg11 : memref<!tpu.dma_semaphore, #tpu.memory_space<semaphore_mem>>)
          %dma_start3A_505 = arith.constant 1 : i32
          %dma_start3A_506 = arith.constant 200 : i32
          %dma_start3A_507 = arith.constant 0 : i32
          %dma_start3A_508 = tpu.memref_slice %arg8[%dma_start3A_506, %dma_start3A_507] : memref<800x64xf32, #tpu.memory_space<vmem>> -> memref<104x64xf32, #tpu.memory_space<vmem>>
          %dma_start3A_509 = arith.constant 0 : i32
          %dma_start3A_510 = tpu.memref_slice %arg6[%dma_start3A_505, %dma_start3A_509] : memref<4x200xi32, #tpu.memory_space<vmem>> -> memref<1x104xi32, #tpu.memory_space<vmem>>
          %dma_start3A_511 = tpu.memref_squeeze %dma_start3A_510 : memref<1x104xi32, #tpu.memory_space<vmem>> -> memref<104xi32, #tpu.memory_space<vmem>>
          %dma_start3A_512 = arith.constant 0 : i32
          %dma_start3A_513 = arith.constant 0 : i32
          %dma_start3A_514 = tpu.memref_slice %arg3[%dma_start3A_512, %dma_start3A_513] : memref<1000000x64xf32, #tpu.memory_space<hbm>> -> memref<1000000x64xf32, #tpu.memory_space<hbm>>
          tpu.enqueue_indirect_dma source(%dma_start3A_514 : memref<1000000x64xf32, #tpu.memory_space<hbm>>) target(%dma_start3A_508 : memref<104x64xf32, #tpu.memory_space<vmem>>) offsets(%dma_start3A_511 : memref<104xi32, #tpu.memory_space<vmem>>) semaphore(%arg11 : memref<!tpu.dma_semaphore, #tpu.memory_space<semaphore_mem>>)
          %dma_start3A_515 = arith.constant 1 : i32
          %dma_start3A_516 = arith.constant 304 : i32
          %dma_start3A_517 = arith.constant 0 : i32
          %dma_start3A_518 = tpu.memref_slice %arg8[%dma_start3A_516, %dma_start3A_517] : memref<800x64xf32, #tpu.memory_space<vmem>> -> memref<96x64xf32, #tpu.memory_space<vmem>>
          %dma_start3A_519 = arith.constant 104 : i32
          %dma_start3A_520 = tpu.memref_slice %arg6[%dma_start3A_515, %dma_start3A_519] : memref<4x200xi32, #tpu.memory_space<vmem>> -> memref<1x96xi32, #tpu.memory_space<vmem>>
          %dma_start3A_521 = tpu.memref_squeeze %dma_start3A_520 : memref<1x96xi32, #tpu.memory_space<vmem>> -> memref<96xi32, #tpu.memory_space<vmem>>
          %dma_start3A_522 = arith.constant 0 : i32
          %dma_start3A_523 = arith.constant 0 : i32
          %dma_start3A_524 = tpu.memref_slice %arg3[%dma_start3A_522, %dma_start3A_523] : memref<1000000x64xf32, #tpu.memory_space<hbm>> -> memref<1000000x64xf32, #tpu.memory_space<hbm>>
          tpu.enqueue_indirect_dma source(%dma_start3A_524 : memref<1000000x64xf32, #tpu.memory_space<hbm>>) target(%dma_start3A_518 : memref<96x64xf32, #tpu.memory_space<vmem>>) offsets(%dma_start3A_521 : memref<96xi32, #tpu.memory_space<vmem>>) semaphore(%arg11 : memref<!tpu.dma_semaphore, #tpu.memory_space<semaphore_mem>>)
          %dma_start3A_525 = arith.constant 2 : i32
          %dma_start3A_526 = arith.constant 400 : i32
          %dma_start3A_527 = arith.constant 0 : i32
          %dma_start3A_528 = tpu.memref_slice %arg8[%dma_start3A_526, %dma_start3A_527] : memref<800x64xf32, #tpu.memory_space<vmem>> -> memref<104x64xf32, #tpu.memory_space<vmem>>
          %dma_start3A_529 = arith.constant 0 : i32
          %dma_start3A_530 = tpu.memref_slice %arg6[%dma_start3A_525, %dma_start3A_529] : memref<4x200xi32, #tpu.memory_space<vmem>> -> memref<1x104xi32, #tpu.memory_space<vmem>>
          %dma_start3A_531 = tpu.memref_squeeze %dma_start3A_530 : memref<1x104xi32, #tpu.memory_space<vmem>> -> memref<104xi32, #tpu.memory_space<vmem>>
          %dma_start3A_532 = arith.constant 0 : i32
          %dma_start3A_533 = arith.constant 0 : i32
          %dma_start3A_534 = tpu.memref_slice %arg3[%dma_start3A_532, %dma_start3A_533] : memref<1000000x64xf32, #tpu.memory_space<hbm>> -> memref<1000000x64xf32, #tpu.memory_space<hbm>>
          tpu.enqueue_indirect_dma source(%dma_start3A_534 : memref<1000000x64xf32, #tpu.memory_space<hbm>>) target(%dma_start3A_528 : memref<104x64xf32, #tpu.memory_space<vmem>>) offsets(%dma_start3A_531 : memref<104xi32, #tpu.memory_space<vmem>>) semaphore(%arg11 : memref<!tpu.dma_semaphore, #tpu.memory_space<semaphore_mem>>)
          %dma_start3A_535 = arith.constant 2 : i32
          %dma_start3A_536 = arith.constant 504 : i32
          %dma_start3A_537 = arith.constant 0 : i32
          %dma_start3A_538 = tpu.memref_slice %arg8[%dma_start3A_536, %dma_start3A_537] : memref<800x64xf32, #tpu.memory_space<vmem>> -> memref<96x64xf32, #tpu.memory_space<vmem>>
          %dma_start3A_539 = arith.constant 104 : i32
          %dma_start3A_540 = tpu.memref_slice %arg6[%dma_start3A_535, %dma_start3A_539] : memref<4x200xi32, #tpu.memory_space<vmem>> -> memref<1x96xi32, #tpu.memory_space<vmem>>
          %dma_start3A_541 = tpu.memref_squeeze %dma_start3A_540 : memref<1x96xi32, #tpu.memory_space<vmem>> -> memref<96xi32, #tpu.memory_space<vmem>>
          %dma_start3A_542 = arith.constant 0 : i32
          %dma_start3A_543 = arith.constant 0 : i32
          %dma_start3A_544 = tpu.memref_slice %arg3[%dma_start3A_542, %dma_start3A_543] : memref<1000000x64xf32, #tpu.memory_space<hbm>> -> memref<1000000x64xf32, #tpu.memory_space<hbm>>
          tpu.enqueue_indirect_dma source(%dma_start3A_544 : memref<1000000x64xf32, #tpu.memory_space<hbm>>) target(%dma_start3A_538 : memref<96x64xf32, #tpu.memory_space<vmem>>) offsets(%dma_start3A_541 : memref<96xi32, #tpu.memory_space<vmem>>) semaphore(%arg11 : memref<!tpu.dma_semaphore, #tpu.memory_space<semaphore_mem>>)
          %dma_start3A_545 = arith.constant 3 : i32
          %dma_start3A_546 = arith.constant 600 : i32
          %dma_start3A_547 = arith.constant 0 : i32
          %dma_start3A_548 = tpu.memref_slice %arg8[%dma_start3A_546, %dma_start3A_547] : memref<800x64xf32, #tpu.memory_space<vmem>> -> memref<104x64xf32, #tpu.memory_space<vmem>>
          %dma_start3A_549 = arith.constant 0 : i32
          %dma_start3A_550 = tpu.memref_slice %arg6[%dma_start3A_545, %dma_start3A_549] : memref<4x200xi32, #tpu.memory_space<vmem>> -> memref<1x104xi32, #tpu.memory_space<vmem>>
          %dma_start3A_551 = tpu.memref_squeeze %dma_start3A_550 : memref<1x104xi32, #tpu.memory_space<vmem>> -> memref<104xi32, #tpu.memory_space<vmem>>
          %dma_start3A_552 = arith.constant 0 : i32
          %dma_start3A_553 = arith.constant 0 : i32
          %dma_start3A_554 = tpu.memref_slice %arg3[%dma_start3A_552, %dma_start3A_553] : memref<1000000x64xf32, #tpu.memory_space<hbm>> -> memref<1000000x64xf32, #tpu.memory_space<hbm>>
          tpu.enqueue_indirect_dma source(%dma_start3A_554 : memref<1000000x64xf32, #tpu.memory_space<hbm>>) target(%dma_start3A_548 : memref<104x64xf32, #tpu.memory_space<vmem>>) offsets(%dma_start3A_551 : memref<104xi32, #tpu.memory_space<vmem>>) semaphore(%arg11 : memref<!tpu.dma_semaphore, #tpu.memory_space<semaphore_mem>>)
          %dma_start3A_555 = arith.constant 3 : i32
          %dma_start3A_556 = arith.constant 704 : i32
          %dma_start3A_557 = arith.constant 0 : i32
          %dma_start3A_558 = tpu.memref_slice %arg8[%dma_start3A_556, %dma_start3A_557] : memref<800x64xf32, #tpu.memory_space<vmem>> -> memref<96x64xf32, #tpu.memory_space<vmem>>
          %dma_start3A_559 = arith.constant 104 : i32
          %dma_start3A_560 = tpu.memref_slice %arg6[%dma_start3A_555, %dma_start3A_559] : memref<4x200xi32, #tpu.memory_space<vmem>> -> memref<1x96xi32, #tpu.memory_space<vmem>>
          %dma_start3A_561 = tpu.memref_squeeze %dma_start3A_560 : memref<1x96xi32, #tpu.memory_space<vmem>> -> memref<96xi32, #tpu.memory_space<vmem>>
          %dma_start3A_562 = arith.constant 0 : i32
          %dma_start3A_563 = arith.constant 0 : i32
          %dma_start3A_564 = tpu.memref_slice %arg3[%dma_start3A_562, %dma_start3A_563] : memref<1000000x64xf32, #tpu.memory_space<hbm>> -> memref<1000000x64xf32, #tpu.memory_space<hbm>>
          tpu.enqueue_indirect_dma source(%dma_start3A_564 : memref<1000000x64xf32, #tpu.memory_space<hbm>>) target(%dma_start3A_558 : memref<96x64xf32, #tpu.memory_space<vmem>>) offsets(%dma_start3A_561 : memref<96xi32, #tpu.memory_space<vmem>>) semaphore(%arg11 : memref<!tpu.dma_semaphore, #tpu.memory_space<semaphore_mem>>)
        } else {
        }
        %dma_wait3A_249 = arith.constant 0 : i32
        %dma_wait3A_250 = arith.constant 0 : i32
        %dma_wait3A_251 = tpu.memref_slice %arg9[%dma_wait3A_249, %dma_wait3A_250] : memref<800x64xf32, #tpu.memory_space<vmem>> -> memref<104x64xf32, #tpu.memory_space<vmem>>
        %dma_wait3A_252 = arith.constant 0 : i32
        %dma_wait3A_253 = arith.constant 0 : i32
        %dma_wait3A_254 = tpu.memref_slice %arg3[%dma_wait3A_252, %dma_wait3A_253] : memref<1000000x64xf32, #tpu.memory_space<hbm>> -> memref<104x64xf32, #tpu.memory_space<hbm>>
        %dma_wait3A_255 = arith.constant 0 : i32
        %dma_wait3A_256 = arith.constant 0 : i32
        %dma_wait3A_257 = tpu.memref_slice %arg9[%dma_wait3A_255, %dma_wait3A_256] : memref<800x64xf32, #tpu.memory_space<vmem>> -> memref<104x64xf32, #tpu.memory_space<vmem>>
        %dma_wait3A_258 = arith.constant 0 : i32
        %dma_wait3A_259 = arith.constant 0 : i32
        %dma_wait3A_260 = tpu.memref_slice %arg3[%dma_wait3A_258, %dma_wait3A_259] : memref<1000000x64xf32, #tpu.memory_space<hbm>> -> memref<104x64xf32, #tpu.memory_space<hbm>>
        tpu.wait_dma2 semaphore(%arg12 : memref<!tpu.dma_semaphore, #tpu.memory_space<semaphore_mem>>) src(%dma_wait3A_260 : memref<104x64xf32, #tpu.memory_space<hbm>>) dst(%dma_wait3A_257 : memref<104x64xf32, #tpu.memory_space<vmem>>)
        %dma_wait3A_261 = arith.constant 104 : i32
        %dma_wait3A_262 = arith.constant 0 : i32
        %dma_wait3A_263 = tpu.memref_slice %arg9[%dma_wait3A_261, %dma_wait3A_262] : memref<800x64xf32, #tpu.memory_space<vmem>> -> memref<96x64xf32, #tpu.memory_space<vmem>>
        %dma_wait3A_264 = arith.constant 0 : i32
        %dma_wait3A_265 = arith.constant 0 : i32
        %dma_wait3A_266 = tpu.memref_slice %arg3[%dma_wait3A_264, %dma_wait3A_265] : memref<1000000x64xf32, #tpu.memory_space<hbm>> -> memref<96x64xf32, #tpu.memory_space<hbm>>
        %dma_wait3A_267 = arith.constant 104 : i32
        %dma_wait3A_268 = arith.constant 0 : i32
        %dma_wait3A_269 = tpu.memref_slice %arg9[%dma_wait3A_267, %dma_wait3A_268] : memref<800x64xf32, #tpu.memory_space<vmem>> -> memref<96x64xf32, #tpu.memory_space<vmem>>
        %dma_wait3A_270 = arith.constant 0 : i32
        %dma_wait3A_271 = arith.constant 0 : i32
        %dma_wait3A_272 = tpu.memref_slice %arg3[%dma_wait3A_270, %dma_wait3A_271] : memref<1000000x64xf32, #tpu.memory_space<hbm>> -> memref<96x64xf32, #tpu.memory_space<hbm>>
        tpu.wait_dma2 semaphore(%arg12 : memref<!tpu.dma_semaphore, #tpu.memory_space<semaphore_mem>>) src(%dma_wait3A_272 : memref<96x64xf32, #tpu.memory_space<hbm>>) dst(%dma_wait3A_269 : memref<96x64xf32, #tpu.memory_space<vmem>>)
        %dma_wait3A_273 = arith.constant 200 : i32
        %dma_wait3A_274 = arith.constant 0 : i32
        %dma_wait3A_275 = tpu.memref_slice %arg9[%dma_wait3A_273, %dma_wait3A_274] : memref<800x64xf32, #tpu.memory_space<vmem>> -> memref<104x64xf32, #tpu.memory_space<vmem>>
        %dma_wait3A_276 = arith.constant 0 : i32
        %dma_wait3A_277 = arith.constant 0 : i32
        %dma_wait3A_278 = tpu.memref_slice %arg3[%dma_wait3A_276, %dma_wait3A_277] : memref<1000000x64xf32, #tpu.memory_space<hbm>> -> memref<104x64xf32, #tpu.memory_space<hbm>>
        %dma_wait3A_279 = arith.constant 200 : i32
        %dma_wait3A_280 = arith.constant 0 : i32
        %dma_wait3A_281 = tpu.memref_slice %arg9[%dma_wait3A_279, %dma_wait3A_280] : memref<800x64xf32, #tpu.memory_space<vmem>> -> memref<104x64xf32, #tpu.memory_space<vmem>>
        %dma_wait3A_282 = arith.constant 0 : i32
        %dma_wait3A_283 = arith.constant 0 : i32
        %dma_wait3A_284 = tpu.memref_slice %arg3[%dma_wait3A_282, %dma_wait3A_283] : memref<1000000x64xf32, #tpu.memory_space<hbm>> -> memref<104x64xf32, #tpu.memory_space<hbm>>
        tpu.wait_dma2 semaphore(%arg12 : memref<!tpu.dma_semaphore, #tpu.memory_space<semaphore_mem>>) src(%dma_wait3A_284 : memref<104x64xf32, #tpu.memory_space<hbm>>) dst(%dma_wait3A_281 : memref<104x64xf32, #tpu.memory_space<vmem>>)
        %dma_wait3A_285 = arith.constant 304 : i32
        %dma_wait3A_286 = arith.constant 0 : i32
        %dma_wait3A_287 = tpu.memref_slice %arg9[%dma_wait3A_285, %dma_wait3A_286] : memref<800x64xf32, #tpu.memory_space<vmem>> -> memref<96x64xf32, #tpu.memory_space<vmem>>
        %dma_wait3A_288 = arith.constant 0 : i32
        %dma_wait3A_289 = arith.constant 0 : i32
        %dma_wait3A_290 = tpu.memref_slice %arg3[%dma_wait3A_288, %dma_wait3A_289] : memref<1000000x64xf32, #tpu.memory_space<hbm>> -> memref<96x64xf32, #tpu.memory_space<hbm>>
        %dma_wait3A_291 = arith.constant 304 : i32
        %dma_wait3A_292 = arith.constant 0 : i32
        %dma_wait3A_293 = tpu.memref_slice %arg9[%dma_wait3A_291, %dma_wait3A_292] : memref<800x64xf32, #tpu.memory_space<vmem>> -> memref<96x64xf32, #tpu.memory_space<vmem>>
        %dma_wait3A_294 = arith.constant 0 : i32
        %dma_wait3A_295 = arith.constant 0 : i32
        %dma_wait3A_296 = tpu.memref_slice %arg3[%dma_wait3A_294, %dma_wait3A_295] : memref<1000000x64xf32, #tpu.memory_space<hbm>> -> memref<96x64xf32, #tpu.memory_space<hbm>>
        tpu.wait_dma2 semaphore(%arg12 : memref<!tpu.dma_semaphore, #tpu.memory_space<semaphore_mem>>) src(%dma_wait3A_296 : memref<96x64xf32, #tpu.memory_space<hbm>>) dst(%dma_wait3A_293 : memref<96x64xf32, #tpu.memory_space<vmem>>)
        %dma_wait3A_297 = arith.constant 400 : i32
        %dma_wait3A_298 = arith.constant 0 : i32
        %dma_wait3A_299 = tpu.memref_slice %arg9[%dma_wait3A_297, %dma_wait3A_298] : memref<800x64xf32, #tpu.memory_space<vmem>> -> memref<104x64xf32, #tpu.memory_space<vmem>>
        %dma_wait3A_300 = arith.constant 0 : i32
        %dma_wait3A_301 = arith.constant 0 : i32
        %dma_wait3A_302 = tpu.memref_slice %arg3[%dma_wait3A_300, %dma_wait3A_301] : memref<1000000x64xf32, #tpu.memory_space<hbm>> -> memref<104x64xf32, #tpu.memory_space<hbm>>
        %dma_wait3A_303 = arith.constant 400 : i32
        %dma_wait3A_304 = arith.constant 0 : i32
        %dma_wait3A_305 = tpu.memref_slice %arg9[%dma_wait3A_303, %dma_wait3A_304] : memref<800x64xf32, #tpu.memory_space<vmem>> -> memref<104x64xf32, #tpu.memory_space<vmem>>
        %dma_wait3A_306 = arith.constant 0 : i32
        %dma_wait3A_307 = arith.constant 0 : i32
        %dma_wait3A_308 = tpu.memref_slice %arg3[%dma_wait3A_306, %dma_wait3A_307] : memref<1000000x64xf32, #tpu.memory_space<hbm>> -> memref<104x64xf32, #tpu.memory_space<hbm>>
        tpu.wait_dma2 semaphore(%arg12 : memref<!tpu.dma_semaphore, #tpu.memory_space<semaphore_mem>>) src(%dma_wait3A_308 : memref<104x64xf32, #tpu.memory_space<hbm>>) dst(%dma_wait3A_305 : memref<104x64xf32, #tpu.memory_space<vmem>>)
        %dma_wait3A_309 = arith.constant 504 : i32
        %dma_wait3A_310 = arith.constant 0 : i32
        %dma_wait3A_311 = tpu.memref_slice %arg9[%dma_wait3A_309, %dma_wait3A_310] : memref<800x64xf32, #tpu.memory_space<vmem>> -> memref<96x64xf32, #tpu.memory_space<vmem>>
        %dma_wait3A_312 = arith.constant 0 : i32
        %dma_wait3A_313 = arith.constant 0 : i32
        %dma_wait3A_314 = tpu.memref_slice %arg3[%dma_wait3A_312, %dma_wait3A_313] : memref<1000000x64xf32, #tpu.memory_space<hbm>> -> memref<96x64xf32, #tpu.memory_space<hbm>>
        %dma_wait3A_315 = arith.constant 504 : i32
        %dma_wait3A_316 = arith.constant 0 : i32
        %dma_wait3A_317 = tpu.memref_slice %arg9[%dma_wait3A_315, %dma_wait3A_316] : memref<800x64xf32, #tpu.memory_space<vmem>> -> memref<96x64xf32, #tpu.memory_space<vmem>>
        %dma_wait3A_318 = arith.constant 0 : i32
        %dma_wait3A_319 = arith.constant 0 : i32
        %dma_wait3A_320 = tpu.memref_slice %arg3[%dma_wait3A_318, %dma_wait3A_319] : memref<1000000x64xf32, #tpu.memory_space<hbm>> -> memref<96x64xf32, #tpu.memory_space<hbm>>
        tpu.wait_dma2 semaphore(%arg12 : memref<!tpu.dma_semaphore, #tpu.memory_space<semaphore_mem>>) src(%dma_wait3A_320 : memref<96x64xf32, #tpu.memory_space<hbm>>) dst(%dma_wait3A_317 : memref<96x64xf32, #tpu.memory_space<vmem>>)
        %dma_wait3A_321 = arith.constant 600 : i32
        %dma_wait3A_322 = arith.constant 0 : i32
        %dma_wait3A_323 = tpu.memref_slice %arg9[%dma_wait3A_321, %dma_wait3A_322] : memref<800x64xf32, #tpu.memory_space<vmem>> -> memref<104x64xf32, #tpu.memory_space<vmem>>
        %dma_wait3A_324 = arith.constant 0 : i32
        %dma_wait3A_325 = arith.constant 0 : i32
        %dma_wait3A_326 = tpu.memref_slice %arg3[%dma_wait3A_324, %dma_wait3A_325] : memref<1000000x64xf32, #tpu.memory_space<hbm>> -> memref<104x64xf32, #tpu.memory_space<hbm>>
        %dma_wait3A_327 = arith.constant 600 : i32
        %dma_wait3A_328 = arith.constant 0 : i32
        %dma_wait3A_329 = tpu.memref_slice %arg9[%dma_wait3A_327, %dma_wait3A_328] : memref<800x64xf32, #tpu.memory_space<vmem>> -> memref<104x64xf32, #tpu.memory_space<vmem>>
        %dma_wait3A_330 = arith.constant 0 : i32
        %dma_wait3A_331 = arith.constant 0 : i32
        %dma_wait3A_332 = tpu.memref_slice %arg3[%dma_wait3A_330, %dma_wait3A_331] : memref<1000000x64xf32, #tpu.memory_space<hbm>> -> memref<104x64xf32, #tpu.memory_space<hbm>>
        tpu.wait_dma2 semaphore(%arg12 : memref<!tpu.dma_semaphore, #tpu.memory_space<semaphore_mem>>) src(%dma_wait3A_332 : memref<104x64xf32, #tpu.memory_space<hbm>>) dst(%dma_wait3A_329 : memref<104x64xf32, #tpu.memory_space<vmem>>)
        %dma_wait3A_333 = arith.constant 704 : i32
        %dma_wait3A_334 = arith.constant 0 : i32
        %dma_wait3A_335 = tpu.memref_slice %arg9[%dma_wait3A_333, %dma_wait3A_334] : memref<800x64xf32, #tpu.memory_space<vmem>> -> memref<96x64xf32, #tpu.memory_space<vmem>>
        %dma_wait3A_336 = arith.constant 0 : i32
        %dma_wait3A_337 = arith.constant 0 : i32
        %dma_wait3A_338 = tpu.memref_slice %arg3[%dma_wait3A_336, %dma_wait3A_337] : memref<1000000x64xf32, #tpu.memory_space<hbm>> -> memref<96x64xf32, #tpu.memory_space<hbm>>
        %dma_wait3A_339 = arith.constant 704 : i32
        %dma_wait3A_340 = arith.constant 0 : i32
        %dma_wait3A_341 = tpu.memref_slice %arg9[%dma_wait3A_339, %dma_wait3A_340] : memref<800x64xf32, #tpu.memory_space<vmem>> -> memref<96x64xf32, #tpu.memory_space<vmem>>
        %dma_wait3A_342 = arith.constant 0 : i32
        %dma_wait3A_343 = arith.constant 0 : i32
        %dma_wait3A_344 = tpu.memref_slice %arg3[%dma_wait3A_342, %dma_wait3A_343] : memref<1000000x64xf32, #tpu.memory_space<hbm>> -> memref<96x64xf32, #tpu.memory_space<hbm>>
        tpu.wait_dma2 semaphore(%arg12 : memref<!tpu.dma_semaphore, #tpu.memory_space<semaphore_mem>>) src(%dma_wait3A_344 : memref<96x64xf32, #tpu.memory_space<hbm>>) dst(%dma_wait3A_341 : memref<96x64xf32, #tpu.memory_space<vmem>>)
        %mul3A_345 = arith.constant 4 : i32
        %mul3A_346 = arith.muli %scan3A_208, %mul3A_345 : i32
        %add3A_347 = arith.addi %mul3A_2, %mul3A_346 : i32
        %multiple_of3A_348 = tpu.assume_multiple %add3A_347, 4 : i32
        %scan3A_349 = arith.constant 0 : i32
        %scan3A_350 = arith.constant 0 : i32
        %scan3A_351 = arith.constant 200 : i32
        %scan3A_352 = arith.addi %scan3A_350, %scan3A_351 : i32
        %scan3A_353 = arith.constant 2 : i32
        scf.for %scan3A_419 = %scan3A_350 to %scan3A_352 step %scan3A_353  : i32 {
          %get3A = arith.index_cast %scan3A_419 : i32 to index
          %get3A_420 = arith.constant 0 : index
          %get3A_421 = tpu.vector_load %arg10[%get3A, %get3A_420] {strides = array<i32>} : memref<200x64xf32, #tpu.memory_space<vmem>>, vector<1x16xf32>,
          %get3A_422 = vector.shape_cast %get3A_421 : vector<1x16xf32> to vector<16xf32>
          %add3A_423 = arith.constant 0 : i32
          %add3A_424 = arith.addi %add3A_423, %scan3A_419 : i32
          %get3A_425 = arith.index_cast %add3A_424 : i32 to index
          %get3A_426 = arith.constant 0 : index
          %get3A_427 = tpu.vector_load %arg9[%get3A_425, %get3A_426] {strides = array<i32>} : memref<800x64xf32, #tpu.memory_space<vmem>>, vector<1x16xf32>,
          %get3A_428 = vector.shape_cast %get3A_427 : vector<1x16xf32> to vector<16xf32>
          %add3A_429 = arith.addf %get3A_428, %get3A_422 : vector<16xf32>
          %swap3A = arith.index_cast %add3A_424 : i32 to index
          %swap3A_430 = arith.constant 0 : index
          %swap3A_431 = tpu.vector_load %arg9[%swap3A, %swap3A_430] {strides = array<i32>} : memref<800x64xf32, #tpu.memory_space<vmem>>, vector<1x16xf32>,
          %swap3A_432 = vector.shape_cast %swap3A_431 : vector<1x16xf32> to vector<16xf32>
          %swap3A_433 = vector.shape_cast %add3A_429 : vector<16xf32> to vector<1x16xf32>
          tpu.vector_store %arg9[%swap3A, %swap3A_430], %swap3A_433 {strides = array<i32>} : memref<800x64xf32, #tpu.memory_space<vmem>>, vector<1x16xf32>,
          %add3A_434 = arith.constant 200 : i32
          %add3A_435 = arith.addi %add3A_434, %scan3A_419 : i32
          %get3A_436 = arith.index_cast %add3A_435 : i32 to index
          %get3A_437 = arith.constant 0 : index
          %get3A_438 = tpu.vector_load %arg9[%get3A_436, %get3A_437] {strides = array<i32>} : memref<800x64xf32, #tpu.memory_space<vmem>>, vector<1x16xf32>,
          %get3A_439 = vector.shape_cast %get3A_438 : vector<1x16xf32> to vector<16xf32>
          %add3A_440 = arith.addf %get3A_439, %get3A_422 : vector<16xf32>
          %swap3A_441 = arith.index_cast %add3A_435 : i32 to index
          %swap3A_442 = arith.constant 0 : index
          %swap3A_443 = tpu.vector_load %arg9[%swap3A_441, %swap3A_442] {strides = array<i32>} : memref<800x64xf32, #tpu.memory_space<vmem>>, vector<1x16xf32>,
          %swap3A_444 = vector.shape_cast %swap3A_443 : vector<1x16xf32> to vector<16xf32>
          %swap3A_445 = vector.shape_cast %add3A_440 : vector<16xf32> to vector<1x16xf32>
          tpu.vector_store %arg9[%swap3A_441, %swap3A_442], %swap3A_445 {strides = array<i32>} : memref<800x64xf32, #tpu.memory_space<vmem>>, vector<1x16xf32>,
          %add3A_446 = arith.constant 400 : i32
          %add3A_447 = arith.addi %add3A_446, %scan3A_419 : i32
          %get3A_448 = arith.index_cast %add3A_447 : i32 to index
          %get3A_449 = arith.constant 0 : index
          %get3A_450 = tpu.vector_load %arg9[%get3A_448, %get3A_449] {strides = array<i32>} : memref<800x64xf32, #tpu.memory_space<vmem>>, vector<1x16xf32>,
          %get3A_451 = vector.shape_cast %get3A_450 : vector<1x16xf32> to vector<16xf32>
          %add3A_452 = arith.addf %get3A_451, %get3A_422 : vector<16xf32>
          %swap3A_453 = arith.index_cast %add3A_447 : i32 to index
          %swap3A_454 = arith.constant 0 : index
          %swap3A_455 = tpu.vector_load %arg9[%swap3A_453, %swap3A_454] {strides = array<i32>} : memref<800x64xf32, #tpu.memory_space<vmem>>, vector<1x16xf32>,
          %swap3A_456 = vector.shape_cast %swap3A_455 : vector<1x16xf32> to vector<16xf32>
          %swap3A_457 = vector.shape_cast %add3A_452 : vector<16xf32> to vector<1x16xf32>
          tpu.vector_store %arg9[%swap3A_453, %swap3A_454], %swap3A_457 {strides = array<i32>} : memref<800x64xf32, #tpu.memory_space<vmem>>, vector<1x16xf32>,
          %add3A_458 = arith.constant 600 : i32
          %add3A_459 = arith.addi %add3A_458, %scan3A_419 : i32
          %get3A_460 = arith.index_cast %add3A_459 : i32 to index
          %get3A_461 = arith.constant 0 : index
          %get3A_462 = tpu.vector_load %arg9[%get3A_460, %get3A_461] {strides = array<i32>} : memref<800x64xf32, #tpu.memory_space<vmem>>, vector<1x16xf32>,
          %get3A_463 = vector.shape_cast %get3A_462 : vector<1x16xf32> to vector<16xf32>
          %add3A_464 = arith.addf %get3A_463, %get3A_422 : vector<16xf32>
          %swap3A_465 = arith.index_cast %add3A_459 : i32 to index
          %swap3A_466 = arith.constant 0 : index
          %swap3A_467 = tpu.vector_load %arg9[%swap3A_465, %swap3A_466] {strides = array<i32>} : memref<800x64xf32, #tpu.memory_space<vmem>>, vector<1x16xf32>,
          %swap3A_468 = vector.shape_cast %swap3A_467 : vector<1x16xf32> to vector<16xf32>
          %swap3A_469 = vector.shape_cast %add3A_464 : vector<16xf32> to vector<1x16xf32>
          tpu.vector_store %arg9[%swap3A_465, %swap3A_466], %swap3A_469 {strides = array<i32>} : memref<800x64xf32, #tpu.memory_space<vmem>>, vector<1x16xf32>,
          %get3A_470 = arith.index_cast %scan3A_419 : i32 to index
          %get3A_471 = arith.constant 16 : index
          %get3A_472 = tpu.vector_load %arg10[%get3A_470, %get3A_471] {strides = array<i32>} : memref<200x64xf32, #tpu.memory_space<vmem>>, vector<1x16xf32>,
          %get3A_473 = vector.shape_cast %get3A_472 : vector<1x16xf32> to vector<16xf32>
          %add3A_474 = arith.constant 0 : i32
          %add3A_475 = arith.addi %add3A_474, %scan3A_419 : i32
          %get3A_476 = arith.index_cast %add3A_475 : i32 to index
          %get3A_477 = arith.constant 16 : index
          %get3A_478 = tpu.vector_load %arg9[%get3A_476, %get3A_477] {strides = array<i32>} : memref<800x64xf32, #tpu.memory_space<vmem>>, vector<1x16xf32>,
          %get3A_479 = vector.shape_cast %get3A_478 : vector<1x16xf32> to vector<16xf32>
          %add3A_480 = arith.addf %get3A_479, %get3A_473 : vector<16xf32>
          %swap3A_481 = arith.index_cast %add3A_475 : i32 to index
          %swap3A_482 = arith.constant 16 : index
          %swap3A_483 = tpu.vector_load %arg9[%swap3A_481, %swap3A_482] {strides = array<i32>} : memref<800x64xf32, #tpu.memory_space<vmem>>, vector<1x16xf32>,
          %swap3A_484 = vector.shape_cast %swap3A_483 : vector<1x16xf32> to vector<16xf32>
          %swap3A_485 = vector.shape_cast %add3A_480 : vector<16xf32> to vector<1x16xf32>
          tpu.vector_store %arg9[%swap3A_481, %swap3A_482], %swap3A_485 {strides = array<i32>} : memref<800x64xf32, #tpu.memory_space<vmem>>, vector<1x16xf32>,
          %add3A_486 = arith.constant 200 : i32
          %add3A_487 = arith.addi %add3A_486, %scan3A_419 : i32
          %get3A_488 = arith.index_cast %add3A_487 : i32 to index
          %get3A_489 = arith.constant 16 : index
          %get3A_490 = tpu.vector_load %arg9[%get3A_488, %get3A_489] {strides = array<i32>} : memref<800x64xf32, #tpu.memory_space<vmem>>, vector<1x16xf32>,
          %get3A_491 = vector.shape_cast %get3A_490 : vector<1x16xf32> to vector<16xf32>
          %add3A_492 = arith.addf %get3A_491, %get3A_473 : vector<16xf32>
          %swap3A_493 = arith.index_cast %add3A_487 : i32 to index
          %swap3A_494 = arith.constant 16 : index
          %swap3A_495 = tpu.vector_load %arg9[%swap3A_493, %swap3A_494] {strides = array<i32>} : memref<800x64xf32, #tpu.memory_space<vmem>>, vector<1x16xf32>,
          %swap3A_496 = vector.shape_cast %swap3A_495 : vector<1x16xf32> to vector<16xf32>
          %swap3A_497 = vector.shape_cast %add3A_492 : vector<16xf32> to vector<1x16xf32>
          tpu.vector_store %arg9[%swap3A_493, %swap3A_494], %swap3A_497 {strides = array<i32>} : memref<800x64xf32, #tpu.memory_space<vmem>>, vector<1x16xf32>,
          %add3A_498 = arith.constant 400 : i32
          %add3A_499 = arith.addi %add3A_498, %scan3A_419 : i32
          %get3A_500 = arith.index_cast %add3A_499 : i32 to index
          %get3A_501 = arith.constant 16 : index
          %get3A_502 = tpu.vector_load %arg9[%get3A_500, %get3A_501] {strides = array<i32>} : memref<800x64xf32, #tpu.memory_space<vmem>>, vector<1x16xf32>,
          %get3A_503 = vector.shape_cast %get3A_502 : vector<1x16xf32> to vector<16xf32>
          %add3A_504 = arith.addf %get3A_503, %get3A_473 : vector<16xf32>
          %swap3A_505 = arith.index_cast %add3A_499 : i32 to index
          %swap3A_506 = arith.constant 16 : index
          %swap3A_507 = tpu.vector_load %arg9[%swap3A_505, %swap3A_506] {strides = array<i32>} : memref<800x64xf32, #tpu.memory_space<vmem>>, vector<1x16xf32>,
          %swap3A_508 = vector.shape_cast %swap3A_507 : vector<1x16xf32> to vector<16xf32>
          %swap3A_509 = vector.shape_cast %add3A_504 : vector<16xf32> to vector<1x16xf32>
          tpu.vector_store %arg9[%swap3A_505, %swap3A_506], %swap3A_509 {strides = array<i32>} : memref<800x64xf32, #tpu.memory_space<vmem>>, vector<1x16xf32>,
          %add3A_510 = arith.constant 600 : i32
          %add3A_511 = arith.addi %add3A_510, %scan3A_419 : i32
          %get3A_512 = arith.index_cast %add3A_511 : i32 to index
          %get3A_513 = arith.constant 16 : index
          %get3A_514 = tpu.vector_load %arg9[%get3A_512, %get3A_513] {strides = array<i32>} : memref<800x64xf32, #tpu.memory_space<vmem>>, vector<1x16xf32>,
          %get3A_515 = vector.shape_cast %get3A_514 : vector<1x16xf32> to vector<16xf32>
          %add3A_516 = arith.addf %get3A_515, %get3A_473 : vector<16xf32>
          %swap3A_517 = arith.index_cast %add3A_511 : i32 to index
          %swap3A_518 = arith.constant 16 : index
          %swap3A_519 = tpu.vector_load %arg9[%swap3A_517, %swap3A_518] {strides = array<i32>} : memref<800x64xf32, #tpu.memory_space<vmem>>, vector<1x16xf32>,
          %swap3A_520 = vector.shape_cast %swap3A_519 : vector<1x16xf32> to vector<16xf32>
          %swap3A_521 = vector.shape_cast %add3A_516 : vector<16xf32> to vector<1x16xf32>
          tpu.vector_store %arg9[%swap3A_517, %swap3A_518], %swap3A_521 {strides = array<i32>} : memref<800x64xf32, #tpu.memory_space<vmem>>, vector<1x16xf32>,
          %get3A_522 = arith.index_cast %scan3A_419 : i32 to index
          %get3A_523 = arith.constant 32 : index
          %get3A_524 = tpu.vector_load %arg10[%get3A_522, %get3A_523] {strides = array<i32>} : memref<200x64xf32, #tpu.memory_space<vmem>>, vector<1x16xf32>,
          %get3A_525 = vector.shape_cast %get3A_524 : vector<1x16xf32> to vector<16xf32>
          %add3A_526 = arith.constant 0 : i32
          %add3A_527 = arith.addi %add3A_526, %scan3A_419 : i32
          %get3A_528 = arith.index_cast %add3A_527 : i32 to index
          %get3A_529 = arith.constant 32 : index
          %get3A_530 = tpu.vector_load %arg9[%get3A_528, %get3A_529] {strides = array<i32>} : memref<800x64xf32, #tpu.memory_space<vmem>>, vector<1x16xf32>,
          %get3A_531 = vector.shape_cast %get3A_530 : vector<1x16xf32> to vector<16xf32>
          %add3A_532 = arith.addf %get3A_531, %get3A_525 : vector<16xf32>
          %swap3A_533 = arith.index_cast %add3A_527 : i32 to index
          %swap3A_534 = arith.constant 32 : index
          %swap3A_535 = tpu.vector_load %arg9[%swap3A_533, %swap3A_534] {strides = array<i32>} : memref<800x64xf32, #tpu.memory_space<vmem>>, vector<1x16xf32>,
          %swap3A_536 = vector.shape_cast %swap3A_535 : vector<1x16xf32> to vector<16xf32>
          %swap3A_537 = vector.shape_cast %add3A_532 : vector<16xf32> to vector<1x16xf32>
          tpu.vector_store %arg9[%swap3A_533, %swap3A_534], %swap3A_537 {strides = array<i32>} : memref<800x64xf32, #tpu.memory_space<vmem>>, vector<1x16xf32>,
          %add3A_538 = arith.constant 200 : i32
          %add3A_539 = arith.addi %add3A_538, %scan3A_419 : i32
          %get3A_540 = arith.index_cast %add3A_539 : i32 to index
          %get3A_541 = arith.constant 32 : index
          %get3A_542 = tpu.vector_load %arg9[%get3A_540, %get3A_541] {strides = array<i32>} : memref<800x64xf32, #tpu.memory_space<vmem>>, vector<1x16xf32>,
          %get3A_543 = vector.shape_cast %get3A_542 : vector<1x16xf32> to vector<16xf32>
          %add3A_544 = arith.addf %get3A_543, %get3A_525 : vector<16xf32>
          %swap3A_545 = arith.index_cast %add3A_539 : i32 to index
          %swap3A_546 = arith.constant 32 : index
          %swap3A_547 = tpu.vector_load %arg9[%swap3A_545, %swap3A_546] {strides = array<i32>} : memref<800x64xf32, #tpu.memory_space<vmem>>, vector<1x16xf32>,
          %swap3A_548 = vector.shape_cast %swap3A_547 : vector<1x16xf32> to vector<16xf32>
          %swap3A_549 = vector.shape_cast %add3A_544 : vector<16xf32> to vector<1x16xf32>
          tpu.vector_store %arg9[%swap3A_545, %swap3A_546], %swap3A_549 {strides = array<i32>} : memref<800x64xf32, #tpu.memory_space<vmem>>, vector<1x16xf32>,
          %add3A_550 = arith.constant 400 : i32
          %add3A_551 = arith.addi %add3A_550, %scan3A_419 : i32
          %get3A_552 = arith.index_cast %add3A_551 : i32 to index
          %get3A_553 = arith.constant 32 : index
          %get3A_554 = tpu.vector_load %arg9[%get3A_552, %get3A_553] {strides = array<i32>} : memref<800x64xf32, #tpu.memory_space<vmem>>, vector<1x16xf32>,
          %get3A_555 = vector.shape_cast %get3A_554 : vector<1x16xf32> to vector<16xf32>
          %add3A_556 = arith.addf %get3A_555, %get3A_525 : vector<16xf32>
          %swap3A_557 = arith.index_cast %add3A_551 : i32 to index
          %swap3A_558 = arith.constant 32 : index
          %swap3A_559 = tpu.vector_load %arg9[%swap3A_557, %swap3A_558] {strides = array<i32>} : memref<800x64xf32, #tpu.memory_space<vmem>>, vector<1x16xf32>,
          %swap3A_560 = vector.shape_cast %swap3A_559 : vector<1x16xf32> to vector<16xf32>
          %swap3A_561 = vector.shape_cast %add3A_556 : vector<16xf32> to vector<1x16xf32>
          tpu.vector_store %arg9[%swap3A_557, %swap3A_558], %swap3A_561 {strides = array<i32>} : memref<800x64xf32, #tpu.memory_space<vmem>>, vector<1x16xf32>,
          %add3A_562 = arith.constant 600 : i32
          %add3A_563 = arith.addi %add3A_562, %scan3A_419 : i32
          %get3A_564 = arith.index_cast %add3A_563 : i32 to index
          %get3A_565 = arith.constant 32 : index
          %get3A_566 = tpu.vector_load %arg9[%get3A_564, %get3A_565] {strides = array<i32>} : memref<800x64xf32, #tpu.memory_space<vmem>>, vector<1x16xf32>,
          %get3A_567 = vector.shape_cast %get3A_566 : vector<1x16xf32> to vector<16xf32>
          %add3A_568 = arith.addf %get3A_567, %get3A_525 : vector<16xf32>
          %swap3A_569 = arith.index_cast %add3A_563 : i32 to index
          %swap3A_570 = arith.constant 32 : index
          %swap3A_571 = tpu.vector_load %arg9[%swap3A_569, %swap3A_570] {strides = array<i32>} : memref<800x64xf32, #tpu.memory_space<vmem>>, vector<1x16xf32>,
          %swap3A_572 = vector.shape_cast %swap3A_571 : vector<1x16xf32> to vector<16xf32>
          %swap3A_573 = vector.shape_cast %add3A_568 : vector<16xf32> to vector<1x16xf32>
          tpu.vector_store %arg9[%swap3A_569, %swap3A_570], %swap3A_573 {strides = array<i32>} : memref<800x64xf32, #tpu.memory_space<vmem>>, vector<1x16xf32>,
          %get3A_574 = arith.index_cast %scan3A_419 : i32 to index
          %get3A_575 = arith.constant 48 : index
          %get3A_576 = tpu.vector_load %arg10[%get3A_574, %get3A_575] {strides = array<i32>} : memref<200x64xf32, #tpu.memory_space<vmem>>, vector<1x16xf32>,
          %get3A_577 = vector.shape_cast %get3A_576 : vector<1x16xf32> to vector<16xf32>
          %add3A_578 = arith.constant 0 : i32
          %add3A_579 = arith.addi %add3A_578, %scan3A_419 : i32
          %get3A_580 = arith.index_cast %add3A_579 : i32 to index
          %get3A_581 = arith.constant 48 : index
          %get3A_582 = tpu.vector_load %arg9[%get3A_580, %get3A_581] {strides = array<i32>} : memref<800x64xf32, #tpu.memory_space<vmem>>, vector<1x16xf32>,
          %get3A_583 = vector.shape_cast %get3A_582 : vector<1x16xf32> to vector<16xf32>
          %add3A_584 = arith.addf %get3A_583, %get3A_577 : vector<16xf32>
          %swap3A_585 = arith.index_cast %add3A_579 : i32 to index
          %swap3A_586 = arith.constant 48 : index
          %swap3A_587 = tpu.vector_load %arg9[%swap3A_585, %swap3A_586] {strides = array<i32>} : memref<800x64xf32, #tpu.memory_space<vmem>>, vector<1x16xf32>,
          %swap3A_588 = vector.shape_cast %swap3A_587 : vector<1x16xf32> to vector<16xf32>
          %swap3A_589 = vector.shape_cast %add3A_584 : vector<16xf32> to vector<1x16xf32>
          tpu.vector_store %arg9[%swap3A_585, %swap3A_586], %swap3A_589 {strides = array<i32>} : memref<800x64xf32, #tpu.memory_space<vmem>>, vector<1x16xf32>,
          %add3A_590 = arith.constant 200 : i32
          %add3A_591 = arith.addi %add3A_590, %scan3A_419 : i32
          %get3A_592 = arith.index_cast %add3A_591 : i32 to index
          %get3A_593 = arith.constant 48 : index
          %get3A_594 = tpu.vector_load %arg9[%get3A_592, %get3A_593] {strides = array<i32>} : memref<800x64xf32, #tpu.memory_space<vmem>>, vector<1x16xf32>,
          %get3A_595 = vector.shape_cast %get3A_594 : vector<1x16xf32> to vector<16xf32>
          %add3A_596 = arith.addf %get3A_595, %get3A_577 : vector<16xf32>
          %swap3A_597 = arith.index_cast %add3A_591 : i32 to index
          %swap3A_598 = arith.constant 48 : index
          %swap3A_599 = tpu.vector_load %arg9[%swap3A_597, %swap3A_598] {strides = array<i32>} : memref<800x64xf32, #tpu.memory_space<vmem>>, vector<1x16xf32>,
          %swap3A_600 = vector.shape_cast %swap3A_599 : vector<1x16xf32> to vector<16xf32>
          %swap3A_601 = vector.shape_cast %add3A_596 : vector<16xf32> to vector<1x16xf32>
          tpu.vector_store %arg9[%swap3A_597, %swap3A_598], %swap3A_601 {strides = array<i32>} : memref<800x64xf32, #tpu.memory_space<vmem>>, vector<1x16xf32>,
          %add3A_602 = arith.constant 400 : i32
          %add3A_603 = arith.addi %add3A_602, %scan3A_419 : i32
          %get3A_604 = arith.index_cast %add3A_603 : i32 to index
          %get3A_605 = arith.constant 48 : index
          %get3A_606 = tpu.vector_load %arg9[%get3A_604, %get3A_605] {strides = array<i32>} : memref<800x64xf32, #tpu.memory_space<vmem>>, vector<1x16xf32>,
          %get3A_607 = vector.shape_cast %get3A_606 : vector<1x16xf32> to vector<16xf32>
          %add3A_608 = arith.addf %get3A_607, %get3A_577 : vector<16xf32>
          %swap3A_609 = arith.index_cast %add3A_603 : i32 to index
          %swap3A_610 = arith.constant 48 : index
          %swap3A_611 = tpu.vector_load %arg9[%swap3A_609, %swap3A_610] {strides = array<i32>} : memref<800x64xf32, #tpu.memory_space<vmem>>, vector<1x16xf32>,
          %swap3A_612 = vector.shape_cast %swap3A_611 : vector<1x16xf32> to vector<16xf32>
          %swap3A_613 = vector.shape_cast %add3A_608 : vector<16xf32> to vector<1x16xf32>
          tpu.vector_store %arg9[%swap3A_609, %swap3A_610], %swap3A_613 {strides = array<i32>} : memref<800x64xf32, #tpu.memory_space<vmem>>, vector<1x16xf32>,
          %add3A_614 = arith.constant 600 : i32
          %add3A_615 = arith.addi %add3A_614, %scan3A_419 : i32
          %get3A_616 = arith.index_cast %add3A_615 : i32 to index
          %get3A_617 = arith.constant 48 : index
          %get3A_618 = tpu.vector_load %arg9[%get3A_616, %get3A_617] {strides = array<i32>} : memref<800x64xf32, #tpu.memory_space<vmem>>, vector<1x16xf32>,
          %get3A_619 = vector.shape_cast %get3A_618 : vector<1x16xf32> to vector<16xf32>
          %add3A_620 = arith.addf %get3A_619, %get3A_577 : vector<16xf32>
          %swap3A_621 = arith.index_cast %add3A_615 : i32 to index
          %swap3A_622 = arith.constant 48 : index
          %swap3A_623 = tpu.vector_load %arg9[%swap3A_621, %swap3A_622] {strides = array<i32>} : memref<800x64xf32, #tpu.memory_space<vmem>>, vector<1x16xf32>,
          %swap3A_624 = vector.shape_cast %swap3A_623 : vector<1x16xf32> to vector<16xf32>
          %swap3A_625 = vector.shape_cast %add3A_620 : vector<16xf32> to vector<1x16xf32>
          tpu.vector_store %arg9[%swap3A_621, %swap3A_622], %swap3A_625 {strides = array<i32>} : memref<800x64xf32, #tpu.memory_space<vmem>>, vector<1x16xf32>,
          %scan3A_626 = arith.constant 1 : i32
          %scan3A_627 = arith.addi %scan3A_419, %scan3A_626 : i32
          %get3A_628 = arith.index_cast %scan3A_627 : i32 to index
          %get3A_629 = arith.constant 0 : index
          %get3A_630 = tpu.vector_load %arg10[%get3A_628, %get3A_629] {strides = array<i32>} : memref<200x64xf32, #tpu.memory_space<vmem>>, vector<1x16xf32>,
          %get3A_631 = vector.shape_cast %get3A_630 : vector<1x16xf32> to vector<16xf32>
          %add3A_632 = arith.constant 0 : i32
          %add3A_633 = arith.addi %add3A_632, %scan3A_627 : i32
          %get3A_634 = arith.index_cast %add3A_633 : i32 to index
          %get3A_635 = arith.constant 0 : index
          %get3A_636 = tpu.vector_load %arg9[%get3A_634, %get3A_635] {strides = array<i32>} : memref<800x64xf32, #tpu.memory_space<vmem>>, vector<1x16xf32>,
          %get3A_637 = vector.shape_cast %get3A_636 : vector<1x16xf32> to vector<16xf32>
          %add3A_638 = arith.addf %get3A_637, %get3A_631 : vector<16xf32>
          %swap3A_639 = arith.index_cast %add3A_633 : i32 to index
          %swap3A_640 = arith.constant 0 : index
          %swap3A_641 = tpu.vector_load %arg9[%swap3A_639, %swap3A_640] {strides = array<i32>} : memref<800x64xf32, #tpu.memory_space<vmem>>, vector<1x16xf32>,
          %swap3A_642 = vector.shape_cast %swap3A_641 : vector<1x16xf32> to vector<16xf32>
          %swap3A_643 = vector.shape_cast %add3A_638 : vector<16xf32> to vector<1x16xf32>
          tpu.vector_store %arg9[%swap3A_639, %swap3A_640], %swap3A_643 {strides = array<i32>} : memref<800x64xf32, #tpu.memory_space<vmem>>, vector<1x16xf32>,
          %add3A_644 = arith.constant 200 : i32
          %add3A_645 = arith.addi %add3A_644, %scan3A_627 : i32
          %get3A_646 = arith.index_cast %add3A_645 : i32 to index
          %get3A_647 = arith.constant 0 : index
          %get3A_648 = tpu.vector_load %arg9[%get3A_646, %get3A_647] {strides = array<i32>} : memref<800x64xf32, #tpu.memory_space<vmem>>, vector<1x16xf32>,
          %get3A_649 = vector.shape_cast %get3A_648 : vector<1x16xf32> to vector<16xf32>
          %add3A_650 = arith.addf %get3A_649, %get3A_631 : vector<16xf32>
          %swap3A_651 = arith.index_cast %add3A_645 : i32 to index
          %swap3A_652 = arith.constant 0 : index
          %swap3A_653 = tpu.vector_load %arg9[%swap3A_651, %swap3A_652] {strides = array<i32>} : memref<800x64xf32, #tpu.memory_space<vmem>>, vector<1x16xf32>,
          %swap3A_654 = vector.shape_cast %swap3A_653 : vector<1x16xf32> to vector<16xf32>
          %swap3A_655 = vector.shape_cast %add3A_650 : vector<16xf32> to vector<1x16xf32>
          tpu.vector_store %arg9[%swap3A_651, %swap3A_652], %swap3A_655 {strides = array<i32>} : memref<800x64xf32, #tpu.memory_space<vmem>>, vector<1x16xf32>,
          %add3A_656 = arith.constant 400 : i32
          %add3A_657 = arith.addi %add3A_656, %scan3A_627 : i32
          %get3A_658 = arith.index_cast %add3A_657 : i32 to index
          %get3A_659 = arith.constant 0 : index
          %get3A_660 = tpu.vector_load %arg9[%get3A_658, %get3A_659] {strides = array<i32>} : memref<800x64xf32, #tpu.memory_space<vmem>>, vector<1x16xf32>,
          %get3A_661 = vector.shape_cast %get3A_660 : vector<1x16xf32> to vector<16xf32>
          %add3A_662 = arith.addf %get3A_661, %get3A_631 : vector<16xf32>
          %swap3A_663 = arith.index_cast %add3A_657 : i32 to index
          %swap3A_664 = arith.constant 0 : index
          %swap3A_665 = tpu.vector_load %arg9[%swap3A_663, %swap3A_664] {strides = array<i32>} : memref<800x64xf32, #tpu.memory_space<vmem>>, vector<1x16xf32>,
          %swap3A_666 = vector.shape_cast %swap3A_665 : vector<1x16xf32> to vector<16xf32>
          %swap3A_667 = vector.shape_cast %add3A_662 : vector<16xf32> to vector<1x16xf32>
          tpu.vector_store %arg9[%swap3A_663, %swap3A_664], %swap3A_667 {strides = array<i32>} : memref<800x64xf32, #tpu.memory_space<vmem>>, vector<1x16xf32>,
          %add3A_668 = arith.constant 600 : i32
          %add3A_669 = arith.addi %add3A_668, %scan3A_627 : i32
          %get3A_670 = arith.index_cast %add3A_669 : i32 to index
          %get3A_671 = arith.constant 0 : index
          %get3A_672 = tpu.vector_load %arg9[%get3A_670, %get3A_671] {strides = array<i32>} : memref<800x64xf32, #tpu.memory_space<vmem>>, vector<1x16xf32>,
          %get3A_673 = vector.shape_cast %get3A_672 : vector<1x16xf32> to vector<16xf32>
          %add3A_674 = arith.addf %get3A_673, %get3A_631 : vector<16xf32>
          %swap3A_675 = arith.index_cast %add3A_669 : i32 to index
          %swap3A_676 = arith.constant 0 : index
          %swap3A_677 = tpu.vector_load %arg9[%swap3A_675, %swap3A_676] {strides = array<i32>} : memref<800x64xf32, #tpu.memory_space<vmem>>, vector<1x16xf32>,
          %swap3A_678 = vector.shape_cast %swap3A_677 : vector<1x16xf32> to vector<16xf32>
          %swap3A_679 = vector.shape_cast %add3A_674 : vector<16xf32> to vector<1x16xf32>
          tpu.vector_store %arg9[%swap3A_675, %swap3A_676], %swap3A_679 {strides = array<i32>} : memref<800x64xf32, #tpu.memory_space<vmem>>, vector<1x16xf32>,
          %get3A_680 = arith.index_cast %scan3A_627 : i32 to index
          %get3A_681 = arith.constant 16 : index
          %get3A_682 = tpu.vector_load %arg10[%get3A_680, %get3A_681] {strides = array<i32>} : memref<200x64xf32, #tpu.memory_space<vmem>>, vector<1x16xf32>,
          %get3A_683 = vector.shape_cast %get3A_682 : vector<1x16xf32> to vector<16xf32>
          %add3A_684 = arith.constant 0 : i32
          %add3A_685 = arith.addi %add3A_684, %scan3A_627 : i32
          %get3A_686 = arith.index_cast %add3A_685 : i32 to index
          %get3A_687 = arith.constant 16 : index
          %get3A_688 = tpu.vector_load %arg9[%get3A_686, %get3A_687] {strides = array<i32>} : memref<800x64xf32, #tpu.memory_space<vmem>>, vector<1x16xf32>,
          %get3A_689 = vector.shape_cast %get3A_688 : vector<1x16xf32> to vector<16xf32>
          %add3A_690 = arith.addf %get3A_689, %get3A_683 : vector<16xf32>
          %swap3A_691 = arith.index_cast %add3A_685 : i32 to index
          %swap3A_692 = arith.constant 16 : index
          %swap3A_693 = tpu.vector_load %arg9[%swap3A_691, %swap3A_692] {strides = array<i32>} : memref<800x64xf32, #tpu.memory_space<vmem>>, vector<1x16xf32>,
          %swap3A_694 = vector.shape_cast %swap3A_693 : vector<1x16xf32> to vector<16xf32>
          %swap3A_695 = vector.shape_cast %add3A_690 : vector<16xf32> to vector<1x16xf32>
          tpu.vector_store %arg9[%swap3A_691, %swap3A_692], %swap3A_695 {strides = array<i32>} : memref<800x64xf32, #tpu.memory_space<vmem>>, vector<1x16xf32>,
          %add3A_696 = arith.constant 200 : i32
          %add3A_697 = arith.addi %add3A_696, %scan3A_627 : i32
          %get3A_698 = arith.index_cast %add3A_697 : i32 to index
          %get3A_699 = arith.constant 16 : index
          %get3A_700 = tpu.vector_load %arg9[%get3A_698, %get3A_699] {strides = array<i32>} : memref<800x64xf32, #tpu.memory_space<vmem>>, vector<1x16xf32>,
          %get3A_701 = vector.shape_cast %get3A_700 : vector<1x16xf32> to vector<16xf32>
          %add3A_702 = arith.addf %get3A_701, %get3A_683 : vector<16xf32>
          %swap3A_703 = arith.index_cast %add3A_697 : i32 to index
          %swap3A_704 = arith.constant 16 : index
          %swap3A_705 = tpu.vector_load %arg9[%swap3A_703, %swap3A_704] {strides = array<i32>} : memref<800x64xf32, #tpu.memory_space<vmem>>, vector<1x16xf32>,
          %swap3A_706 = vector.shape_cast %swap3A_705 : vector<1x16xf32> to vector<16xf32>
          %swap3A_707 = vector.shape_cast %add3A_702 : vector<16xf32> to vector<1x16xf32>
          tpu.vector_store %arg9[%swap3A_703, %swap3A_704], %swap3A_707 {strides = array<i32>} : memref<800x64xf32, #tpu.memory_space<vmem>>, vector<1x16xf32>,
          %add3A_708 = arith.constant 400 : i32
          %add3A_709 = arith.addi %add3A_708, %scan3A_627 : i32
          %get3A_710 = arith.index_cast %add3A_709 : i32 to index
          %get3A_711 = arith.constant 16 : index
          %get3A_712 = tpu.vector_load %arg9[%get3A_710, %get3A_711] {strides = array<i32>} : memref<800x64xf32, #tpu.memory_space<vmem>>, vector<1x16xf32>,
          %get3A_713 = vector.shape_cast %get3A_712 : vector<1x16xf32> to vector<16xf32>
          %add3A_714 = arith.addf %get3A_713, %get3A_683 : vector<16xf32>
          %swap3A_715 = arith.index_cast %add3A_709 : i32 to index
          %swap3A_716 = arith.constant 16 : index
          %swap3A_717 = tpu.vector_load %arg9[%swap3A_715, %swap3A_716] {strides = array<i32>} : memref<800x64xf32, #tpu.memory_space<vmem>>, vector<1x16xf32>,
          %swap3A_718 = vector.shape_cast %swap3A_717 : vector<1x16xf32> to vector<16xf32>
          %swap3A_719 = vector.shape_cast %add3A_714 : vector<16xf32> to vector<1x16xf32>
          tpu.vector_store %arg9[%swap3A_715, %swap3A_716], %swap3A_719 {strides = array<i32>} : memref<800x64xf32, #tpu.memory_space<vmem>>, vector<1x16xf32>,
          %add3A_720 = arith.constant 600 : i32
          %add3A_721 = arith.addi %add3A_720, %scan3A_627 : i32
          %get3A_722 = arith.index_cast %add3A_721 : i32 to index
          %get3A_723 = arith.constant 16 : index
          %get3A_724 = tpu.vector_load %arg9[%get3A_722, %get3A_723] {strides = array<i32>} : memref<800x64xf32, #tpu.memory_space<vmem>>, vector<1x16xf32>,
          %get3A_725 = vector.shape_cast %get3A_724 : vector<1x16xf32> to vector<16xf32>
          %add3A_726 = arith.addf %get3A_725, %get3A_683 : vector<16xf32>
          %swap3A_727 = arith.index_cast %add3A_721 : i32 to index
          %swap3A_728 = arith.constant 16 : index
          %swap3A_729 = tpu.vector_load %arg9[%swap3A_727, %swap3A_728] {strides = array<i32>} : memref<800x64xf32, #tpu.memory_space<vmem>>, vector<1x16xf32>,
          %swap3A_730 = vector.shape_cast %swap3A_729 : vector<1x16xf32> to vector<16xf32>
          %swap3A_731 = vector.shape_cast %add3A_726 : vector<16xf32> to vector<1x16xf32>
          tpu.vector_store %arg9[%swap3A_727, %swap3A_728], %swap3A_731 {strides = array<i32>} : memref<800x64xf32, #tpu.memory_space<vmem>>, vector<1x16xf32>,
          %get3A_732 = arith.index_cast %scan3A_627 : i32 to index
          %get3A_733 = arith.constant 32 : index
          %get3A_734 = tpu.vector_load %arg10[%get3A_732, %get3A_733] {strides = array<i32>} : memref<200x64xf32, #tpu.memory_space<vmem>>, vector<1x16xf32>,
          %get3A_735 = vector.shape_cast %get3A_734 : vector<1x16xf32> to vector<16xf32>
          %add3A_736 = arith.constant 0 : i32
          %add3A_737 = arith.addi %add3A_736, %scan3A_627 : i32
          %get3A_738 = arith.index_cast %add3A_737 : i32 to index
          %get3A_739 = arith.constant 32 : index
          %get3A_740 = tpu.vector_load %arg9[%get3A_738, %get3A_739] {strides = array<i32>} : memref<800x64xf32, #tpu.memory_space<vmem>>, vector<1x16xf32>,
          %get3A_741 = vector.shape_cast %get3A_740 : vector<1x16xf32> to vector<16xf32>
          %add3A_742 = arith.addf %get3A_741, %get3A_735 : vector<16xf32>
          %swap3A_743 = arith.index_cast %add3A_737 : i32 to index
          %swap3A_744 = arith.constant 32 : index
          %swap3A_745 = tpu.vector_load %arg9[%swap3A_743, %swap3A_744] {strides = array<i32>} : memref<800x64xf32, #tpu.memory_space<vmem>>, vector<1x16xf32>,
          %swap3A_746 = vector.shape_cast %swap3A_745 : vector<1x16xf32> to vector<16xf32>
          %swap3A_747 = vector.shape_cast %add3A_742 : vector<16xf32> to vector<1x16xf32>
          tpu.vector_store %arg9[%swap3A_743, %swap3A_744], %swap3A_747 {strides = array<i32>} : memref<800x64xf32, #tpu.memory_space<vmem>>, vector<1x16xf32>,
          %add3A_748 = arith.constant 200 : i32
          %add3A_749 = arith.addi %add3A_748, %scan3A_627 : i32
          %get3A_750 = arith.index_cast %add3A_749 : i32 to index
          %get3A_751 = arith.constant 32 : index
          %get3A_752 = tpu.vector_load %arg9[%get3A_750, %get3A_751] {strides = array<i32>} : memref<800x64xf32, #tpu.memory_space<vmem>>, vector<1x16xf32>,
          %get3A_753 = vector.shape_cast %get3A_752 : vector<1x16xf32> to vector<16xf32>
          %add3A_754 = arith.addf %get3A_753, %get3A_735 : vector<16xf32>
          %swap3A_755 = arith.index_cast %add3A_749 : i32 to index
          %swap3A_756 = arith.constant 32 : index
          %swap3A_757 = tpu.vector_load %arg9[%swap3A_755, %swap3A_756] {strides = array<i32>} : memref<800x64xf32, #tpu.memory_space<vmem>>, vector<1x16xf32>,
          %swap3A_758 = vector.shape_cast %swap3A_757 : vector<1x16xf32> to vector<16xf32>
          %swap3A_759 = vector.shape_cast %add3A_754 : vector<16xf32> to vector<1x16xf32>
          tpu.vector_store %arg9[%swap3A_755, %swap3A_756], %swap3A_759 {strides = array<i32>} : memref<800x64xf32, #tpu.memory_space<vmem>>, vector<1x16xf32>,
          %add3A_760 = arith.constant 400 : i32
          %add3A_761 = arith.addi %add3A_760, %scan3A_627 : i32
          %get3A_762 = arith.index_cast %add3A_761 : i32 to index
          %get3A_763 = arith.constant 32 : index
          %get3A_764 = tpu.vector_load %arg9[%get3A_762, %get3A_763] {strides = array<i32>} : memref<800x64xf32, #tpu.memory_space<vmem>>, vector<1x16xf32>,
          %get3A_765 = vector.shape_cast %get3A_764 : vector<1x16xf32> to vector<16xf32>
          %add3A_766 = arith.addf %get3A_765, %get3A_735 : vector<16xf32>
          %swap3A_767 = arith.index_cast %add3A_761 : i32 to index
          %swap3A_768 = arith.constant 32 : index
          %swap3A_769 = tpu.vector_load %arg9[%swap3A_767, %swap3A_768] {strides = array<i32>} : memref<800x64xf32, #tpu.memory_space<vmem>>, vector<1x16xf32>,
          %swap3A_770 = vector.shape_cast %swap3A_769 : vector<1x16xf32> to vector<16xf32>
          %swap3A_771 = vector.shape_cast %add3A_766 : vector<16xf32> to vector<1x16xf32>
          tpu.vector_store %arg9[%swap3A_767, %swap3A_768], %swap3A_771 {strides = array<i32>} : memref<800x64xf32, #tpu.memory_space<vmem>>, vector<1x16xf32>,
          %add3A_772 = arith.constant 600 : i32
          %add3A_773 = arith.addi %add3A_772, %scan3A_627 : i32
          %get3A_774 = arith.index_cast %add3A_773 : i32 to index
          %get3A_775 = arith.constant 32 : index
          %get3A_776 = tpu.vector_load %arg9[%get3A_774, %get3A_775] {strides = array<i32>} : memref<800x64xf32, #tpu.memory_space<vmem>>, vector<1x16xf32>,
          %get3A_777 = vector.shape_cast %get3A_776 : vector<1x16xf32> to vector<16xf32>
          %add3A_778 = arith.addf %get3A_777, %get3A_735 : vector<16xf32>
          %swap3A_779 = arith.index_cast %add3A_773 : i32 to index
          %swap3A_780 = arith.constant 32 : index
          %swap3A_781 = tpu.vector_load %arg9[%swap3A_779, %swap3A_780] {strides = array<i32>} : memref<800x64xf32, #tpu.memory_space<vmem>>, vector<1x16xf32>,
          %swap3A_782 = vector.shape_cast %swap3A_781 : vector<1x16xf32> to vector<16xf32>
          %swap3A_783 = vector.shape_cast %add3A_778 : vector<16xf32> to vector<1x16xf32>
          tpu.vector_store %arg9[%swap3A_779, %swap3A_780], %swap3A_783 {strides = array<i32>} : memref<800x64xf32, #tpu.memory_space<vmem>>, vector<1x16xf32>,
          %get3A_784 = arith.index_cast %scan3A_627 : i32 to index
          %get3A_785 = arith.constant 48 : index
          %get3A_786 = tpu.vector_load %arg10[%get3A_784, %get3A_785] {strides = array<i32>} : memref<200x64xf32, #tpu.memory_space<vmem>>, vector<1x16xf32>,
          %get3A_787 = vector.shape_cast %get3A_786 : vector<1x16xf32> to vector<16xf32>
          %add3A_788 = arith.constant 0 : i32
          %add3A_789 = arith.addi %add3A_788, %scan3A_627 : i32
          %get3A_790 = arith.index_cast %add3A_789 : i32 to index
          %get3A_791 = arith.constant 48 : index
          %get3A_792 = tpu.vector_load %arg9[%get3A_790, %get3A_791] {strides = array<i32>} : memref<800x64xf32, #tpu.memory_space<vmem>>, vector<1x16xf32>,
          %get3A_793 = vector.shape_cast %get3A_792 : vector<1x16xf32> to vector<16xf32>
          %add3A_794 = arith.addf %get3A_793, %get3A_787 : vector<16xf32>
          %swap3A_795 = arith.index_cast %add3A_789 : i32 to index
          %swap3A_796 = arith.constant 48 : index
          %swap3A_797 = tpu.vector_load %arg9[%swap3A_795, %swap3A_796] {strides = array<i32>} : memref<800x64xf32, #tpu.memory_space<vmem>>, vector<1x16xf32>,
          %swap3A_798 = vector.shape_cast %swap3A_797 : vector<1x16xf32> to vector<16xf32>
          %swap3A_799 = vector.shape_cast %add3A_794 : vector<16xf32> to vector<1x16xf32>
          tpu.vector_store %arg9[%swap3A_795, %swap3A_796], %swap3A_799 {strides = array<i32>} : memref<800x64xf32, #tpu.memory_space<vmem>>, vector<1x16xf32>,
          %add3A_800 = arith.constant 200 : i32
          %add3A_801 = arith.addi %add3A_800, %scan3A_627 : i32
          %get3A_802 = arith.index_cast %add3A_801 : i32 to index
          %get3A_803 = arith.constant 48 : index
          %get3A_804 = tpu.vector_load %arg9[%get3A_802, %get3A_803] {strides = array<i32>} : memref<800x64xf32, #tpu.memory_space<vmem>>, vector<1x16xf32>,
          %get3A_805 = vector.shape_cast %get3A_804 : vector<1x16xf32> to vector<16xf32>
          %add3A_806 = arith.addf %get3A_805, %get3A_787 : vector<16xf32>
          %swap3A_807 = arith.index_cast %add3A_801 : i32 to index
          %swap3A_808 = arith.constant 48 : index
          %swap3A_809 = tpu.vector_load %arg9[%swap3A_807, %swap3A_808] {strides = array<i32>} : memref<800x64xf32, #tpu.memory_space<vmem>>, vector<1x16xf32>,
          %swap3A_810 = vector.shape_cast %swap3A_809 : vector<1x16xf32> to vector<16xf32>
          %swap3A_811 = vector.shape_cast %add3A_806 : vector<16xf32> to vector<1x16xf32>
          tpu.vector_store %arg9[%swap3A_807, %swap3A_808], %swap3A_811 {strides = array<i32>} : memref<800x64xf32, #tpu.memory_space<vmem>>, vector<1x16xf32>,
          %add3A_812 = arith.constant 400 : i32
          %add3A_813 = arith.addi %add3A_812, %scan3A_627 : i32
          %get3A_814 = arith.index_cast %add3A_813 : i32 to index
          %get3A_815 = arith.constant 48 : index
          %get3A_816 = tpu.vector_load %arg9[%get3A_814, %get3A_815] {strides = array<i32>} : memref<800x64xf32, #tpu.memory_space<vmem>>, vector<1x16xf32>,
          %get3A_817 = vector.shape_cast %get3A_816 : vector<1x16xf32> to vector<16xf32>
          %add3A_818 = arith.addf %get3A_817, %get3A_787 : vector<16xf32>
          %swap3A_819 = arith.index_cast %add3A_813 : i32 to index
          %swap3A_820 = arith.constant 48 : index
          %swap3A_821 = tpu.vector_load %arg9[%swap3A_819, %swap3A_820] {strides = array<i32>} : memref<800x64xf32, #tpu.memory_space<vmem>>, vector<1x16xf32>,
          %swap3A_822 = vector.shape_cast %swap3A_821 : vector<1x16xf32> to vector<16xf32>
          %swap3A_823 = vector.shape_cast %add3A_818 : vector<16xf32> to vector<1x16xf32>
          tpu.vector_store %arg9[%swap3A_819, %swap3A_820], %swap3A_823 {strides = array<i32>} : memref<800x64xf32, #tpu.memory_space<vmem>>, vector<1x16xf32>,
          %add3A_824 = arith.constant 600 : i32
          %add3A_825 = arith.addi %add3A_824, %scan3A_627 : i32
          %get3A_826 = arith.index_cast %add3A_825 : i32 to index
          %get3A_827 = arith.constant 48 : index
          %get3A_828 = tpu.vector_load %arg9[%get3A_826, %get3A_827] {strides = array<i32>} : memref<800x64xf32, #tpu.memory_space<vmem>>, vector<1x16xf32>,
          %get3A_829 = vector.shape_cast %get3A_828 : vector<1x16xf32> to vector<16xf32>
          %add3A_830 = arith.addf %get3A_829, %get3A_787 : vector<16xf32>
          %swap3A_831 = arith.index_cast %add3A_825 : i32 to index
          %swap3A_832 = arith.constant 48 : index
          %swap3A_833 = tpu.vector_load %arg9[%swap3A_831, %swap3A_832] {strides = array<i32>} : memref<800x64xf32, #tpu.memory_space<vmem>>, vector<1x16xf32>,
          %swap3A_834 = vector.shape_cast %swap3A_833 : vector<1x16xf32> to vector<16xf32>
          %swap3A_835 = vector.shape_cast %add3A_830 : vector<16xf32> to vector<1x16xf32>
          tpu.vector_store %arg9[%swap3A_831, %swap3A_832], %swap3A_835 {strides = array<i32>} : memref<800x64xf32, #tpu.memory_space<vmem>>, vector<1x16xf32>,
        }
        %scan3A_354 = arith.constant 200 : i32
        %add3A_355 = arith.constant 0 : i32
        %add3A_356 = arith.addi %multiple_of3A_348, %add3A_355 : i32
        %dma_start3A_357 = arith.constant 0 : i32
        %dma_start3A_358 = arith.constant 0 : i32
        %dma_start3A_359 = tpu.memref_slice %arg9[%dma_start3A_357, %dma_start3A_358] : memref<800x64xf32, #tpu.memory_space<vmem>> -> memref<200x64xf32, #tpu.memory_space<vmem>>
        %dma_start3A_360 = arith.constant 0 : i32
        %dma_start3A_361 = arith.constant 0 : i32
        %dma_start3A_362 = tpu.memref_slice %arg5[%add3A_356, %dma_start3A_360, %dma_start3A_361] : memref<4096x200x64xf32, #tpu.memory_space<hbm>> -> memref<1x200x64xf32, #tpu.memory_space<hbm>>
        %dma_start3A_363 = tpu.memref_squeeze %dma_start3A_362 : memref<1x200x64xf32, #tpu.memory_space<hbm>> -> memref<200x64xf32, #tpu.memory_space<hbm>>
        %dma_start3A_364 = arith.constant 0 : i32
        %dma_start3A_365 = arith.constant 0 : i32
        %dma_start3A_366 = tpu.memref_slice %arg5[%add3A_356, %dma_start3A_364, %dma_start3A_365] : memref<4096x200x64xf32, #tpu.memory_space<hbm>> -> memref<1x200x64xf32, #tpu.memory_space<hbm>>
        %dma_start3A_367 = tpu.memref_squeeze %dma_start3A_366 : memref<1x200x64xf32, #tpu.memory_space<hbm>> -> memref<200x64xf32, #tpu.memory_space<hbm>>
        %dma_start3A_368 = arith.constant 0 : i32
        %dma_start3A_369 = arith.constant 0 : i32
        %dma_start3A_370 = tpu.memref_slice %arg9[%dma_start3A_368, %dma_start3A_369] : memref<800x64xf32, #tpu.memory_space<vmem>> -> memref<200x64xf32, #tpu.memory_space<vmem>>
        tpu.enqueue_dma source(%dma_start3A_370 : memref<200x64xf32, #tpu.memory_space<vmem>>) target(%dma_start3A_367 : memref<200x64xf32, #tpu.memory_space<hbm>>) target_semaphore(%arg14 : memref<!tpu.dma_semaphore, #tpu.memory_space<semaphore_mem>>)
        %add3A_371 = arith.constant 1 : i32
        %add3A_372 = arith.addi %multiple_of3A_348, %add3A_371 : i32
        %dma_start3A_373 = arith.constant 200 : i32
        %dma_start3A_374 = arith.constant 0 : i32
        %dma_start3A_375 = tpu.memref_slice %arg9[%dma_start3A_373, %dma_start3A_374] : memref<800x64xf32, #tpu.memory_space<vmem>> -> memref<200x64xf32, #tpu.memory_space<vmem>>
        %dma_start3A_376 = arith.constant 0 : i32
        %dma_start3A_377 = arith.constant 0 : i32
        %dma_start3A_378 = tpu.memref_slice %arg5[%add3A_372, %dma_start3A_376, %dma_start3A_377] : memref<4096x200x64xf32, #tpu.memory_space<hbm>> -> memref<1x200x64xf32, #tpu.memory_space<hbm>>
        %dma_start3A_379 = tpu.memref_squeeze %dma_start3A_378 : memref<1x200x64xf32, #tpu.memory_space<hbm>> -> memref<200x64xf32, #tpu.memory_space<hbm>>
        %dma_start3A_380 = arith.constant 0 : i32
        %dma_start3A_381 = arith.constant 0 : i32
        %dma_start3A_382 = tpu.memref_slice %arg5[%add3A_372, %dma_start3A_380, %dma_start3A_381] : memref<4096x200x64xf32, #tpu.memory_space<hbm>> -> memref<1x200x64xf32, #tpu.memory_space<hbm>>
        %dma_start3A_383 = tpu.memref_squeeze %dma_start3A_382 : memref<1x200x64xf32, #tpu.memory_space<hbm>> -> memref<200x64xf32, #tpu.memory_space<hbm>>
        %dma_start3A_384 = arith.constant 200 : i32
        %dma_start3A_385 = arith.constant 0 : i32
        %dma_start3A_386 = tpu.memref_slice %arg9[%dma_start3A_384, %dma_start3A_385] : memref<800x64xf32, #tpu.memory_space<vmem>> -> memref<200x64xf32, #tpu.memory_space<vmem>>
        tpu.enqueue_dma source(%dma_start3A_386 : memref<200x64xf32, #tpu.memory_space<vmem>>) target(%dma_start3A_383 : memref<200x64xf32, #tpu.memory_space<hbm>>) target_semaphore(%arg14 : memref<!tpu.dma_semaphore, #tpu.memory_space<semaphore_mem>>)
        %add3A_387 = arith.constant 2 : i32
        %add3A_388 = arith.addi %multiple_of3A_348, %add3A_387 : i32
        %dma_start3A_389 = arith.constant 400 : i32
        %dma_start3A_390 = arith.constant 0 : i32
        %dma_start3A_391 = tpu.memref_slice %arg9[%dma_start3A_389, %dma_start3A_390] : memref<800x64xf32, #tpu.memory_space<vmem>> -> memref<200x64xf32, #tpu.memory_space<vmem>>
        %dma_start3A_392 = arith.constant 0 : i32
        %dma_start3A_393 = arith.constant 0 : i32
        %dma_start3A_394 = tpu.memref_slice %arg5[%add3A_388, %dma_start3A_392, %dma_start3A_393] : memref<4096x200x64xf32, #tpu.memory_space<hbm>> -> memref<1x200x64xf32, #tpu.memory_space<hbm>>
        %dma_start3A_395 = tpu.memref_squeeze %dma_start3A_394 : memref<1x200x64xf32, #tpu.memory_space<hbm>> -> memref<200x64xf32, #tpu.memory_space<hbm>>
        %dma_start3A_396 = arith.constant 0 : i32
        %dma_start3A_397 = arith.constant 0 : i32
        %dma_start3A_398 = tpu.memref_slice %arg5[%add3A_388, %dma_start3A_396, %dma_start3A_397] : memref<4096x200x64xf32, #tpu.memory_space<hbm>> -> memref<1x200x64xf32, #tpu.memory_space<hbm>>
        %dma_start3A_399 = tpu.memref_squeeze %dma_start3A_398 : memref<1x200x64xf32, #tpu.memory_space<hbm>> -> memref<200x64xf32, #tpu.memory_space<hbm>>
        %dma_start3A_400 = arith.constant 400 : i32
        %dma_start3A_401 = arith.constant 0 : i32
        %dma_start3A_402 = tpu.memref_slice %arg9[%dma_start3A_400, %dma_start3A_401] : memref<800x64xf32, #tpu.memory_space<vmem>> -> memref<200x64xf32, #tpu.memory_space<vmem>>
        tpu.enqueue_dma source(%dma_start3A_402 : memref<200x64xf32, #tpu.memory_space<vmem>>) target(%dma_start3A_399 : memref<200x64xf32, #tpu.memory_space<hbm>>) target_semaphore(%arg14 : memref<!tpu.dma_semaphore, #tpu.memory_space<semaphore_mem>>)
        %add3A_403 = arith.constant 3 : i32
        %add3A_404 = arith.addi %multiple_of3A_348, %add3A_403 : i32
        %dma_start3A_405 = arith.constant 600 : i32
        %dma_start3A_406 = arith.constant 0 : i32
        %dma_start3A_407 = tpu.memref_slice %arg9[%dma_start3A_405, %dma_start3A_406] : memref<800x64xf32, #tpu.memory_space<vmem>> -> memref<200x64xf32, #tpu.memory_space<vmem>>
        %dma_start3A_408 = arith.constant 0 : i32
        %dma_start3A_409 = arith.constant 0 : i32
        %dma_start3A_410 = tpu.memref_slice %arg5[%add3A_404, %dma_start3A_408, %dma_start3A_409] : memref<4096x200x64xf32, #tpu.memory_space<hbm>> -> memref<1x200x64xf32, #tpu.memory_space<hbm>>
        %dma_start3A_411 = tpu.memref_squeeze %dma_start3A_410 : memref<1x200x64xf32, #tpu.memory_space<hbm>> -> memref<200x64xf32, #tpu.memory_space<hbm>>
        %dma_start3A_412 = arith.constant 0 : i32
        %dma_start3A_413 = arith.constant 0 : i32
        %dma_start3A_414 = tpu.memref_slice %arg5[%add3A_404, %dma_start3A_412, %dma_start3A_413] : memref<4096x200x64xf32, #tpu.memory_space<hbm>> -> memref<1x200x64xf32, #tpu.memory_space<hbm>>
        %dma_start3A_415 = tpu.memref_squeeze %dma_start3A_414 : memref<1x200x64xf32, #tpu.memory_space<hbm>> -> memref<200x64xf32, #tpu.memory_space<hbm>>
        %dma_start3A_416 = arith.constant 600 : i32
        %dma_start3A_417 = arith.constant 0 : i32
        %dma_start3A_418 = tpu.memref_slice %arg9[%dma_start3A_416, %dma_start3A_417] : memref<800x64xf32, #tpu.memory_space<vmem>> -> memref<200x64xf32, #tpu.memory_space<vmem>>
        tpu.enqueue_dma source(%dma_start3A_418 : memref<200x64xf32, #tpu.memory_space<vmem>>) target(%dma_start3A_415 : memref<200x64xf32, #tpu.memory_space<hbm>>) target_semaphore(%arg14 : memref<!tpu.dma_semaphore, #tpu.memory_space<semaphore_mem>>)
      } else {
      }
    }
    %scan3A_88 = arith.constant 32 : i32
    %dma_wait3A = arith.constant 0 : i32
    %dma_wait3A_89 = arith.constant 0 : i32
    %dma_wait3A_90 = arith.constant 0 : i32
    %dma_wait3A_91 = tpu.memref_slice %arg8[%dma_wait3A_89, %dma_wait3A_90] : memref<800x64xf32, #tpu.memory_space<vmem>> -> memref<200x64xf32, #tpu.memory_space<vmem>>
    %dma_wait3A_92 = arith.constant 0 : i32
    %dma_wait3A_93 = arith.constant 0 : i32
    %dma_wait3A_94 = tpu.memref_slice %arg5[%dma_wait3A, %dma_wait3A_92, %dma_wait3A_93] : memref<4096x200x64xf32, #tpu.memory_space<hbm>> -> memref<1x200x64xf32, #tpu.memory_space<hbm>>
    %dma_wait3A_95 = tpu.memref_squeeze %dma_wait3A_94 : memref<1x200x64xf32, #tpu.memory_space<hbm>> -> memref<200x64xf32, #tpu.memory_space<hbm>>
    %dma_wait3A_96 = arith.constant 0 : i32
    %dma_wait3A_97 = arith.constant 0 : i32
    %dma_wait3A_98 = tpu.memref_slice %arg5[%dma_wait3A, %dma_wait3A_96, %dma_wait3A_97] : memref<4096x200x64xf32, #tpu.memory_space<hbm>> -> memref<1x200x64xf32, #tpu.memory_space<hbm>>
    %dma_wait3A_99 = tpu.memref_squeeze %dma_wait3A_98 : memref<1x200x64xf32, #tpu.memory_space<hbm>> -> memref<200x64xf32, #tpu.memory_space<hbm>>
    %dma_wait3A_100 = arith.constant 0 : i32
    %dma_wait3A_101 = arith.constant 0 : i32
    %dma_wait3A_102 = tpu.memref_slice %arg8[%dma_wait3A_100, %dma_wait3A_101] : memref<800x64xf32, #tpu.memory_space<vmem>> -> memref<200x64xf32, #tpu.memory_space<vmem>>
    tpu.wait_dma2 semaphore(%arg13 : memref<!tpu.dma_semaphore, #tpu.memory_space<semaphore_mem>>) src(%dma_wait3A_102 : memref<200x64xf32, #tpu.memory_space<vmem>>) dst(%dma_wait3A_99 : memref<200x64xf32, #tpu.memory_space<hbm>>)
    %dma_wait3A_103 = arith.constant 0 : i32
    %dma_wait3A_104 = arith.constant 200 : i32
    %dma_wait3A_105 = arith.constant 0 : i32
    %dma_wait3A_106 = tpu.memref_slice %arg8[%dma_wait3A_104, %dma_wait3A_105] : memref<800x64xf32, #tpu.memory_space<vmem>> -> memref<200x64xf32, #tpu.memory_space<vmem>>
    %dma_wait3A_107 = arith.constant 0 : i32
    %dma_wait3A_108 = arith.constant 0 : i32
    %dma_wait3A_109 = tpu.memref_slice %arg5[%dma_wait3A_103, %dma_wait3A_107, %dma_wait3A_108] : memref<4096x200x64xf32, #tpu.memory_space<hbm>> -> memref<1x200x64xf32, #tpu.memory_space<hbm>>
    %dma_wait3A_110 = tpu.memref_squeeze %dma_wait3A_109 : memref<1x200x64xf32, #tpu.memory_space<hbm>> -> memref<200x64xf32, #tpu.memory_space<hbm>>
    %dma_wait3A_111 = arith.constant 0 : i32
    %dma_wait3A_112 = arith.constant 0 : i32
    %dma_wait3A_113 = tpu.memref_slice %arg5[%dma_wait3A_103, %dma_wait3A_111, %dma_wait3A_112] : memref<4096x200x64xf32, #tpu.memory_space<hbm>> -> memref<1x200x64xf32, #tpu.memory_space<hbm>>
    %dma_wait3A_114 = tpu.memref_squeeze %dma_wait3A_113 : memref<1x200x64xf32, #tpu.memory_space<hbm>> -> memref<200x64xf32, #tpu.memory_space<hbm>>
    %dma_wait3A_115 = arith.constant 200 : i32
    %dma_wait3A_116 = arith.constant 0 : i32
    %dma_wait3A_117 = tpu.memref_slice %arg8[%dma_wait3A_115, %dma_wait3A_116] : memref<800x64xf32, #tpu.memory_space<vmem>> -> memref<200x64xf32, #tpu.memory_space<vmem>>
    tpu.wait_dma2 semaphore(%arg13 : memref<!tpu.dma_semaphore, #tpu.memory_space<semaphore_mem>>) src(%dma_wait3A_117 : memref<200x64xf32, #tpu.memory_space<vmem>>) dst(%dma_wait3A_114 : memref<200x64xf32, #tpu.memory_space<hbm>>)
    %dma_wait3A_118 = arith.constant 0 : i32
    %dma_wait3A_119 = arith.constant 400 : i32
    %dma_wait3A_120 = arith.constant 0 : i32
    %dma_wait3A_121 = tpu.memref_slice %arg8[%dma_wait3A_119, %dma_wait3A_120] : memref<800x64xf32, #tpu.memory_space<vmem>> -> memref<200x64xf32, #tpu.memory_space<vmem>>
    %dma_wait3A_122 = arith.constant 0 : i32
    %dma_wait3A_123 = arith.constant 0 : i32
    %dma_wait3A_124 = tpu.memref_slice %arg5[%dma_wait3A_118, %dma_wait3A_122, %dma_wait3A_123] : memref<4096x200x64xf32, #tpu.memory_space<hbm>> -> memref<1x200x64xf32, #tpu.memory_space<hbm>>
    %dma_wait3A_125 = tpu.memref_squeeze %dma_wait3A_124 : memref<1x200x64xf32, #tpu.memory_space<hbm>> -> memref<200x64xf32, #tpu.memory_space<hbm>>
    %dma_wait3A_126 = arith.constant 0 : i32
    %dma_wait3A_127 = arith.constant 0 : i32
    %dma_wait3A_128 = tpu.memref_slice %arg5[%dma_wait3A_118, %dma_wait3A_126, %dma_wait3A_127] : memref<4096x200x64xf32, #tpu.memory_space<hbm>> -> memref<1x200x64xf32, #tpu.memory_space<hbm>>
    %dma_wait3A_129 = tpu.memref_squeeze %dma_wait3A_128 : memref<1x200x64xf32, #tpu.memory_space<hbm>> -> memref<200x64xf32, #tpu.memory_space<hbm>>
    %dma_wait3A_130 = arith.constant 400 : i32
    %dma_wait3A_131 = arith.constant 0 : i32
    %dma_wait3A_132 = tpu.memref_slice %arg8[%dma_wait3A_130, %dma_wait3A_131] : memref<800x64xf32, #tpu.memory_space<vmem>> -> memref<200x64xf32, #tpu.memory_space<vmem>>
    tpu.wait_dma2 semaphore(%arg13 : memref<!tpu.dma_semaphore, #tpu.memory_space<semaphore_mem>>) src(%dma_wait3A_132 : memref<200x64xf32, #tpu.memory_space<vmem>>) dst(%dma_wait3A_129 : memref<200x64xf32, #tpu.memory_space<hbm>>)
    %dma_wait3A_133 = arith.constant 0 : i32
    %dma_wait3A_134 = arith.constant 600 : i32
    %dma_wait3A_135 = arith.constant 0 : i32
    %dma_wait3A_136 = tpu.memref_slice %arg8[%dma_wait3A_134, %dma_wait3A_135] : memref<800x64xf32, #tpu.memory_space<vmem>> -> memref<200x64xf32, #tpu.memory_space<vmem>>
    %dma_wait3A_137 = arith.constant 0 : i32
    %dma_wait3A_138 = arith.constant 0 : i32
    %dma_wait3A_139 = tpu.memref_slice %arg5[%dma_wait3A_133, %dma_wait3A_137, %dma_wait3A_138] : memref<4096x200x64xf32, #tpu.memory_space<hbm>> -> memref<1x200x64xf32, #tpu.memory_space<hbm>>
    %dma_wait3A_140 = tpu.memref_squeeze %dma_wait3A_139 : memref<1x200x64xf32, #tpu.memory_space<hbm>> -> memref<200x64xf32, #tpu.memory_space<hbm>>
    %dma_wait3A_141 = arith.constant 0 : i32
    %dma_wait3A_142 = arith.constant 0 : i32
    %dma_wait3A_143 = tpu.memref_slice %arg5[%dma_wait3A_133, %dma_wait3A_141, %dma_wait3A_142] : memref<4096x200x64xf32, #tpu.memory_space<hbm>> -> memref<1x200x64xf32, #tpu.memory_space<hbm>>
    %dma_wait3A_144 = tpu.memref_squeeze %dma_wait3A_143 : memref<1x200x64xf32, #tpu.memory_space<hbm>> -> memref<200x64xf32, #tpu.memory_space<hbm>>
    %dma_wait3A_145 = arith.constant 600 : i32
    %dma_wait3A_146 = arith.constant 0 : i32
    %dma_wait3A_147 = tpu.memref_slice %arg8[%dma_wait3A_145, %dma_wait3A_146] : memref<800x64xf32, #tpu.memory_space<vmem>> -> memref<200x64xf32, #tpu.memory_space<vmem>>
    tpu.wait_dma2 semaphore(%arg13 : memref<!tpu.dma_semaphore, #tpu.memory_space<semaphore_mem>>) src(%dma_wait3A_147 : memref<200x64xf32, #tpu.memory_space<vmem>>) dst(%dma_wait3A_144 : memref<200x64xf32, #tpu.memory_space<hbm>>)
    %dma_wait3A_148 = arith.constant 0 : i32
    %dma_wait3A_149 = arith.constant 0 : i32
    %dma_wait3A_150 = arith.constant 0 : i32
    %dma_wait3A_151 = tpu.memref_slice %arg9[%dma_wait3A_149, %dma_wait3A_150] : memref<800x64xf32, #tpu.memory_space<vmem>> -> memref<200x64xf32, #tpu.memory_space<vmem>>
    %dma_wait3A_152 = arith.constant 0 : i32
    %dma_wait3A_153 = arith.constant 0 : i32
    %dma_wait3A_154 = tpu.memref_slice %arg5[%dma_wait3A_148, %dma_wait3A_152, %dma_wait3A_153] : memref<4096x200x64xf32, #tpu.memory_space<hbm>> -> memref<1x200x64xf32, #tpu.memory_space<hbm>>
    %dma_wait3A_155 = tpu.memref_squeeze %dma_wait3A_154 : memref<1x200x64xf32, #tpu.memory_space<hbm>> -> memref<200x64xf32, #tpu.memory_space<hbm>>
    %dma_wait3A_156 = arith.constant 0 : i32
    %dma_wait3A_157 = arith.constant 0 : i32
    %dma_wait3A_158 = tpu.memref_slice %arg5[%dma_wait3A_148, %dma_wait3A_156, %dma_wait3A_157] : memref<4096x200x64xf32, #tpu.memory_space<hbm>> -> memref<1x200x64xf32, #tpu.memory_space<hbm>>
    %dma_wait3A_159 = tpu.memref_squeeze %dma_wait3A_158 : memref<1x200x64xf32, #tpu.memory_space<hbm>> -> memref<200x64xf32, #tpu.memory_space<hbm>>
    %dma_wait3A_160 = arith.constant 0 : i32
    %dma_wait3A_161 = arith.constant 0 : i32
    %dma_wait3A_162 = tpu.memref_slice %arg9[%dma_wait3A_160, %dma_wait3A_161] : memref<800x64xf32, #tpu.memory_space<vmem>> -> memref<200x64xf32, #tpu.memory_space<vmem>>
    tpu.wait_dma2 semaphore(%arg14 : memref<!tpu.dma_semaphore, #tpu.memory_space<semaphore_mem>>) src(%dma_wait3A_162 : memref<200x64xf32, #tpu.memory_space<vmem>>) dst(%dma_wait3A_159 : memref<200x64xf32, #tpu.memory_space<hbm>>)
    %dma_wait3A_163 = arith.constant 0 : i32
    %dma_wait3A_164 = arith.constant 200 : i32
    %dma_wait3A_165 = arith.constant 0 : i32
    %dma_wait3A_166 = tpu.memref_slice %arg9[%dma_wait3A_164, %dma_wait3A_165] : memref<800x64xf32, #tpu.memory_space<vmem>> -> memref<200x64xf32, #tpu.memory_space<vmem>>
    %dma_wait3A_167 = arith.constant 0 : i32
    %dma_wait3A_168 = arith.constant 0 : i32
    %dma_wait3A_169 = tpu.memref_slice %arg5[%dma_wait3A_163, %dma_wait3A_167, %dma_wait3A_168] : memref<4096x200x64xf32, #tpu.memory_space<hbm>> -> memref<1x200x64xf32, #tpu.memory_space<hbm>>
    %dma_wait3A_170 = tpu.memref_squeeze %dma_wait3A_169 : memref<1x200x64xf32, #tpu.memory_space<hbm>> -> memref<200x64xf32, #tpu.memory_space<hbm>>
    %dma_wait3A_171 = arith.constant 0 : i32
    %dma_wait3A_172 = arith.constant 0 : i32
    %dma_wait3A_173 = tpu.memref_slice %arg5[%dma_wait3A_163, %dma_wait3A_171, %dma_wait3A_172] : memref<4096x200x64xf32, #tpu.memory_space<hbm>> -> memref<1x200x64xf32, #tpu.memory_space<hbm>>
    %dma_wait3A_174 = tpu.memref_squeeze %dma_wait3A_173 : memref<1x200x64xf32, #tpu.memory_space<hbm>> -> memref<200x64xf32, #tpu.memory_space<hbm>>
    %dma_wait3A_175 = arith.constant 200 : i32
    %dma_wait3A_176 = arith.constant 0 : i32
    %dma_wait3A_177 = tpu.memref_slice %arg9[%dma_wait3A_175, %dma_wait3A_176] : memref<800x64xf32, #tpu.memory_space<vmem>> -> memref<200x64xf32, #tpu.memory_space<vmem>>
    tpu.wait_dma2 semaphore(%arg14 : memref<!tpu.dma_semaphore, #tpu.memory_space<semaphore_mem>>) src(%dma_wait3A_177 : memref<200x64xf32, #tpu.memory_space<vmem>>) dst(%dma_wait3A_174 : memref<200x64xf32, #tpu.memory_space<hbm>>)
    %dma_wait3A_178 = arith.constant 0 : i32
    %dma_wait3A_179 = arith.constant 400 : i32
    %dma_wait3A_180 = arith.constant 0 : i32
    %dma_wait3A_181 = tpu.memref_slice %arg9[%dma_wait3A_179, %dma_wait3A_180] : memref<800x64xf32, #tpu.memory_space<vmem>> -> memref<200x64xf32, #tpu.memory_space<vmem>>
    %dma_wait3A_182 = arith.constant 0 : i32
    %dma_wait3A_183 = arith.constant 0 : i32
    %dma_wait3A_184 = tpu.memref_slice %arg5[%dma_wait3A_178, %dma_wait3A_182, %dma_wait3A_183] : memref<4096x200x64xf32, #tpu.memory_space<hbm>> -> memref<1x200x64xf32, #tpu.memory_space<hbm>>
    %dma_wait3A_185 = tpu.memref_squeeze %dma_wait3A_184 : memref<1x200x64xf32, #tpu.memory_space<hbm>> -> memref<200x64xf32, #tpu.memory_space<hbm>>
    %dma_wait3A_186 = arith.constant 0 : i32
    %dma_wait3A_187 = arith.constant 0 : i32
    %dma_wait3A_188 = tpu.memref_slice %arg5[%dma_wait3A_178, %dma_wait3A_186, %dma_wait3A_187] : memref<4096x200x64xf32, #tpu.memory_space<hbm>> -> memref<1x200x64xf32, #tpu.memory_space<hbm>>
    %dma_wait3A_189 = tpu.memref_squeeze %dma_wait3A_188 : memref<1x200x64xf32, #tpu.memory_space<hbm>> -> memref<200x64xf32, #tpu.memory_space<hbm>>
    %dma_wait3A_190 = arith.constant 400 : i32
    %dma_wait3A_191 = arith.constant 0 : i32
    %dma_wait3A_192 = tpu.memref_slice %arg9[%dma_wait3A_190, %dma_wait3A_191] : memref<800x64xf32, #tpu.memory_space<vmem>> -> memref<200x64xf32, #tpu.memory_space<vmem>>
    tpu.wait_dma2 semaphore(%arg14 : memref<!tpu.dma_semaphore, #tpu.memory_space<semaphore_mem>>) src(%dma_wait3A_192 : memref<200x64xf32, #tpu.memory_space<vmem>>) dst(%dma_wait3A_189 : memref<200x64xf32, #tpu.memory_space<hbm>>)
    %dma_wait3A_193 = arith.constant 0 : i32
    %dma_wait3A_194 = arith.constant 600 : i32
    %dma_wait3A_195 = arith.constant 0 : i32
    %dma_wait3A_196 = tpu.memref_slice %arg9[%dma_wait3A_194, %dma_wait3A_195] : memref<800x64xf32, #tpu.memory_space<vmem>> -> memref<200x64xf32, #tpu.memory_space<vmem>>
    %dma_wait3A_197 = arith.constant 0 : i32
    %dma_wait3A_198 = arith.constant 0 : i32
    %dma_wait3A_199 = tpu.memref_slice %arg5[%dma_wait3A_193, %dma_wait3A_197, %dma_wait3A_198] : memref<4096x200x64xf32, #tpu.memory_space<hbm>> -> memref<1x200x64xf32, #tpu.memory_space<hbm>>
    %dma_wait3A_200 = tpu.memref_squeeze %dma_wait3A_199 : memref<1x200x64xf32, #tpu.memory_space<hbm>> -> memref<200x64xf32, #tpu.memory_space<hbm>>
    %dma_wait3A_201 = arith.constant 0 : i32
    %dma_wait3A_202 = arith.constant 0 : i32
    %dma_wait3A_203 = tpu.memref_slice %arg5[%dma_wait3A_193, %dma_wait3A_201, %dma_wait3A_202] : memref<4096x200x64xf32, #tpu.memory_space<hbm>> -> memref<1x200x64xf32, #tpu.memory_space<hbm>>
    %dma_wait3A_204 = tpu.memref_squeeze %dma_wait3A_203 : memref<1x200x64xf32, #tpu.memory_space<hbm>> -> memref<200x64xf32, #tpu.memory_space<hbm>>
    %dma_wait3A_205 = arith.constant 600 : i32
    %dma_wait3A_206 = arith.constant 0 : i32
    %dma_wait3A_207 = tpu.memref_slice %arg9[%dma_wait3A_205, %dma_wait3A_206] : memref<800x64xf32, #tpu.memory_space<vmem>> -> memref<200x64xf32, #tpu.memory_space<vmem>>
    tpu.wait_dma2 semaphore(%arg14 : memref<!tpu.dma_semaphore, #tpu.memory_space<semaphore_mem>>) src(%dma_wait3A_207 : memref<200x64xf32, #tpu.memory_space<vmem>>) dst(%dma_wait3A_204 : memref<200x64xf32, #tpu.memory_space<hbm>>)
    return
  }
}

</mosaic_0001>

<sc_bundles>
// kernel: kernel.3.cloned.1.call-start
scs
__scs_entry_jumppad:
0x0: {  	(pc) =	sbr.rel $0x88, $3  }
0x1: {  	(tag) =	ssettag $0x0;
	lr =	simm.s32 $0x1  }
0x2: {  	[smem:$0x3F9E] =	sst lr;
	_ =	strace $0xD0000000  }
0x3: {  	_ = 	snop  }
0x4: {  	_ = 	snop  }
0x5: {  	_ = 	snop  }
0x6: {  	_ = 	snop  }
0x7: {  	_ = 	snop  }
__scs_overlays_trampoline_lowered:
0x8: {  	[smem:$0x3FAD] =	sst s0  }
0x9: {  	[smem:$0x3FAE] =	sst s1  }
0xa: {  	[smem:$0x3FAF] =	sst s2  }
0xb: {  	[smem:$0x3FB0] =	sst s3  }
0xc: {  	[smem:$0x3FB1] =	sst s4  }
0xd: {  	[smem:$0x3FB2] =	sst s5  }
0xe: {  	[smem:$0x3FB3] =	sst s6  }
0xf: {  	[smem:$0x3FB4] =	sst s7  }
0x10: {  	[smem:$0x3FB5] =	sst s8  }
0x11: {  	[smem:$0x3FB6] =	sst s9;
	s0 =	simm.s32 @!p0 $0x0  }
0x12: {  	s1 =	sld [smem:$0x3F9C];
	s0 =	simm.s32 @p0 $0x1  }
0x13: {  	[smem:$0x3FB7] =	sst s0;
	s0 =	simm.s32 @!p1 $0x0  }
0x14: {  	s2 =	sld [smem:$0x3F9B];
	s0 =	simm.s32 @p1 $0x1  }
0x15: {  	[smem:$0x3FB8] =	sst s0;
	s0 =	simm.s32 @!p2 $0x0  }
0x16: {  	s3 =	sld [smem:$0x3FDB];
	s0 =	simm.s32 @p2 $0x1  }
0x17: {  	s4 =	simm.s32 $0x1BF5;
	[smem:$0x3FBA] =	sst s0  }
0x18: {  	s0 =	sld [smem:$0x3F9D];
	_ =	swait.ge [sflag:s4], $0x0  }
0x19: {  	s7 =	sld [smem:$0x3F9E]  }
0x1a: {  	s8 =	sadd.s32 $0xFFFFE003, lr  }
0x1b: {  	s9 =	sadd.s32 $0xFFFFFEF7, lr;
	s5 =	simm.s32 $0xFFFFFFFF;
	p2 =	slt.u32 s8, $0xFFFFF086  }
0x1c: {  	p1 =	slt.u32 s9, $0xF7A;
	s5 =	simm.s32 @!p2 $0x0  }
0x1d: {  	s5 =	simm.s32 @p1 $0x1;
	p0 =	seq.s32 s7, s2  }
0x1e: {  	s7 =	smul.u32 @!p0 $0xF7A, s2;
	p2 =	seq.s32 @!p0 s5, $0x0  }
0x1f: {  	s9 =	smul.u32 $0xF7A, s1;
	s8 =	simm.s32 @!p0 $0x1BF5;
	p2 =	por !p2, p0  }
0x20: {  	[sflag:s8] =	ssyncset.s32 @!p0 $0xFFFFF086;
	s6 =	sadd.s32 @!p0 s3, s7;
	s7 =	simm.s32 @!p0 $0x108  }
0x21: {  	s3 =	sadd.s32 s3, s9;
	s6 =	sadd.s32 @!p0 $0x88, s6;
	s7 =	simm.s32 @p2 $0x1082  }
0x22: {  	[simem:s7], [sflag:s8] =	dma.local @!p0 [hbm:s6], $0xF7A  }
0x23: {  	s9 =	sor.u32 $0xD0000000, s2;
	s6 =	simm.s32 $0x108;
	_ =	swait.ge @!p0 [sflag:s8], $0x0  }
0x24: {  	s3 =	sadd.s32 $0x88, s3;
	s6 =	simm.s32 @!p1 $0x1082;
	[sflag:s4] =	ssyncset.s32 $0xFFFFF086  }
0x25: {  	[simem:s6], [sflag:s4] =	dma.local [hbm:s3], $0xF7A  }
0x26: {  	[smem:$0x3F9E] =	sst s1;
	(tag) =	ssettag s2;
	_ =	strace s9  }
0x27: {  	s1 =	sld [smem:$0x3FAE]  }
0x28: {  	s2 =	sld [smem:$0x3FAF]  }
0x29: {  	s4 =	sld [smem:$0x3FB1]  }
0x2a: {  	p0 =	seq.s32 s5, $0x0;
	s5 =	sld [smem:$0x3FB2]  }
0x2b: {  	s6 =	sld [smem:$0x3FB3]  }
0x2c: {  	s7 =	sld [smem:$0x3FB4]  }
0x2d: {  	s3 =	simm.s32 $0x108;
	s8 =	sld [smem:$0x3FB5]  }
0x2e: {  	s3 =	simm.s32 @!p0 $0x1082;
	s9 =	sld [smem:$0x3FB6]  }
0x2f: {  	lr =	sadd.s32 s0, s3;
	s0 =	sld [smem:$0x3FAD]  }
0x30: {  	s3 =	sld [smem:$0x3FB0]  }
0x31: {  	[smem:$0x3FB9] =	sst s10  }
0x32: {  	s10 =	sld [smem:$0x3FB7];
	_ =	sdelay $0x3  }
0x33: {  	p0 =	seq.s32 s10, $0x1;
	s10 =	sld [smem:$0x3FB9];
	_ =	sdelay $0x3  }
0x34: {  	[smem:$0x3FB9] =	sst s10  }
0x35: {  	s10 =	sld [smem:$0x3FB8];
	_ =	sdelay $0x3  }
0x36: {  	p1 =	seq.s32 s10, $0x1;
	s10 =	sld [smem:$0x3FB9];
	_ =	sdelay $0x3  }
0x37: {  	[smem:$0x3FB9] =	sst s10  }
0x38: {  	s10 =	sld [smem:$0x3FBA]  }
0x39: {  	_ = 	snop;
	(pc) =	sbr.ind lr, $3  }
0x3a: {  	_ = 	snop  }
0x3b: {  	_ = 	snop  }
0x3c: {  	p2 =	seq.s32 s10, $0x1;
	s10 =	sld [smem:$0x3FB9]  }
0x3d: {  	_ =	shalt  }
0x3e: {  	_ =	shalt  }
0x3f: {  	_ =	shalt  }
0x40: {  	_ =	shalt  }
0x41: {  	_ =	shalt  }
0x42: {  	_ =	shalt  }
0x43: {  	_ =	shalt  }
0x44: {  	_ =	shalt  }
0x45: {  	_ =	shalt  }
0x46: {  	_ =	shalt  }
0x47: {  	_ =	shalt  }
0x48: {  	_ =	shalt  }
0x49: {  	_ =	shalt  }
0x4a: {  	_ =	shalt  }
0x4b: {  	_ =	shalt  }
0x4c: {  	_ =	shalt  }
0x4d: {  	_ =	shalt  }
0x4e: {  	_ =	shalt  }
0x4f: {  	_ =	shalt  }
0x50: {  	_ =	shalt  }
0x51: {  	_ =	shalt  }
0x52: {  	_ =	shalt  }
0x53: {  	_ =	shalt  }
0x54: {  	_ =	shalt  }
0x55: {  	_ =	shalt  }
0x56: {  	_ =	shalt  }
0x57: {  	_ =	shalt  }
0x58: {  	_ =	shalt  }
0x59: {  	_ =	shalt  }
0x5a: {  	_ =	shalt  }
0x5b: {  	_ =	shalt  }
0x5c: {  	_ =	shalt  }
0x5d: {  	_ =	shalt  }
0x5e: {  	_ =	shalt  }
0x5f: {  	_ =	shalt  }
0x60: {  	_ =	shalt  }
0x61: {  	_ =	shalt  }
0x62: {  	_ =	shalt  }
0x63: {  	_ =	shalt  }
0x64: {  	_ =	shalt  }
0x65: {  	_ =	shalt  }
0x66: {  	_ =	shalt  }
0x67: {  	_ =	shalt  }
0x68: {  	_ =	shalt  }
0x69: {  	_ =	shalt  }
0x6a: {  	_ =	shalt  }
0x6b: {  	_ =	shalt  }
0x6c: {  	_ =	shalt  }
0x6d: {  	_ =	shalt  }
0x6e: {  	_ =	shalt  }
0x6f: {  	_ =	shalt  }
0x70: {  	_ =	shalt  }
0x71: {  	_ =	shalt  }
0x72: {  	_ =	shalt  }
0x73: {  	_ =	shalt  }
0x74: {  	_ =	shalt  }
0x75: {  	_ =	shalt  }
0x76: {  	_ =	shalt  }
0x77: {  	_ =	shalt  }
0x78: {  	_ =	shalt  }
0x79: {  	_ =	shalt  }
0x7a: {  	_ =	shalt  }
0x7b: {  	_ =	shalt  }
0x7c: {  	_ =	shalt  }
0x7d: {  	_ =	shalt  }
0x7e: {  	_ =	shalt  }
0x7f: {  	_ =	shalt  }
0x80: {  	_ =	shalt  }
0x81: {  	_ =	shalt  }
0x82: {  	_ =	shalt  }
0x83: {  	_ =	shalt  }
0x84: {  	_ =	shalt  }
0x85: {  	_ =	shalt  }
0x86: {  	_ =	shalt  }
0x87: {  	_ =	shalt  }
.Lfunc_end0:
.L_simem_size_0:
called_computation.1_lowered:
.L_overlay_start_0:
0x88: {  	s2 =	sld [smem:$0x3FD9]  }
0x89: {  	s3 =	sld [smem:$0x3FFE];
	_ =	sdelay $0x1  }
0x8a: {  	s1 =	srdreg.scid  }
0x8b: {  	s0 =	sand.u32 $0x1, s1  }
0x8c: {  	s17 =	sshll.u32 s0, $0xA;
	s2 =	sadd.s32 s3, s2  }
0x8d: {  	s2 =	sadd.s32 s2, s17  }
0x8e: {  	[smem:$0x3FC5] =	sst s2  }
0x8f: {  	_ = 	snop  }
0x90: {  	s2 =	sld [smem:$0x3FD0];
	(tm) =	ssettm $0x1  }
0x91: {  	s18 =	sld [smem:$0x3FFB];
	_ =	sdelay $0x3  }
0x92: {  	_ =	strace s18  }
0x93: {  	s3 =	sld [smem:$0x3FFC];
	_ =	sdelay $0x3  }
0x94: {  	_ =	strace s3  }
0x95: {  	s3 =	sld [smem:$0x3FFD];
	_ =	sdelay $0x3  }
0x96: {  	_ =	strace s3  }
0x97: {  	_ =	strace $0x8FFFFFFF  }
0x98: {  	s19 =	sld [smem:$0x3FDB];
	_ =	sdelay $0x1  }
0x99: {  	s4 =	simm.s32 $_scs_section_size  }
0x9a: {  	s5 =	simm.s32 $_size__tile_overlayer_lowered;
	s6 =	simm.s32 $_tile_overlayer_lowered  }
0x9b: {  	s22 =	simm.s32 $0x1BFF;
	s21 =	sshll.u32 s6, $0x1;
	s3 =	sadd.s32 s4, s19  }
0x9c: {  	s7 =	simm.s32 $0x0;
	s20 =	sshll.u32 s5, $0x1;
	s5 =	sadd.s32 s21, s3  }
0x9d: {  	[timem:s7], [sflag:s22] =	dma.local [hbm:s5], s20  }
0x9e: {  	_ =	swait.ge [sflag:s22], s20  }
0x9f: {  	s4 =	ssub.s32 $0x0, s20;
	[sflag:s22] =	ssyncset.done $0x0  }
0xa0: {  	[sflag:s22] =	ssyncadd.s32 s4;
	_ =	sdelay $0x1  }
0xa1: {  	s23 =	simm.s32 $0x1B8B  }
0xa2: {  	_ =	swait.ge [sflag:s23], $0x1  }
0xa3: {  	[sflag:s23] =	ssyncset.done $0x0  }
0xa4: {  	s25 =	simm.s32 $0x1B8E;
	s24 =	sld [smem:$0x3FFE];
	[sflag:s23] =	ssyncadd.s32 $0xFFFFFFFF  }
0xa5: {  	s26 =	simm.s32 $execute0_lowered;
	[smem:$0x3FD2] =	sst s25  }
0xa6: {  	s5 =	sshll.u32 s26, $0x1;
	_ =	strace $0x80000046;
	[dreg:$0x1] =	wrdreg $0xFFFFFFFF  }
0xa7: {  	s28 =	simm.s32 $_size_execute0_lowered;
	s3 =	sadd.s32 s3, s5;
	[dreg:$0x0] =	wrdreg $0x0  }
0xa8: {  	s5 =	sshll.u32 s28, $0x1;
	[dreg:$0x2] =	wrdreg s3  }
0xa9: {  	[dreg:$0x3] =	wrdreg s5  }
0xaa: {  	[dreg:$0x4] =	wrdreg $0xC0  }
0xab: {  	_ =	task [dreg:s7], $0x5FFFF  }
0xac: {  	[dreg:$0x1] =	wrdreg $0xFFFFFFFF  }
0xad: {  	[dreg:$0x0] =	wrdreg $0x60  }
0xae: {  	[dreg:$0x2] =	wrdreg s24  }
0xaf: {  	[dreg:$0x3] =	wrdreg s2  }
0xb0: {  	[dreg:$0x4] =	wrdreg $0x9  }
0xb1: {  	_ =	task.clear_ibuf [dreg:s7], $0x5FFFF;
	_ =	strace $0x90000046  }
0xb2: {  	s29 =	simm.s32 $0x9;
	_ =	strace $0x80000048  }
0xb3: {  	_ =	swait.ge [sflag:s29], $0x1  }
0xb4: {  	[sflag:s29] =	ssyncadd.s32 $0xFFFFFFFF  }
0xb5: {  	_ =	strace $0x90000048  }
0xb6: {  	_ =	sfence  }
0xb7: {  	s30 =	sld [smem:$0x0];
	_ =	sdelay $0x2  }
0xb8: {  	s31 =	sshll.u32 s1, $0xD;
	s1 =	sshrl.u32 s1, $0x2  }
0xb9: {  	s3 =	sand.u32 $0x4000, s31;
	s1 =	sadd.s32 s1, s30  }
0xba: {  	s0 =	sor.u32 s3, s0;
	s1 =	sshll.u32 s1, $0x11  }
0xbb: {  	s0 =	sor.u32 s1, s0  }
0xbc: {  	s0 =	sadd.s32 $0x8F2B, s0  }
0xbd: {  	[sflag:s0] =	ssyncadd.remote.s32 $0x1  }
0xbe: {  	_ =	sfence.sel $0xFFFF  }
0xbf: {  	[dreg:$0x0] =	wrdreg $0xFFFFFFFF;
	(pc) =	sbr.abs _section_cstart, $3  }
0xc0: {  	[dreg:$0x1] =	wrdreg $0xFFFFFFFF  }
0xc1: {  	_ =	task.clear_ibuf [dreg:s7], $0x2FFFF;
	_ =	strace $0x9FFFFFFF  }
0xc2: {  	(tm) =	ssettm $0x7FFFFFFF  }
0xc3: {  	_ =	shalt  }
tec
execute0_lowered:
.L_overlay_start_1:
0x0: {  	(tag) =	ssettag $0x1  }
0x1: {  	s0 =	rddreg [dreg:$0x0]  }
0x2: {  	s2 =	rddreg [dreg:$0x1]  }
0x3: {  	s1 =	srdreg.scid;
	s3 =	simm.s32 $0x0;
	s4 =	stileid.u32  }
0x4: {  	s12 =	simm.s32 $0x5;
	s13 =	simm.s32 $0x68;
	s14 =	simm.s32 $0x640  }
0x5: {  	s15 =	simm.s32 $0x60;
	s18 =	simm.s32 $0x3840;
	s22 =	simm.s32 $0x6A40  }
0x6: {  	s26 =	simm.s32 $0x9C40;
	s30 =	simm.s32 $0x2;
	s31 =	simm.s32 $0xCE40  }
0x7: {  	s11 =	simm.s32 $0x16440;
	s16 =	simm.s32 $0x3;
	s17 =	simm.s32 $0x4  }
0x8: {  	s19 =	simm.s32 $0x320;
	s10 =	simm.s32 $0x5E0;
	s20 =	simm.s32 $0x17E40  }
0x9: {  	s21 =	simm.s32 $0x1;
	s23 =	simm.s32 $0x0;
	s1 =	sand.u32 $0x1, s1  }
0xa: {  	[smem:$0x7FF] =	sst s3;
	s4 =	sshll.u32 s4, $0x8;
	s5 =	sshll.u32 s1, $0x7  }
0xb: {  	s6 =	sadd.s32 $0xF43000, s0;
	s1 =	ssub.s32 $0x2, s1;
	s4 =	sor.u32 s5, s4  }
.Ltmp0:
0xc: {  	s5 =	sadd.s32 $0xC00, s0;
	s7 =	sshrl.u32 s1, $0x1;
	(pc) =	sbr.rel .LBB2_1-.Ltmp0, $4  }
0xd: {  	s0 =	sadd.s32 $0x19C00, s0;
	s8 =	smul.u32 $0x19, s4;
	s28 =	ssub.s32 s1, s7  }
0xe: {  	_ =	strace $0x80000047;
	[dreg:$0x3] =	wrdreg s0;
	s0 =	smax.u32 s28, $0x1  }
0xf: {  	s9 =	sor.u32 $0x4, s4;
	s29 =	sadd.s32 s5, s8;
	[dreg:$0x5] =	wrdreg s0  }
0x10: {  	s1 =	simm.s32 $0x13240;
	s0 =	simm.s32 $0x10040;
	[dreg:$0x4] =	wrdreg s29  }
.LBB2_14:
0x11: {  	_ =	swait.ge [sflag:s16], $0x3200  }
0x12: {  	[sflag:s16] =	ssyncset.done $0x0  }
0x13: {  	[sflag:s16] =	ssyncadd.s32 $0xFFFFCE00  }
0x14: {  	_ =	swait.ge [sflag:s16], $0x3200  }
0x15: {  	[sflag:s16] =	ssyncset.done $0x0  }
0x16: {  	[sflag:s16] =	ssyncadd.s32 $0xFFFFCE00  }
0x17: {  	_ =	swait.ge [sflag:s16], $0x3200  }
0x18: {  	[sflag:s16] =	ssyncset.done $0x0  }
0x19: {  	[sflag:s16] =	ssyncadd.s32 $0xFFFFCE00  }
0x1a: {  	_ =	swait.ge [sflag:s16], $0x3200  }
0x1b: {  	[sflag:s16] =	ssyncset.done $0x0  }
0x1c: {  	[sflag:s16] =	ssyncadd.s32 $0xFFFFCE00  }
0x1d: {  	_ =	swait.ge [sflag:s17], $0x3200  }
0x1e: {  	[sflag:s17] =	ssyncset.done $0x0  }
0x1f: {  	[sflag:s17] =	ssyncadd.s32 $0xFFFFCE00  }
0x20: {  	_ =	swait.ge [sflag:s17], $0x3200  }
0x21: {  	[sflag:s17] =	ssyncset.done $0x0  }
0x22: {  	[sflag:s17] =	ssyncadd.s32 $0xFFFFCE00  }
0x23: {  	_ =	swait.ge [sflag:s17], $0x3200  }
0x24: {  	[sflag:s17] =	ssyncset.done $0x0  }
0x25: {  	[sflag:s17] =	ssyncadd.s32 $0xFFFFCE00  }
0x26: {  	_ =	swait.ge [sflag:s17], $0x3200  }
0x27: {  	s23 =	sadd.s32 $0x1, s23;
	s7 =	rddreg [dreg:$0x5]  }
0x28: {  	p0 =	sne.s32 s23, s7  }
.Ltmp1:
0x29: {  	_ = 	snop;
	(pc) =	sbr.rel @!p0 .LBB2_15-.Ltmp1, $3  }
0x2a: {  	_ =	sdelay $0x1  }
0x2b: {  	[sflag:s17] =	ssyncset.done $0x0  }
0x2c: {  	[sflag:s17] =	ssyncadd.s32 $0xFFFFCE00  }
.LBB2_1:
0x2d: {  	s7 =	rddreg [dreg:$0x3];
	s8 =	simm.s32 $0x19640  }
0x2e: {  	[tilespmem:s8], [sflag:$0x5] =	stream.linear.gather [hbm4b:s7+s3], $0x3200, $0x38;
	[tilespmem:$0x1C840] =	vst v63  }
0x2f: {  	_ =	swait.ge [sflag:s12], $0x3200  }
0x30: {  	[sflag:s12] =	ssyncset.done $0x0  }
0x31: {  	s29 =	rddreg [dreg:$0x4];
	[sflag:s12] =	ssyncadd.s32 $0xFFFFCE00  }
0x32: {  	[tilespmem:s3], [sflag:$0x5] =	stream.linear.gather [hbm4b:s29+s3], $0x320, $0x38;
	[tilespmem:$0x1C840] =	vst v63  }
0x33: {  	_ =	swait.ge [sflag:s12], $0x320  }
0x34: {  	[sflag:s12] =	ssyncset.done $0x0  }
0x35: {  	[sflag:s12] =	ssyncadd.s32 $0xFFFFFCE0  }
0x36: {  	[tilespmem:s14], [sflag:$0x1] =	stream.indirect.gather [hbm4b:s6+s13], $0x40, s3, s13, $0xb8;
	[tilespmem:$0x1C840] =	vst v63  }
0x37: {  	s8 =	simm.s32 $0x2040  }
0x38: {  	[tilespmem:s8], [sflag:$0x1] =	stream.indirect.gather [hbm4b:s6+s15], $0x40, s13, s15, $0xb8;
	[tilespmem:$0x1C840] =	vst v63  }
0x39: {  	s24 =	simm.s32 $0xC8  }
0x3a: {  	[tilespmem:s18], [sflag:$0x1] =	stream.indirect.gather [hbm4b:s6+s13], $0x40, s24, s13, $0xb8;
	[tilespmem:$0x1C840] =	vst v63  }
0x3b: {  	s25 =	simm.s32 $0x130;
	s28 =	simm.s32 $0x5240  }
0x3c: {  	[tilespmem:s28], [sflag:$0x1] =	stream.indirect.gather [hbm4b:s6+s15], $0x40, s25, s15, $0xb8;
	[tilespmem:$0x1C840] =	vst v63  }
0x3d: {  	s29 =	simm.s32 $0x190  }
0x3e: {  	[tilespmem:s22], [sflag:$0x1] =	stream.indirect.gather [hbm4b:s6+s13], $0x40, s29, s13, $0xb8;
	[tilespmem:$0x1C840] =	vst v63  }
0x3f: {  	s8 =	simm.s32 $0x1F8;
	s24 =	simm.s32 $0x8440  }
0x40: {  	[tilespmem:s24], [sflag:$0x1] =	stream.indirect.gather [hbm4b:s6+s15], $0x40, s8, s15, $0xb8;
	[tilespmem:$0x1C840] =	vst v63  }
.Ltmp2:
0x41: {  	_ = 	snop;
	(pc) =	sbr.rel .LBB2_2-.Ltmp2, $4  }
0x42: {  	s25 =	simm.s32 $0x258  }
0x43: {  	[tilespmem:s26], [sflag:$0x1] =	stream.indirect.gather [hbm4b:s6+s13], $0x40, s25, s13, $0xb8;
	[tilespmem:$0x1C840] =	vst v63  }
0x44: {  	s28 =	simm.s32 $0x2C0;
	s29 =	simm.s32 $0xB640;
	s24 =	simm.s32 $0x0  }
0x45: {  	[tilespmem:s29], [sflag:$0x1] =	stream.indirect.gather [hbm4b:s6+s15], $0x40, s28, s15, $0xb8;
	[tilespmem:$0x1C840] =	vst v63  }
.LBB2_13:
0x46: {  	s24 =	sadd.s32 $0x1, s24  }
0x47: {  	p0 =	sne.s32 s24, $0x20  }
.Ltmp3:
0x48: {  	_ = 	snop;
	(pc) =	sbr.rel @!p0 .LBB2_14-.Ltmp3, $1  }
0x49: {  	_ =	sdelay $0x3  }
.LBB2_2:
0x4a: {  	s25 =	sand.u32 $0x1, s24  }
0x4b: {  	p0 =	seq.s32 s25, $0x1  }
.Ltmp4:
0x4c: {  	_ = 	snop;
	(pc) =	sbr.rel @p0 .LBB2_10-.Ltmp4, $1  }
0x4d: {  	_ =	sdelay $0x3  }
0x4e: {  	p0 =	seq.s32 s24, $0x0  }
.Ltmp5:
0x4f: {  	_ = 	snop;
	(pc) =	sbr.rel @p0 .LBB2_6-.Ltmp5, $1  }
0x50: {  	_ =	sdelay $0x3  }
0x51: {  	p0 =	seq.s32 s24, $0x1F  }
.Ltmp6:
0x52: {  	_ = 	snop;
	(pc) =	sbr.rel @p0 .LBB2_7-.Ltmp6, $1  }
0x53: {  	_ =	sdelay $0x3  }
0x54: {  	_ =	swait.ge [sflag:s17], $0x3200  }
0x55: {  	[sflag:s17] =	ssyncset.done $0x0  }
0x56: {  	[sflag:s17] =	ssyncadd.s32 $0xFFFFCE00  }
0x57: {  	_ =	swait.ge [sflag:s17], $0x3200  }
0x58: {  	[sflag:s17] =	ssyncset.done $0x0  }
0x59: {  	[sflag:s17] =	ssyncadd.s32 $0xFFFFCE00  }
0x5a: {  	_ =	swait.ge [sflag:s17], $0x3200  }
0x5b: {  	[sflag:s17] =	ssyncset.done $0x0  }
0x5c: {  	[sflag:s17] =	ssyncadd.s32 $0xFFFFCE00  }
0x5d: {  	_ =	swait.ge [sflag:s17], $0x3200  }
0x5e: {  	[sflag:s17] =	ssyncset.done $0x0  }
0x5f: {  	[sflag:s17] =	ssyncadd.s32 $0xFFFFCE00  }
.LBB2_6:
0x60: {  	s7 =	sshll.u32 s24, $0x2  }
0x61: {  	s7 =	sadd.s32 s9, s7  }
0x62: {  	s7 =	smul.u32 $0x19, s7;
	_ =	sdelay $0x1  }
0x63: {  	s7 =	sadd.s32 s5, s7  }
0x64: {  	[tilespmem:s19], [sflag:$0x5] =	stream.linear.gather [hbm4b:s7+s3], $0x320, $0x38;
	[tilespmem:$0x1C840] =	vst v63  }
0x65: {  	_ =	swait.ge [sflag:s12], $0x320  }
0x66: {  	[sflag:s12] =	ssyncset.done $0x0  }
0x67: {  	[sflag:s12] =	ssyncadd.s32 $0xFFFFFCE0  }
0x68: {  	[tilespmem:s31], [sflag:$0x2] =	stream.indirect.gather [hbm4b:s6+s13], $0x40, s19, s13, $0xb8;
	[tilespmem:$0x1C840] =	vst v63  }
0x69: {  	s28 =	simm.s32 $0x388;
	s8 =	simm.s32 $0xE840  }
0x6a: {  	[tilespmem:s8], [sflag:$0x2] =	stream.indirect.gather [hbm4b:s6+s15], $0x40, s28, s15, $0xb8;
	[tilespmem:$0x1C840] =	vst v63  }
0x6b: {  	s29 =	simm.s32 $0x3E8  }
0x6c: {  	[tilespmem:s0], [sflag:$0x2] =	stream.indirect.gather [hbm4b:s6+s13], $0x40, s29, s13, $0xb8;
	[tilespmem:$0x1C840] =	vst v63  }
0x6d: {  	s8 =	simm.s32 $0x450;
	s28 =	simm.s32 $0x11A40  }
0x6e: {  	[tilespmem:s28], [sflag:$0x2] =	stream.indirect.gather [hbm4b:s6+s15], $0x40, s8, s15, $0xb8;
	[tilespmem:$0x1C840] =	vst v63  }
0x6f: {  	s29 =	simm.s32 $0x4B0  }
0x70: {  	[tilespmem:s1], [sflag:$0x2] =	stream.indirect.gather [hbm4b:s6+s13], $0x40, s29, s13, $0xb8;
	[tilespmem:$0x1C840] =	vst v63  }
0x71: {  	s8 =	simm.s32 $0x518;
	s28 =	simm.s32 $0x14C40  }
0x72: {  	[tilespmem:s28], [sflag:$0x2] =	stream.indirect.gather [hbm4b:s6+s15], $0x40, s8, s15, $0xb8;
	[tilespmem:$0x1C840] =	vst v63  }
0x73: {  	s29 =	simm.s32 $0x578  }
0x74: {  	[tilespmem:s11], [sflag:$0x2] =	stream.indirect.gather [hbm4b:s6+s13], $0x40, s29, s13, $0xb8;
	[tilespmem:$0x1C840] =	vst v63  }
0x75: {  	_ = 	snop  }
0x76: {  	[tilespmem:s20], [sflag:$0x2] =	stream.indirect.gather [hbm4b:s6+s15], $0x40, s10, s15, $0xb8;
	[tilespmem:$0x1C840] =	vst v63  }
.LBB2_7:
0x77: {  	_ =	swait.ge [sflag:s21], $0x1A00  }
0x78: {  	[sflag:s21] =	ssyncset.done $0x0  }
0x79: {  	[sflag:s21] =	ssyncadd.s32 $0xFFFFE600  }
0x7a: {  	_ =	swait.ge [sflag:s21], $0x1800  }
0x7b: {  	[sflag:s21] =	ssyncset.done $0x0  }
0x7c: {  	[sflag:s21] =	ssyncadd.s32 $0xFFFFE800  }
0x7d: {  	_ =	swait.ge [sflag:s21], $0x1A00  }
0x7e: {  	[sflag:s21] =	ssyncset.done $0x0  }
0x7f: {  	[sflag:s21] =	ssyncadd.s32 $0xFFFFE600  }
0x80: {  	_ =	swait.ge [sflag:s21], $0x1800  }
0x81: {  	[sflag:s21] =	ssyncset.done $0x0  }
0x82: {  	[sflag:s21] =	ssyncadd.s32 $0xFFFFE800  }
0x83: {  	_ =	swait.ge [sflag:s21], $0x1A00  }
0x84: {  	[sflag:s21] =	ssyncset.done $0x0  }
0x85: {  	[sflag:s21] =	ssyncadd.s32 $0xFFFFE600  }
0x86: {  	_ =	swait.ge [sflag:s21], $0x1800  }
0x87: {  	[sflag:s21] =	ssyncset.done $0x0  }
0x88: {  	[sflag:s21] =	ssyncadd.s32 $0xFFFFE800  }
0x89: {  	_ =	swait.ge [sflag:s21], $0x1A00  }
0x8a: {  	[sflag:s21] =	ssyncset.done $0x0  }
0x8b: {  	[sflag:s21] =	ssyncadd.s32 $0xFFFFE600  }
0x8c: {  	_ =	swait.ge [sflag:s21], $0x1800  }
0x8d: {  	[sflag:s21] =	ssyncset.done $0x0  }
0x8e: {  	s28 =	simm.s32 $0x0;
	[sflag:s21] =	ssyncadd.s32 $0xFFFFE800  }
0x8f: {  	v1 =	vld [tilespmem:s28+$0x19660]  }
0x90: {  	v2 =	vld [tilespmem:s28+$0x6AB0]  }
0x91: {  	v12 =	vld [tilespmem:s28+$0x9C50]  }
0x92: {  	v0 =	vld [tilespmem:s28+$0x196B0]  }
0x93: {  	v3 =	vld [tilespmem:s28+$0x6A40]  }
0x94: {  	v4 =	vld [tilespmem:s28+$0x6AA0]  }
0x95: {  	v5 =	vld [tilespmem:s28+$0x9C40]  }
0x96: {  	v6 =	vld [tilespmem:s28+$0x9C90]  }
0x97: {  	v9 =	vld [tilespmem:s28+$0x660]  }
0x98: {  	v7 =	vld [tilespmem:s28+$0x6A90]  }
0x99: {  	v8 =	vld [tilespmem:s28+$0x3890]  }
0x9a: {  	v11 =	vld [tilespmem:s28+$0x6A60];
	v2 =	vadd.f32 v2, v0  }
0x9b: {  	v13 =	vld [tilespmem:s28+$0x9C60]  }
0x9c: {  	v9 =	vadd.f32 v9, v1;
	[tilespmem:s28+$0x6AB0] =	vst v2;
	v2 =	vld [tilespmem:s28+$0x3860]  }
0x9d: {  	v14 =	vld [tilespmem:s28+$0x19670]  }
0x9e: {  	[tilespmem:s28+$0x660] =	vst v9;
	v9 =	vld [tilespmem:s28+$0x6A70]  }
0x9f: {  	v15 =	vld [tilespmem:s28+$0x670]  }
0xa0: {  	v10 =	vld [tilespmem:s28+$0x9CA0];
	v11 =	vadd.f32 v11, v1  }
0xa1: {  	v16 =	vld [tilespmem:s28+$0x3870];
	v2 =	vadd.f32 v2, v1  }
0xa2: {  	[tilespmem:s28+$0x6A60] =	vst v11;
	v11 =	vld [tilespmem:s28+$0x19680];
	v1 =	vadd.f32 v13, v1  }
0xa3: {  	v9 =	vadd.f32 v9, v14;
	[tilespmem:s28+$0x3860] =	vst v2;
	v2 =	vld [tilespmem:s28+$0x9C70]  }
0xa4: {  	[tilespmem:s28+$0x9C60] =	vst v1;
	v1 =	vadd.f32 v15, v14;
	v15 =	vld [tilespmem:s28+$0x3880]  }
0xa5: {  	[tilespmem:s28+$0x6A70] =	vst v9;
	v9 =	vld [tilespmem:s28+$0x19690]  }
0xa6: {  	v13 =	vld [tilespmem:s28+$0x680]  }
0xa7: {  	v16 =	vadd.f32 v16, v14;
	[tilespmem:s28+$0x670] =	vst v1;
	v1 =	vld [tilespmem:s28+$0x6A80]  }
0xa8: {  	v62 =	vld [tilespmem:s28+$0x9C80];
	v2 =	vadd.f32 v2, v14  }
0xa9: {  	v17 =	vld [tilespmem:s28+$0x640];
	[tilespmem:s28+$0x3870] =	vst v16;
	v15 =	vadd.f32 v15, v11  }
0xaa: {  	v18 =	vld [tilespmem:s28+$0x3840];
	v7 =	vadd.f32 v7, v9;
	[tilespmem:s28+$0x9C70] =	vst v2  }
0xab: {  	v14 =	vld [tilespmem:s28+$0x690];
	v2 =	vadd.f32 v13, v11;
	[tilespmem:s28+$0x3880] =	vst v15  }
0xac: {  	v13 =	vld [tilespmem:s28+$0x19640];
	v1 =	vadd.f32 v1, v11;
	[tilespmem:s28+$0x6A90] =	vst v7  }
0xad: {  	v63 =	vld [tilespmem:s28+$0x38A0];
	v6 =	vadd.f32 v6, v9;
	[tilespmem:s28+$0x680] =	vst v2  }
0xae: {  	v2 =	vadd.f32 v62, v11;
	[tilespmem:s28+$0x6A80] =	vst v1;
	v1 =	vld [tilespmem:s28+$0x196A0]  }
0xaf: {  	v15 =	vld [tilespmem:s28+$0x6A0];
	v7 =	vadd.f32 v8, v9;
	[tilespmem:s28+$0x9C90] =	vst v6  }
0xb0: {  	v8 =	vadd.f32 v14, v9;
	[tilespmem:s28+$0x9C80] =	vst v2;
	v2 =	vld [tilespmem:s28+$0x19650]  }
0xb1: {  	[tilespmem:s28+$0x3890] =	vst v7;
	v7 =	vld [tilespmem:s28+$0x650];
	v6 =	vadd.f32 v5, v13  }
0xb2: {  	v5 =	vld [tilespmem:s28+$0x3850];
	[tilespmem:s28+$0x690] =	vst v8;
	v3 =	vadd.f32 v3, v13;
	v14 =	vadd.f32 v18, v13  }
0xb3: {  	v9 =	vadd.f32 v17, v13;
	[tilespmem:s28+$0x9C40] =	vst v6;
	v6 =	vld [tilespmem:s28+$0x6A50];
	v8 =	vadd.f32 v4, v1  }
0xb4: {  	v11 =	vld [tilespmem:s28+$0x6B0];
	[tilespmem:s28+$0x6A40] =	vst v3;
	v3 =	vadd.f32 v10, v1;
	v10 =	vadd.f32 v15, v1  }
0xb5: {  	s29 =	simm.s32 $0x0;
	s7 =	simm.s32 $0x200;
	[tilespmem:s28+$0x3840] =	vst v14;
	v4 =	vadd.f32 v63, v1;
	v1 =	vadd.f32 v12, v2;
	v12 =	vld [tilespmem:s28+$0x38B0]  }
.LBB2_8:
0xb6: {  	s8 =	sshra.s32 s7, $0x2;
	s29 =	sadd.s32 $0x2, s29;
	[tilespmem:s28+$0x640] =	vst v9;
	v7 =	vadd.f32 v7, v2;
	v9 =	vld [tilespmem:s28+$0x9CB0]  }
0xb7: {  	v13 =	vld [tilespmem:s8+$0x19660];
	p0 =	slt.u32 s29, $0xC6;
	v5 =	vadd.f32 v5, v2;
	[tilespmem:s28+$0x9C50] =	vst v1  }
0xb8: {  	v14 =	vld [tilespmem:s8+$0x6AB0];
	v2 =	vadd.f32 v6, v2;
	[tilespmem:s28+$0x6AA0] =	vst v8  }
0xb9: {  	v1 =	vld [tilespmem:s8+$0x9C50];
	[tilespmem:s28+$0x6A0] =	vst v10;
	v6 =	vadd.f32 v11, v0  }
0xba: {  	v8 =	vld [tilespmem:s8+$0x196B0];
	[tilespmem:s28+$0x650] =	vst v7;
	v7 =	vadd.f32 v12, v0  }
0xbb: {  	v10 =	vld [tilespmem:s8+$0x6A40];
	[tilespmem:s28+$0x6B0] =	vst v6;
	v0 =	vadd.f32 v9, v0  }
0xbc: {  	v6 =	vld [tilespmem:s8+$0x6AA0];
	[tilespmem:s28+$0x9CA0] =	vst v3  }
0xbd: {  	v3 =	vld [tilespmem:s8+$0x9C40];
	[tilespmem:s28+$0x38B0] =	vst v7  }
0xbe: {  	v7 =	vld [tilespmem:s8+$0x9C90];
	[tilespmem:s28+$0x38A0] =	vst v4  }
0xbf: {  	v4 =	vld [tilespmem:s8+$0x6A90];
	v9 =	vadd.f32 v14, v8;
	[tilespmem:s28+$0x9CB0] =	vst v0;
	v0 =	vmov v8  }
0xc0: {  	v8 =	vld [tilespmem:s8+$0x3890];
	[tilespmem:s28+$0x3850] =	vst v5  }
0xc1: {  	v11 =	vld [tilespmem:s8+$0x9CA0];
	[tilespmem:s28+$0x6A50] =	vst v2;
	s28 =	smov.u32 s8  }
0xc2: {  	v2 =	vld [tilespmem:s28+$0x660];
	[tilespmem:s28+$0x6AB0] =	vst v9  }
0xc3: {  	v5 =	vld [tilespmem:s28+$0x3860]  }
0xc4: {  	v9 =	vld [tilespmem:s28+$0x6A60]  }
0xc5: {  	v12 =	vld [tilespmem:s28+$0x9C60]  }
0xc6: {  	v14 =	vld [tilespmem:s28+$0x19670]  }
0xc7: {  	v2 =	vadd.f32 v2, v13;
	v15 =	vld [tilespmem:s28+$0x670]  }
0xc8: {  	v5 =	vadd.f32 v5, v13;
	v16 =	vld [tilespmem:s28+$0x3870]  }
0xc9: {  	[tilespmem:s28+$0x660] =	vst v2;
	v2 =	vadd.f32 v9, v13;
	v9 =	vld [tilespmem:s28+$0x6A70]  }
0xca: {  	[tilespmem:s28+$0x3860] =	vst v5;
	v5 =	vadd.f32 v12, v13;
	v12 =	vld [tilespmem:s28+$0x9C70]  }
0xcb: {  	[tilespmem:s28+$0x6A60] =	vst v2;
	v2 =	vld [tilespmem:s28+$0x19680]  }
0xcc: {  	[tilespmem:s28+$0x9C60] =	vst v5;
	v5 =	vadd.f32 v15, v14;
	v13 =	vld [tilespmem:s28+$0x680]  }
0xcd: {  	v15 =	vadd.f32 v16, v14;
	v16 =	vld [tilespmem:s28+$0x3880]  }
0xce: {  	[tilespmem:s28+$0x670] =	vst v5;
	v5 =	vadd.f32 v9, v14;
	v9 =	vld [tilespmem:s28+$0x6A80]  }
0xcf: {  	[tilespmem:s28+$0x3870] =	vst v15;
	v12 =	vadd.f32 v12, v14;
	v14 =	vld [tilespmem:s28+$0x9C80]  }
0xd0: {  	[tilespmem:s28+$0x6A70] =	vst v5;
	v5 =	vld [tilespmem:s28+$0x19690]  }
0xd1: {  	[tilespmem:s28+$0x9C70] =	vst v12;
	v12 =	vadd.f32 v13, v2;
	v13 =	vld [tilespmem:s28+$0x690]  }
0xd2: {  	v15 =	vld [tilespmem:s28+$0x19640];
	v16 =	vadd.f32 v16, v2  }
0xd3: {  	v17 =	vld [tilespmem:s28+$0x640];
	[tilespmem:s28+$0x680] =	vst v12;
	v9 =	vadd.f32 v9, v2  }
0xd4: {  	v12 =	vld [tilespmem:s28+$0x3840];
	[tilespmem:s28+$0x3880] =	vst v16;
	v2 =	vadd.f32 v14, v2  }
0xd5: {  	[tilespmem:s28+$0x6A80] =	vst v9;
	v8 =	vadd.f32 v8, v5;
	v4 =	vadd.f32 v4, v5;
	v14 =	vld [tilespmem:s28+$0x196A0]  }
0xd6: {  	[tilespmem:s28+$0x9C80] =	vst v2;
	v13 =	vadd.f32 v13, v5;
	v5 =	vadd.f32 v7, v5;
	v16 =	vld [tilespmem:s28+$0x6A0]  }
0xd7: {  	v18 =	vadd.f32 v10, v15;
	v10 =	vadd.f32 v3, v15;
	[tilespmem:s28+$0x6A90] =	vst v4;
	v4 =	vld [tilespmem:s28+$0x38A0]  }
0xd8: {  	v9 =	vadd.f32 v17, v15;
	v2 =	vld [tilespmem:s28+$0x19650];
	[tilespmem:s28+$0x3890] =	vst v8  }
.Ltmp7:
0xd9: {  	v12 =	vadd.f32 v12, v15;
	v7 =	vld [tilespmem:s28+$0x650];
	[tilespmem:s28+$0x9C90] =	vst v5;
	(pc) =	sbr.rel @p0 .LBB2_8-.Ltmp7, $4  }
0xda: {  	v5 =	vld [tilespmem:s28+$0x3850];
	[tilespmem:s28+$0x690] =	vst v13;
	v8 =	vadd.f32 v6, v14;
	v3 =	vadd.f32 v11, v14  }
0xdb: {  	[tilespmem:s28+$0x9C40] =	vst v10;
	v6 =	vld [tilespmem:s28+$0x6A50];
	v10 =	vadd.f32 v16, v14  }
0xdc: {  	[tilespmem:s28+$0x6A40] =	vst v18;
	v4 =	vadd.f32 v4, v14;
	v11 =	vld [tilespmem:s28+$0x6B0]  }
0xdd: {  	s7 =	sadd.s32 $0x200, s7;
	[tilespmem:s28+$0x3840] =	vst v12;
	v1 =	vadd.f32 v1, v2;
	v12 =	vld [tilespmem:s28+$0x38B0]  }
0xde: {  	[tilespmem:s28+$0x640] =	vst v9  }
0xdf: {  	[tilespmem:s28+$0x6AA0] =	vst v8  }
0xe0: {  	[tilespmem:s28+$0x6A0] =	vst v10  }
0xe1: {  	[tilespmem:s28+$0x9CA0] =	vst v3  }
0xe2: {  	v57 =	vld [tilespmem:s28+$0x9CB0];
	v58 =	vadd.f32 v7, v2;
	[tilespmem:s28+$0x38A0] =	vst v4  }
0xe3: {  	s7 =	sshll.u32 s24, $0x2;
	[tilespmem:s28+$0x9C50] =	vst v1;
	v62 =	vadd.f32 v5, v2  }
0xe4: {  	s7 =	sadd.s32 s4, s7;
	[tilespmem:s28+$0x650] =	vst v58;
	v63 =	vadd.f32 v6, v2  }
0xe5: {  	s8 =	smul.u32 $0x640, s7;
	v59 =	vadd.f32 v11, v0;
	[tilespmem:s28+$0x3850] =	vst v62  }
0xe6: {  	s7 =	smul.u32 $0x3200, s7;
	v60 =	vadd.f32 v12, v0;
	[tilespmem:s28+$0x6A50] =	vst v63  }
0xe7: {  	[tilespmem:s28+$0x6B0] =	vst v59;
	v61 =	vadd.f32 v57, v0  }
0xe8: {  	s7 =	sshrl.u32 s7, $0x3;
	[tilespmem:s28+$0x38B0] =	vst v60  }
0xe9: {  	s8 =	sadd.s32 s2, s8;
	s7 =	sadd.s32 s2, s7;
	[tilespmem:s28+$0x9CB0] =	vst v61  }
0xea: {  	[hbm4b:s8+s3] =	stream.linear.scatter [tilespmem:s14], [sflag:$0x3], $0x3200, $0x38;
	[tilespmem:$0x1C840] =	vst v63  }
0xeb: {  	p0 =	seq.s32 s25, $0x0;
	s28 =	sadd.s32 $0x640, s7  }
0xec: {  	[hbm4b:s28+s3] =	stream.linear.scatter [tilespmem:s18], [sflag:$0x3], $0x3200, $0x38;
	[tilespmem:$0x1C840] =	vst v63  }
.Ltmp8:
0xed: {  	_ = 	snop;
	(pc) =	sbr.rel @p0 .LBB2_13-.Ltmp8, $4  }
0xee: {  	s29 =	sadd.s32 $0xC80, s7  }
0xef: {  	[hbm4b:s29+s3] =	stream.linear.scatter [tilespmem:s22], [sflag:$0x3], $0x3200, $0x38;
	[tilespmem:$0x1C840] =	vst v63  }
0xf0: {  	s7 =	sadd.s32 $0x12C0, s7  }
0xf1: {  	[hbm4b:s7+s3] =	stream.linear.scatter [tilespmem:s26], [sflag:$0x3], $0x3200, $0x38;
	[tilespmem:$0x1C840] =	vst v63  }
.LBB2_10:
0xf2: {  	p0 =	seq.s32 s24, $0x1F  }
0xf3: {  	s7 =	simm.s32 @!p0 $0x3  }
0xf4: {  	_ =	swait.ge @!p0 [sflag:s7], $0x3200  }
0xf5: {  	[sflag:s7] =	ssyncset.done @!p0 $0x0  }
0xf6: {  	[sflag:s7] =	ssyncadd.s32 @!p0 $0xFFFFCE00  }
0xf7: {  	_ =	swait.ge @!p0 [sflag:s7], $0x3200  }
0xf8: {  	[sflag:s7] =	ssyncset.done @!p0 $0x0  }
0xf9: {  	[sflag:s7] =	ssyncadd.s32 @!p0 $0xFFFFCE00  }
0xfa: {  	_ =	swait.ge @!p0 [sflag:s7], $0x3200  }
0xfb: {  	s8 =	sshll.u32 @!p0 s24, $0x2;
	[sflag:s7] =	ssyncset.done @!p0 $0x0  }
0xfc: {  	s8 =	sadd.s32 @!p0 s8, s9;
	[sflag:s7] =	ssyncadd.s32 @!p0 $0xFFFFCE00  }
0xfd: {  	s8 =	smul.u32 @!p0 $0x19, s8;
	_ =	swait.ge @!p0 [sflag:s7], $0x3200  }
0xfe: {  	[sflag:s7] =	ssyncset.done @!p0 $0x0  }
0xff: {  	[sflag:s7] =	ssyncadd.s32 @!p0 $0xFFFFCE00;
	s7 =	sadd.s32 @!p0 s5, s8;
	s8 =	simm.s32 @!p0 $0x0  }
0x100: {  	[tilespmem:s8], [sflag:$0x5] =	stream.linear.gather @!p0 [hbm4b:s7+s8], $0x320, $0x38;
	[tilespmem:$0x1C840] =	vst v63  }
0x101: {  	s7 =	simm.s32 @!p0 $0x5  }
0x102: {  	_ =	swait.ge @!p0 [sflag:s7], $0x320  }
0x103: {  	[sflag:s7] =	ssyncset.done @!p0 $0x0  }
0x104: {  	s25 =	simm.s32 @!p0 $0x640;
	[sflag:s7] =	ssyncadd.s32 @!p0 $0xFFFFFCE0;
	s7 =	simm.s32 @!p0 $0x68  }
0x105: {  	[tilespmem:s25], [sflag:$0x1] =	stream.indirect.gather @!p0 [hbm4b:s6+s7], $0x40, s8, s7, $0xb8;
	[tilespmem:$0x1C840] =	vst v63  }
0x106: {  	s8 =	simm.s32 @!p0 $0x60;
	s25 =	simm.s32 @!p0 $0x2040  }
0x107: {  	[tilespmem:s25], [sflag:$0x1] =	stream.indirect.gather @!p0 [hbm4b:s6+s8], $0x40, s7, s8, $0xb8;
	[tilespmem:$0x1C840] =	vst v63  }
0x108: {  	s28 =	simm.s32 @!p0 $0x3840;
	s25 =	simm.s32 @!p0 $0xC8  }
0x109: {  	[tilespmem:s28], [sflag:$0x1] =	stream.indirect.gather @!p0 [hbm4b:s6+s7], $0x40, s25, s7, $0xb8;
	[tilespmem:$0x1C840] =	vst v63  }
0x10a: {  	s25 =	simm.s32 @!p0 $0x130;
	s28 =	simm.s32 @!p0 $0x5240  }
0x10b: {  	[tilespmem:s28], [sflag:$0x1] =	stream.indirect.gather @!p0 [hbm4b:s6+s8], $0x40, s25, s8, $0xb8;
	[tilespmem:$0x1C840] =	vst v63  }
0x10c: {  	s25 =	simm.s32 @!p0 $0x190;
	s28 =	simm.s32 @!p0 $0x6A40  }
0x10d: {  	[tilespmem:s28], [sflag:$0x1] =	stream.indirect.gather @!p0 [hbm4b:s6+s7], $0x40, s25, s7, $0xb8;
	[tilespmem:$0x1C840] =	vst v63  }
0x10e: {  	s25 =	simm.s32 @!p0 $0x1F8;
	s28 =	simm.s32 @!p0 $0x8440  }
0x10f: {  	[tilespmem:s28], [sflag:$0x1] =	stream.indirect.gather @!p0 [hbm4b:s6+s8], $0x40, s25, s8, $0xb8;
	[tilespmem:$0x1C840] =	vst v63  }
0x110: {  	s25 =	simm.s32 @!p0 $0x258;
	s28 =	simm.s32 @!p0 $0x9C40  }
0x111: {  	[tilespmem:s28], [sflag:$0x1] =	stream.indirect.gather @!p0 [hbm4b:s6+s7], $0x40, s25, s7, $0xb8;
	[tilespmem:$0x1C840] =	vst v63  }
0x112: {  	s7 =	simm.s32 @!p0 $0x2C0;
	s25 =	simm.s32 @!p0 $0xB640  }
0x113: {  	[tilespmem:s25], [sflag:$0x1] =	stream.indirect.gather @!p0 [hbm4b:s6+s8], $0x40, s7, s8, $0xb8;
	[tilespmem:$0x1C840] =	vst v63  }
0x114: {  	_ =	swait.ge [sflag:s30], $0x1A00  }
0x115: {  	[sflag:s30] =	ssyncset.done $0x0  }
0x116: {  	[sflag:s30] =	ssyncadd.s32 $0xFFFFE600  }
0x117: {  	_ =	swait.ge [sflag:s30], $0x1800  }
0x118: {  	[sflag:s30] =	ssyncset.done $0x0  }
0x119: {  	[sflag:s30] =	ssyncadd.s32 $0xFFFFE800  }
0x11a: {  	_ =	swait.ge [sflag:s30], $0x1A00  }
0x11b: {  	[sflag:s30] =	ssyncset.done $0x0  }
0x11c: {  	[sflag:s30] =	ssyncadd.s32 $0xFFFFE600  }
0x11d: {  	_ =	swait.ge [sflag:s30], $0x1800  }
0x11e: {  	[sflag:s30] =	ssyncset.done $0x0  }
0x11f: {  	[sflag:s30] =	ssyncadd.s32 $0xFFFFE800  }
0x120: {  	_ =	swait.ge [sflag:s30], $0x1A00  }
0x121: {  	[sflag:s30] =	ssyncset.done $0x0  }
0x122: {  	[sflag:s30] =	ssyncadd.s32 $0xFFFFE600  }
0x123: {  	_ =	swait.ge [sflag:s30], $0x1800  }
0x124: {  	[sflag:s30] =	ssyncset.done $0x0  }
0x125: {  	[sflag:s30] =	ssyncadd.s32 $0xFFFFE800  }
0x126: {  	_ =	swait.ge [sflag:s30], $0x1A00  }
0x127: {  	[sflag:s30] =	ssyncset.done $0x0  }
0x128: {  	[sflag:s30] =	ssyncadd.s32 $0xFFFFE600  }
0x129: {  	_ =	swait.ge [sflag:s30], $0x1800  }
0x12a: {  	[sflag:s30] =	ssyncset.done $0x0  }
0x12b: {  	s25 =	simm.s32 $0x0;
	[sflag:s30] =	ssyncadd.s32 $0xFFFFE800  }
0x12c: {  	v1 =	vld [tilespmem:s25+$0x19660]  }
0x12d: {  	v2 =	vld [tilespmem:s25+$0x132B0]  }
0x12e: {  	v12 =	vld [tilespmem:s25+$0x16450]  }
0x12f: {  	v0 =	vld [tilespmem:s25+$0x196B0]  }
0x130: {  	v3 =	vld [tilespmem:s25+$0x13240]  }
0x131: {  	v4 =	vld [tilespmem:s25+$0x132A0]  }
0x132: {  	v5 =	vld [tilespmem:s25+$0x16440]  }
0x133: {  	v6 =	vld [tilespmem:s25+$0x16490]  }
0x134: {  	v9 =	vld [tilespmem:s25+$0xCE60]  }
0x135: {  	v7 =	vld [tilespmem:s25+$0x13290]  }
0x136: {  	v8 =	vld [tilespmem:s25+$0x10090]  }
0x137: {  	v11 =	vld [tilespmem:s25+$0x13260];
	v2 =	vadd.f32 v2, v0  }
0x138: {  	v13 =	vld [tilespmem:s25+$0x16460]  }
0x139: {  	v9 =	vadd.f32 v9, v1;
	[tilespmem:s25+$0x132B0] =	vst v2;
	v2 =	vld [tilespmem:s25+$0x10060]  }
0x13a: {  	v14 =	vld [tilespmem:s25+$0x19670]  }
0x13b: {  	[tilespmem:s25+$0xCE60] =	vst v9;
	v9 =	vld [tilespmem:s25+$0x13270]  }
0x13c: {  	v15 =	vld [tilespmem:s25+$0xCE70]  }
0x13d: {  	v10 =	vld [tilespmem:s25+$0x164A0];
	v11 =	vadd.f32 v11, v1  }
0x13e: {  	v16 =	vld [tilespmem:s25+$0x10070];
	v2 =	vadd.f32 v2, v1  }
0x13f: {  	[tilespmem:s25+$0x13260] =	vst v11;
	v11 =	vld [tilespmem:s25+$0x19680];
	v1 =	vadd.f32 v13, v1  }
0x140: {  	v9 =	vadd.f32 v9, v14;
	[tilespmem:s25+$0x10060] =	vst v2;
	v2 =	vld [tilespmem:s25+$0x16470]  }
0x141: {  	[tilespmem:s25+$0x16460] =	vst v1;
	v1 =	vadd.f32 v15, v14;
	v15 =	vld [tilespmem:s25+$0x10080]  }
0x142: {  	[tilespmem:s25+$0x13270] =	vst v9;
	v9 =	vld [tilespmem:s25+$0x19690]  }
0x143: {  	v13 =	vld [tilespmem:s25+$0xCE80]  }
0x144: {  	v16 =	vadd.f32 v16, v14;
	[tilespmem:s25+$0xCE70] =	vst v1;
	v1 =	vld [tilespmem:s25+$0x13280]  }
0x145: {  	v62 =	vld [tilespmem:s25+$0x16480];
	v2 =	vadd.f32 v2, v14  }
0x146: {  	v17 =	vld [tilespmem:s25+$0xCE40];
	[tilespmem:s25+$0x10070] =	vst v16;
	v15 =	vadd.f32 v15, v11  }
0x147: {  	v18 =	vld [tilespmem:s25+$0x10040];
	v7 =	vadd.f32 v7, v9;
	[tilespmem:s25+$0x16470] =	vst v2  }
0x148: {  	v14 =	vld [tilespmem:s25+$0xCE90];
	v2 =	vadd.f32 v13, v11;
	[tilespmem:s25+$0x10080] =	vst v15  }
0x149: {  	v13 =	vld [tilespmem:s25+$0x19640];
	v1 =	vadd.f32 v1, v11;
	[tilespmem:s25+$0x13290] =	vst v7  }
0x14a: {  	v63 =	vld [tilespmem:s25+$0x100A0];
	v6 =	vadd.f32 v6, v9;
	[tilespmem:s25+$0xCE80] =	vst v2  }
0x14b: {  	v2 =	vadd.f32 v62, v11;
	[tilespmem:s25+$0x13280] =	vst v1;
	v1 =	vld [tilespmem:s25+$0x196A0]  }
0x14c: {  	v15 =	vld [tilespmem:s25+$0xCEA0];
	v7 =	vadd.f32 v8, v9;
	[tilespmem:s25+$0x16490] =	vst v6  }
0x14d: {  	v8 =	vadd.f32 v14, v9;
	[tilespmem:s25+$0x16480] =	vst v2;
	v2 =	vld [tilespmem:s25+$0x19650]  }
0x14e: {  	[tilespmem:s25+$0x10090] =	vst v7;
	v7 =	vld [tilespmem:s25+$0xCE50];
	v6 =	vadd.f32 v5, v13  }
0x14f: {  	v5 =	vld [tilespmem:s25+$0x10050];
	[tilespmem:s25+$0xCE90] =	vst v8;
	v3 =	vadd.f32 v3, v13;
	v14 =	vadd.f32 v18, v13  }
0x150: {  	v9 =	vadd.f32 v17, v13;
	[tilespmem:s25+$0x16440] =	vst v6;
	v6 =	vld [tilespmem:s25+$0x13250];
	v8 =	vadd.f32 v4, v1  }
0x151: {  	v11 =	vld [tilespmem:s25+$0xCEB0];
	[tilespmem:s25+$0x13240] =	vst v3;
	v3 =	vadd.f32 v10, v1;
	v10 =	vadd.f32 v15, v1  }
0x152: {  	s28 =	simm.s32 $0x0;
	s7 =	simm.s32 $0x200;
	[tilespmem:s25+$0x10040] =	vst v14;
	v4 =	vadd.f32 v63, v1;
	v1 =	vadd.f32 v12, v2;
	v12 =	vld [tilespmem:s25+$0x100B0]  }
.LBB2_11:
0x153: {  	s8 =	sshra.s32 s7, $0x2;
	s28 =	sadd.s32 $0x2, s28;
	[tilespmem:s25+$0xCE40] =	vst v9;
	v7 =	vadd.f32 v7, v2;
	v9 =	vld [tilespmem:s25+$0x164B0]  }
0x154: {  	v13 =	vld [tilespmem:s8+$0x19660];
	p0 =	slt.u32 s28, $0xC6;
	v5 =	vadd.f32 v5, v2;
	[tilespmem:s25+$0x16450] =	vst v1  }
0x155: {  	v14 =	vld [tilespmem:s8+$0x132B0];
	v2 =	vadd.f32 v6, v2;
	[tilespmem:s25+$0x132A0] =	vst v8  }
0x156: {  	v1 =	vld [tilespmem:s8+$0x16450];
	[tilespmem:s25+$0xCEA0] =	vst v10;
	v6 =	vadd.f32 v11, v0  }
0x157: {  	v8 =	vld [tilespmem:s8+$0x196B0];
	[tilespmem:s25+$0xCE50] =	vst v7;
	v7 =	vadd.f32 v12, v0  }
0x158: {  	v10 =	vld [tilespmem:s8+$0x13240];
	[tilespmem:s25+$0xCEB0] =	vst v6;
	v0 =	vadd.f32 v9, v0  }
0x159: {  	v6 =	vld [tilespmem:s8+$0x132A0];
	[tilespmem:s25+$0x164A0] =	vst v3  }
0x15a: {  	v3 =	vld [tilespmem:s8+$0x16440];
	[tilespmem:s25+$0x100B0] =	vst v7  }
0x15b: {  	v7 =	vld [tilespmem:s8+$0x16490];
	[tilespmem:s25+$0x100A0] =	vst v4  }
0x15c: {  	v4 =	vld [tilespmem:s8+$0x13290];
	v9 =	vadd.f32 v14, v8;
	[tilespmem:s25+$0x164B0] =	vst v0;
	v0 =	vmov v8  }
0x15d: {  	v8 =	vld [tilespmem:s8+$0x10090];
	[tilespmem:s25+$0x10050] =	vst v5  }
0x15e: {  	v11 =	vld [tilespmem:s8+$0x164A0];
	[tilespmem:s25+$0x13250] =	vst v2;
	s25 =	smov.u32 s8  }
0x15f: {  	v2 =	vld [tilespmem:s25+$0xCE60];
	[tilespmem:s25+$0x132B0] =	vst v9  }
0x160: {  	v5 =	vld [tilespmem:s25+$0x10060]  }
0x161: {  	v9 =	vld [tilespmem:s25+$0x13260]  }
0x162: {  	v12 =	vld [tilespmem:s25+$0x16460]  }
0x163: {  	v14 =	vld [tilespmem:s25+$0x19670]  }
0x164: {  	v2 =	vadd.f32 v2, v13;
	v15 =	vld [tilespmem:s25+$0xCE70]  }
0x165: {  	v5 =	vadd.f32 v5, v13;
	v16 =	vld [tilespmem:s25+$0x10070]  }
0x166: {  	[tilespmem:s25+$0xCE60] =	vst v2;
	v2 =	vadd.f32 v9, v13;
	v9 =	vld [tilespmem:s25+$0x13270]  }
0x167: {  	[tilespmem:s25+$0x10060] =	vst v5;
	v5 =	vadd.f32 v12, v13;
	v12 =	vld [tilespmem:s25+$0x16470]  }
0x168: {  	[tilespmem:s25+$0x13260] =	vst v2;
	v2 =	vld [tilespmem:s25+$0x19680]  }
0x169: {  	[tilespmem:s25+$0x16460] =	vst v5;
	v5 =	vadd.f32 v15, v14;
	v13 =	vld [tilespmem:s25+$0xCE80]  }
0x16a: {  	v15 =	vadd.f32 v16, v14;
	v16 =	vld [tilespmem:s25+$0x10080]  }
0x16b: {  	[tilespmem:s25+$0xCE70] =	vst v5;
	v5 =	vadd.f32 v9, v14;
	v9 =	vld [tilespmem:s25+$0x13280]  }
0x16c: {  	[tilespmem:s25+$0x10070] =	vst v15;
	v12 =	vadd.f32 v12, v14;
	v14 =	vld [tilespmem:s25+$0x16480]  }
0x16d: {  	[tilespmem:s25+$0x13270] =	vst v5;
	v5 =	vld [tilespmem:s25+$0x19690]  }
0x16e: {  	[tilespmem:s25+$0x16470] =	vst v12;
	v12 =	vadd.f32 v13, v2;
	v13 =	vld [tilespmem:s25+$0xCE90]  }
0x16f: {  	v15 =	vld [tilespmem:s25+$0x19640];
	v16 =	vadd.f32 v16, v2  }
0x170: {  	v17 =	vld [tilespmem:s25+$0xCE40];
	[tilespmem:s25+$0xCE80] =	vst v12;
	v9 =	vadd.f32 v9, v2  }
0x171: {  	v12 =	vld [tilespmem:s25+$0x10040];
	[tilespmem:s25+$0x10080] =	vst v16;
	v2 =	vadd.f32 v14, v2  }
0x172: {  	[tilespmem:s25+$0x13280] =	vst v9;
	v8 =	vadd.f32 v8, v5;
	v4 =	vadd.f32 v4, v5;
	v14 =	vld [tilespmem:s25+$0x196A0]  }
0x173: {  	[tilespmem:s25+$0x16480] =	vst v2;
	v13 =	vadd.f32 v13, v5;
	v5 =	vadd.f32 v7, v5;
	v16 =	vld [tilespmem:s25+$0xCEA0]  }
0x174: {  	v18 =	vadd.f32 v10, v15;
	v10 =	vadd.f32 v3, v15;
	[tilespmem:s25+$0x13290] =	vst v4;
	v4 =	vld [tilespmem:s25+$0x100A0]  }
0x175: {  	v9 =	vadd.f32 v17, v15;
	v2 =	vld [tilespmem:s25+$0x19650];
	[tilespmem:s25+$0x10090] =	vst v8  }
.Ltmp9:
0x176: {  	v12 =	vadd.f32 v12, v15;
	v7 =	vld [tilespmem:s25+$0xCE50];
	[tilespmem:s25+$0x16490] =	vst v5;
	(pc) =	sbr.rel @p0 .LBB2_11-.Ltmp9, $4  }
0x177: {  	v5 =	vld [tilespmem:s25+$0x10050];
	[tilespmem:s25+$0xCE90] =	vst v13;
	v8 =	vadd.f32 v6, v14;
	v3 =	vadd.f32 v11, v14  }
0x178: {  	[tilespmem:s25+$0x16440] =	vst v10;
	v6 =	vld [tilespmem:s25+$0x13250];
	v10 =	vadd.f32 v16, v14  }
0x179: {  	[tilespmem:s25+$0x13240] =	vst v18;
	v4 =	vadd.f32 v4, v14;
	v11 =	vld [tilespmem:s25+$0xCEB0]  }
0x17a: {  	s7 =	sadd.s32 $0x200, s7;
	[tilespmem:s25+$0x10040] =	vst v12;
	v1 =	vadd.f32 v1, v2;
	v12 =	vld [tilespmem:s25+$0x100B0]  }
0x17b: {  	[tilespmem:s25+$0xCE40] =	vst v9  }
0x17c: {  	[tilespmem:s25+$0x132A0] =	vst v8  }
0x17d: {  	[tilespmem:s25+$0xCEA0] =	vst v10  }
0x17e: {  	[tilespmem:s25+$0x164A0] =	vst v3  }
0x17f: {  	v57 =	vld [tilespmem:s25+$0x164B0];
	v58 =	vadd.f32 v7, v2;
	[tilespmem:s25+$0x100A0] =	vst v4  }
0x180: {  	s7 =	sshll.u32 s24, $0x2;
	[tilespmem:s25+$0x16450] =	vst v1;
	v62 =	vadd.f32 v5, v2  }
0x181: {  	s7 =	sadd.s32 s4, s7;
	[tilespmem:s25+$0xCE50] =	vst v58;
	v63 =	vadd.f32 v6, v2  }
0x182: {  	s8 =	smul.u32 $0x640, s7;
	v59 =	vadd.f32 v11, v0;
	[tilespmem:s25+$0x10050] =	vst v62  }
0x183: {  	s7 =	smul.u32 $0x3200, s7;
	v60 =	vadd.f32 v12, v0;
	[tilespmem:s25+$0x13250] =	vst v63  }
0x184: {  	[tilespmem:s25+$0xCEB0] =	vst v59;
	v61 =	vadd.f32 v57, v0  }
0x185: {  	s7 =	sshrl.u32 s7, $0x3;
	[tilespmem:s25+$0x100B0] =	vst v60  }
0x186: {  	s8 =	sadd.s32 s2, s8;
	s7 =	sadd.s32 s2, s7;
	[tilespmem:s25+$0x164B0] =	vst v61  }
0x187: {  	[hbm4b:s8+s3] =	stream.linear.scatter [tilespmem:s31], [sflag:$0x4], $0x3200, $0x38;
	[tilespmem:$0x1C840] =	vst v63  }
0x188: {  	s28 =	sadd.s32 $0x640, s7  }
0x189: {  	[hbm4b:s28+s3] =	stream.linear.scatter [tilespmem:s0], [sflag:$0x4], $0x3200, $0x38;
	[tilespmem:$0x1C840] =	vst v63  }
.Ltmp10:
0x18a: {  	_ = 	snop;
	(pc) =	sbr.rel .LBB2_13-.Ltmp10, $4  }
0x18b: {  	s29 =	sadd.s32 $0xC80, s7  }
0x18c: {  	[hbm4b:s29+s3] =	stream.linear.scatter [tilespmem:s1], [sflag:$0x4], $0x3200, $0x38;
	[tilespmem:$0x1C840] =	vst v63  }
0x18d: {  	s7 =	sadd.s32 $0x12C0, s7  }
0x18e: {  	[hbm4b:s7+s3] =	stream.linear.scatter [tilespmem:s11], [sflag:$0x4], $0x3200, $0x38;
	[tilespmem:$0x1C840] =	vst v63  }
.LBB2_15:
0x18f: {  	_ =	sfence.sel $0x180000  }
0x190: {  	[bflag:$0x0] =	sbarrier.arrive $0xFFFF  }
0x191: {  	_ =	strace $0x90000047  }
0x192: {  	s0 =	stileid.u32;
	[bflag:$0x2] =	sbarrier.arrive $0xFFFF  }
0x193: {  	p0 =	sne.s32 s0, $0x0;
	s0 =	rddreg [dreg:$0x2]  }
0x194: {  	s0 =	sadd.s32 @!p0 $0x100000, s0  }
0x195: {  	[sflag:s0] =	ssyncadd.tile.s32 @!p0 $0x1;
	_ =	shalt  }
.Lfunc_end2:
_tile_overlayer_lowered:
.L_overlay_start_2:
0x196: {  	(tag) =	ssettag $0x2  }
0x197: {  	s0 =	rddreg [dreg:$0x0];
	s2 =	stileid.u32  }
0x198: {  	s1 =	rddreg [dreg:$0x1];
	p0 =	sne.s32 s2, $0x0  }
0x199: {  	s3 =	rddreg [dreg:$0x2];
	[bflag:$0x3] =	sbarrier.arrive $0xFFFF;
	s2 =	simm.s32 @!p0 $0x1C05  }
0x19a: {  	[timem:s3], [sflag:s2] =	dma.local @!p0 [hbm:s0], s1  }
0x19b: {  	s0 =	simm.s32 @!p0 $0x5  }
0x19c: {  	_ =	swait.ge @!p0 [sflag:s0], s1  }
0x19d: {  	s1 =	ssub.s32 @!p0 $0x0, s1;
	[sflag:s0] =	ssyncset.done @!p0 $0x0  }
0x19e: {  	[sflag:s0] =	ssyncadd.s32 @!p0 s1  }
0x19f: {  	[bflag:$0x3] =	sbarrier.arrive $0xFFFF  }
0x1a0: {  	_ =	shalt  }

// kernel: sparse-core-data-format-call.cloned.1.call-start
scs
called_computation_lowered:
.L_overlay_start_0:
0x0: {  	s2 =	sld [smem:$0x3FD9]  }
0x1: {  	s3 =	sld [smem:$0x3FFE];
	_ =	sdelay $0x1  }
0x2: {  	s1 =	srdreg.scid  }
0x3: {  	s0 =	sand.u32 $0x1, s1  }
0x4: {  	s18 =	sshll.u32 s0, $0xA;
	s2 =	sadd.s32 s3, s2  }
0x5: {  	s2 =	sadd.s32 s2, s18  }
0x6: {  	[smem:$0x3FC5] =	sst s2  }
0x7: {  	_ = 	snop  }
0x8: {  	s2 =	sld [smem:$0x3FD0];
	(tm) =	ssettm $0x1  }
0x9: {  	s19 =	sld [smem:$0x3FFB];
	_ =	sdelay $0x3  }
0xa: {  	_ =	strace s19  }
0xb: {  	s3 =	sld [smem:$0x3FFC];
	_ =	sdelay $0x3  }
0xc: {  	_ =	strace s3  }
0xd: {  	s3 =	sld [smem:$0x3FFD];
	_ =	sdelay $0x3  }
0xe: {  	_ =	strace s3  }
0xf: {  	_ =	strace $0x8FFFFFFF  }
0x10: {  	s20 =	sld [smem:$0x3FDB];
	_ =	sdelay $0x1  }
0x11: {  	s4 =	simm.s32 $_scs_section_size  }
0x12: {  	s5 =	simm.s32 $_size__tile_overlayer_lowered;
	s6 =	simm.s32 $_tile_overlayer_lowered  }
0x13: {  	s23 =	simm.s32 $0x1BFF;
	s22 =	sshll.u32 s6, $0x1;
	s3 =	sadd.s32 s4, s20  }
0x14: {  	s7 =	simm.s32 $0x0;
	s21 =	sshll.u32 s5, $0x1;
	s5 =	sadd.s32 s22, s3  }
0x15: {  	[timem:s7], [sflag:s23] =	dma.local [hbm:s5], s21  }
0x16: {  	_ =	swait.ge [sflag:s23], s21  }
0x17: {  	s4 =	ssub.s32 $0x0, s21;
	[sflag:s23] =	ssyncset.done $0x0  }
0x18: {  	[sflag:s23] =	ssyncadd.s32 s4;
	_ =	sdelay $0x1  }
0x19: {  	s24 =	simm.s32 $0x1B8B  }
0x1a: {  	_ =	swait.ge [sflag:s24], $0x1  }
0x1b: {  	[sflag:s24] =	ssyncset.done $0x0  }
0x1c: {  	s26 =	simm.s32 $0x1B8E;
	s25 =	sld [smem:$0x3FFE];
	[sflag:s24] =	ssyncadd.s32 $0xFFFFFFFF  }
0x1d: {  	s27 =	simm.s32 $execute0_lowered;
	[smem:$0x3FD2] =	sst s26  }
0x1e: {  	s5 =	sshll.u32 s27, $0x1;
	_ =	strace $0x80000049;
	[dreg:$0x1] =	wrdreg $0xFFFFFFFF  }
0x1f: {  	s28 =	simm.s32 $_size_execute0_lowered;
	s3 =	sadd.s32 s3, s5;
	[dreg:$0x0] =	wrdreg $0x0  }
0x20: {  	s5 =	sshll.u32 s28, $0x1;
	[dreg:$0x2] =	wrdreg s3  }
0x21: {  	[dreg:$0x3] =	wrdreg s5  }
0x22: {  	[dreg:$0x4] =	wrdreg $0xC0  }
0x23: {  	_ =	task [dreg:s7], $0x5FFFF  }
0x24: {  	[dreg:$0x1] =	wrdreg $0xFFFFFFFF  }
0x25: {  	[dreg:$0x0] =	wrdreg $0x60  }
0x26: {  	[dreg:$0x2] =	wrdreg s25  }
0x27: {  	[dreg:$0x3] =	wrdreg s2  }
0x28: {  	[dreg:$0x4] =	wrdreg $0x9  }
0x29: {  	_ =	task.clear_ibuf [dreg:s7], $0x5FFFF;
	_ =	strace $0x90000049  }
0x2a: {  	s29 =	simm.s32 $0x9;
	_ =	strace $0x8000004B  }
0x2b: {  	_ =	swait.ge [sflag:s29], $0x1  }
0x2c: {  	[sflag:s29] =	ssyncadd.s32 $0xFFFFFFFF  }
0x2d: {  	_ =	strace $0x9000004B  }
0x2e: {  	_ =	sfence  }
0x2f: {  	s30 =	sld [smem:$0x0];
	_ =	sdelay $0x2  }
0x30: {  	s31 =	sshll.u32 s1, $0xD;
	s1 =	sshrl.u32 s1, $0x2  }
0x31: {  	s3 =	sand.u32 $0x4000, s31;
	s1 =	sadd.s32 s1, s30  }
0x32: {  	s0 =	sor.u32 s3, s0;
	s1 =	sshll.u32 s1, $0x11  }
0x33: {  	s0 =	sor.u32 s1, s0  }
0x34: {  	s0 =	sadd.s32 $0x8F2B, s0  }
0x35: {  	[sflag:s0] =	ssyncadd.remote.s32 $0x1  }
0x36: {  	_ =	sfence.sel $0xFFFF  }
0x37: {  	[dreg:$0x0] =	wrdreg $0xFFFFFFFF;
	(pc) =	sbr.abs _section_cstart, $3  }
0x38: {  	[dreg:$0x1] =	wrdreg $0xFFFFFFFF  }
0x39: {  	_ =	task.clear_ibuf [dreg:s7], $0x2FFFF;
	_ =	strace $0x9FFFFFFF  }
0x3a: {  	(tm) =	ssettm $0x7FFFFFFF  }
0x3b: {  	_ =	shalt  }
tec
execute0_lowered:
.L_overlay_start_1:
0x0: {  	(tag) =	ssettag $0x1  }
0x1: {  	s0 =	srdreg.scid  }
0x2: {  	s1 =	sshll.u32 s0, $0x4  }
0x3: {  	s0 =	stileid.u32;
	s1 =	sand.u32 $0x10, s1  }
0x4: {  	s1 =	sor.u32 s0, s1  }
0x5: {  	s6 =	rddreg [dreg:$0x0];
	s4 =	simm.s32 $0x1;
	s2 =	sshll.u32 s1, $0x7  }
0x6: {  	s7 =	simm.s32 $0x2;
	s12 =	simm.s32 $0x0;
	s1 =	ssub.s32 $0x1000, s2  }
0x7: {  	s8 =	simm.s32 $0x8000;
	s13 =	simm.s32 $0x0;
	s3 =	sand.u32 $0xF80, s1  }
0x8: {  	s9 =	simm.s32 $0x0;
	s5 =	sshrl.u32 s1, $0xC;
	p0 =	sne.s32 s3, $0x0  }
.Ltmp0:
0x9: {  	s1 =	rddreg [dreg:$0x2];
	s4 =	simm.s32 @!p0 $0x0;
	(pc) =	sbr.rel .LBB1_1-.Ltmp0, $4  }
0xa: {  	s11 =	simm.s32 $0x0;
	s3 =	rddreg [dreg:$0x1];
	s5 =	sadd.s32 s4, s5  }
0xb: {  	_ =	strace $0x8000004A;
	s4 =	simm.s32 $0x1;
	s5 =	smul.u32 $0xC8, s5  }
0xc: {  	s6 =	sadd.s32 $0xC00, s6;
	s10 =	smov.u32 s2;
	[sflag:s4] =	ssyncpa.u1 $0x0  }
0xd: {  	p0 =	por $0x0, $0x0;
	[sflag:s7] =	ssyncpa.u1 $0x0;
	s7 =	sor.u32 $0x1, s5  }
.LBB1_4:
0xe: {  	s16 =	sshll.u32 s13, $0x3;
	s17 =	sand.u32 $0x78, s13  }
0xf: {  	s30 =	sand.u32 $0x7E00, s13;
	s12 =	sshll.u32 s12, $0xF;
	s16 =	sand.u32 $0xC00, s16  }
0x10: {  	[tilespmem:s15+$0x810 ss:$0x81] =	vst.msk $0xffff, v2;
	s31 =	sand.u32 $0x7, s13;
	s16 =	sor.u32 s17, s16;
	s17 =	sadd.s32 s3, s30  }
0x11: {  	[tilespmem:s15+$0x1020 ss:$0x81] =	vst.msk $0xffff, v0;
	s13 =	sshll.u32 s31, $0x12;
	s12 =	sadd.s32 s12, s17;
	s16 =	sshrl.u32 s16, $0x3  }
0x12: {  	[tilespmem:s15+$0x0 ss:$0x81] =	vst.msk $0xffff, v1;
	s13 =	sor.u32 $0x400, s13;
	s12 =	sadd.s32 s16, s12  }
0x13: {  	[hbm4b:s12+s13] =	stream.strided.scatter [tilespmem:s14], [sflag:$0x2], $0x2000, s8, s13, $0x20;
	[tilespmem:$0x8080] =	vst v63  }
.LBB1_5:
0x14: {  	s14 =	sadd.s32 $0x1, s9  }
0x15: {  	s12 =	sadd.s32 $0x1000, s10;
	s16 =	smov.u32 s10;
	p2 =	sgt.s32 s14, $0xC7  }
0x16: {  	s16 =	smov.u32 @p2 s12  }
0x17: {  	s14 =	simm.s32 @p2 $0x0;
	p2 =	sgt.s32 s16, $0xFFF  }
0x18: {  	s16 =	smov.u32 @p2 s2;
	p2 =	sne.s32 s11, s7  }
.Ltmp1:
0x19: {  	p1 =	slt.u32 s11, $0x2;
	(pc) =	sbr.rel @!p2 .LBB1_6-.Ltmp1, $4  }
0x1a: {  	s15 =	simm.s32 @!p1 $0x2  }
0x1b: {  	s13 =	smov.u32 s10;
	p0 =	por !p0, !p0;
	_ =	swait.ge @!p1 [sflag:s15], $0x2000  }
0x1c: {  	s12 =	smov.u32 s9;
	[sflag:s15] =	ssyncset.done @!p1 $0x0;
	s9 =	smov.u32 s14  }
0x1d: {  	s11 =	sadd.s32 $0x1, s11;
	[sflag:s15] =	ssyncadd.s32 @!p1 $0xFFFFE000;
	s10 =	smov.u32 s16  }
.LBB1_1:
0x1e: {  	p1 =	sge.u32 s11, s5  }
0x1f: {  	s14 =	sand.u32 @!p1 $0x1FFFFFF, s9  }
0x20: {  	s15 =	smulhi.u32 @!p1 $0x147AE15, s14;
	_ =	sdelay $0x1  }
0x21: {  	s15 =	smul.u32 @!p1 $0xC8, s15  }
0x22: {  	s16 =	sxor.u32 @!p1 $0xFFFFFFFF, s11;
	s17 =	smul.u32 @!p1 $0xC80, s10  }
0x23: {  	s31 =	sadd.s32 $0xFFFFFFFF, s11;
	s16 =	sshll.u32 @!p1 s16, $0xD;
	s14 =	ssub.s32 @!p1 s14, s15  }
0x24: {  	s15 =	sand.u32 @!p1 $0x2000, s16;
	s16 =	sadd.s32 @!p1 s6, s17;
	s14 =	sshll.u32 @!p1 s14, $0x4  }
0x25: {  	s17 =	simm.s32 @!p1 $0x6400;
	s14 =	sadd.s32 @!p1 s14, s16;
	s16 =	simm.s32 @!p1 $0x40  }
0x26: {  	[tilespmem:s15], [sflag:$0x1] =	stream.strided.gather @!p1 [hbm4b:s14+s16], $0x2000, s17, s16, $0x38;
	[tilespmem:$0x8080] =	vst v63  }
0x27: {  	p1 =	sge.u32 s31, s5  }
.Ltmp2:
0x28: {  	_ = 	snop;
	(pc) =	sbr.rel @p1 .LBB1_5-.Ltmp2, $1  }
0x29: {  	_ =	sdelay $0x3  }
0x2a: {  	s14 =	simm.s32 $0x1  }
0x2b: {  	_ =	swait.ge [sflag:s4], $0x2000;
	s14 =	simm.s32 @!p0 $0x0  }
0x2c: {  	[sflag:s4] =	ssyncset.done $0x0;
	s15 =	sshll.u32 s14, $0xD  }
0x2d: {  	[sflag:s4] =	ssyncadd.s32 $0xFFFFE000;
	s18 =	sor.u32 $0x20, s15  }
0x2e: {  	s14 =	smul.u32 $0x8100, s14;
	v3 =	vld [tilespmem:s18+$0x10]  }
0x2f: {  	s30 =	sand.u32 $0x1, s11;
	v2 =	vld [tilespmem:s18+$0xFFFFFFF0]  }
0x30: {  	s15 =	smul.u32 $0x8100, s30;
	s14 =	sshrl.u32 s14, $0x2;
	v0 =	vld [tilespmem:s18+$0x0]  }
0x31: {  	v1 =	vld [tilespmem:s18+$0xFFFFFFE0];
	s16 =	sor.u32 $0x4000, s14  }
0x32: {  	s31 =	sshrl.u32 s15, $0x2;
	s15 =	sadd.s32 $0x0, s16  }
0x33: {  	s17 =	simm.s32 $0x4;
	s18 =	sadd.s32 $0x40, s18;
	s14 =	sor.u32 $0x4000, s31;
	[tilespmem:s15+$0x1830 ss:$0x81] =	vst.msk $0xffff, v3  }
.LBB1_3:
0x34: {  	v3 =	vld [tilespmem:s18+$0x10];
	p1 =	sne.s32 s17, $0x1FC;
	[tilespmem:s15+$0x810 ss:$0x81] =	vst.msk $0xffff, v2;
	s19 =	smov.u32 s17;
	s17 =	sadd.s32 $0x4, s17  }
.Ltmp3:
0x35: {  	v2 =	vld [tilespmem:s18+$0xFFFFFFF0];
	[tilespmem:s15+$0x1020 ss:$0x81] =	vst.msk $0xffff, v0;
	(pc) =	sbr.rel @p1 .LBB1_3-.Ltmp3, $4  }
0x36: {  	v0 =	vld [tilespmem:s18+$0x0];
	[tilespmem:s15+$0x0 ss:$0x81] =	vst.msk $0xffff, v1  }
0x37: {  	s15 =	sshra.s32 s19, $0x2;
	v1 =	vld [tilespmem:s18+$0xFFFFFFE0]  }
0x38: {  	s15 =	sadd.s32 s15, s16  }
0x39: {  	s18 =	sadd.s32 $0x40, s18;
	[tilespmem:s15+$0x1830 ss:$0x81] =	vst.msk $0xffff, v3  }
.Ltmp4:
0x3a: {  	_ = 	snop;
	(pc) =	sbr.rel .LBB1_4-.Ltmp4, $1  }
0x3b: {  	_ =	sdelay $0x3  }
.LBB1_6:
0x3c: {  	_ =	sfence.sel $0x180000  }
0x3d: {  	s2 =	simm.s32 $0x1;
	[bflag:$0x0] =	sbarrier.arrive $0xFFFF  }
0x3e: {  	s31 =	simm.s32 $0x2;
	[sflag:s2] =	ssyncpa.u1 $0x1  }
0x3f: {  	[sflag:s31] =	ssyncpa.u1 $0x1  }
0x40: {  	p0 =	sne.s32 s0, $0x0;
	_ =	strace $0x9000004A  }
0x41: {  	s0 =	sadd.s32 @!p0 $0x100000, s1;
	[bflag:$0x2] =	sbarrier.arrive $0xFFFF  }
0x42: {  	[sflag:s0] =	ssyncadd.tile.s32 @!p0 $0x1;
	_ =	shalt  }
.Lfunc_end1:
_tile_overlayer_lowered:
.L_overlay_start_2:
0x43: {  	(tag) =	ssettag $0x2  }
0x44: {  	s0 =	rddreg [dreg:$0x0];
	s2 =	stileid.u32  }
0x45: {  	s1 =	rddreg [dreg:$0x1];
	p0 =	sne.s32 s2, $0x0  }
0x46: {  	s3 =	rddreg [dreg:$0x2];
	[bflag:$0x3] =	sbarrier.arrive $0xFFFF;
	s2 =	simm.s32 @!p0 $0x1C01  }
0x47: {  	[timem:s3], [sflag:s2] =	dma.local @!p0 [hbm:s0], s1  }
0x48: {  	s0 =	simm.s32 @!p0 $0x1  }
0x49: {  	_ =	swait.ge @!p0 [sflag:s0], s1  }
0x4a: {  	s1 =	ssub.s32 @!p0 $0x0, s1;
	[sflag:s0] =	ssyncset.done @!p0 $0x0  }
0x4b: {  	[sflag:s0] =	ssyncadd.s32 @!p0 s1  }
0x4c: {  	[bflag:$0x3] =	sbarrier.arrive $0xFFFF  }
0x4d: {  	_ =	shalt  }

</sc_bundles>
